<compile_context>
chip_gen: v7x
topology: tpu7x:2x2x1
jax: 0.10.2.dev20260603
libtpu: 0.0.44.dev20260713+nightly
codegen_flags: <defaults>
</compile_context>

<pallas_src>
import functools

import jax
import jax.numpy as jnp
from jax import lax
from jax.experimental import pallas as pl
from jax.experimental.pallas import tpu as pltpu
from jax.experimental.pallas import tpu_sc as plsc

EPS = 1e-05
MU = 1.0
P_MIN, P_MAX = 0.0, 2.0

_CHUNK = 128
_NSUB = 16
_NQ = 4


def _round_up(x, m):
    return -(-x // m) * m


def _sc_segsum(table, qidx, dst, s_pad, n_pass, chunk=_CHUNK):
    n_chunks = qidx.shape[1]
    sl, ln = table.shape[1], table.shape[2]
    split = n_pass == 0
    if split:
        n_pass = 1
    ngroups = 2 * n_pass if not split else 2
    rpt = s_pad // _NSUB
    nfull, tail = divmod(rpt, _CHUNK)
    zeros = jnp.zeros((_CHUNK, sl, ln), jnp.float32)
    mesh = plsc.VectorSubcoreMesh(core_axis_name="c", subcore_axis_name="s")

    @functools.partial(
        pl.kernel,
        mesh=mesh,
        out_type=jax.ShapeDtypeStruct((ngroups, s_pad, sl, ln), jnp.float32),
        scratch_types=[
            pltpu.VMEM((2, chunk), jnp.int32),
            pltpu.VMEM((2, chunk), jnp.int32),
            pltpu.VMEM((chunk, sl, ln), jnp.float32),
            pltpu.VMEM((chunk, sl, ln), jnp.float32),
            pltpu.VMEM_SHARED((s_pad, sl, ln), jnp.float32),
            pltpu.SemaphoreType.DMA,
            pltpu.SemaphoreType.DMA,
            pltpu.SemaphoreType.DMA,
            pltpu.SemaphoreType.DMA,
        ],
    )
    def k(table_h, qidx_h, dst_h, zero_h, out_h,
          qidxb, dstb, rows0, rows1, acc, semg0, semg1, semi0, semi1):
        c = lax.axis_index("c")
        s = lax.axis_index("s")
        base = s * rpt
        rows = (rows0, rows1)
        semg = (semg0, semg1)
        semi = (semi0, semi1)
        for qi in range(n_pass):
            q = c * n_pass + qi
            if split:
                row = c * _NSUB + s
                drow = row
            else:
                row = q * _NSUB + s
                drow = s
            for z in range(nfull):
                pltpu.sync_copy(zero_h, acc.at[pl.ds(base + z * _CHUNK, _CHUNK)])
            if tail:
                pltpu.sync_copy(zero_h.at[pl.ds(0, tail)],
                                acc.at[pl.ds(base + nfull * _CHUNK, tail)])
            plsc.subcore_barrier()

            pltpu.sync_copy(qidx_h.at[row, 0], qidxb.at[0])
            pltpu.sync_copy(dst_h.at[drow, 0], dstb.at[0])
            pltpu.async_copy(table_h.at[qidxb.at[0]], rows0, semg0)
            pltpu.async_copy(qidx_h.at[row, 1], qidxb.at[1], semi1)
            pltpu.async_copy(dst_h.at[drow, 1], dstb.at[1], semi1)

            def body(g, carry):
                for bb in range(2):
                    j = 2 * g + bb
                    nb = 1 - bb

                    @pl.when(j + 1 < n_chunks)
                    def _():
                        pltpu.make_async_copy(qidx_h.at[row, j + 1],
                                              qidxb.at[nb], semi[nb]).wait()
                        pltpu.make_async_copy(dst_h.at[drow, j + 1],
                                              dstb.at[nb], semi[nb]).wait()
                        pltpu.async_copy(table_h.at[qidxb.at[nb]],
                                         rows[nb], semg[nb])

                    pltpu.make_async_copy(table_h.at[qidxb.at[bb]],
                                          rows[bb], semg[bb]).wait()
                    pltpu.sync_copy(rows[bb], acc.at[dstb.at[bb]], add=True)

                    @pl.when(j + 2 < n_chunks)
                    def _():
                        pltpu.async_copy(qidx_h.at[row, j + 2],
                                         qidxb.at[bb], semi[bb])
                        pltpu.async_copy(dst_h.at[drow, j + 2],
                                         dstb.at[bb], semi[bb])
                return carry

            lax.fori_loop(0, n_chunks // 2, body, 0)
            plsc.subcore_barrier()
            for z in range(nfull):
                pltpu.sync_copy(acc.at[pl.ds(base + z * _CHUNK, _CHUNK)],
                                out_h.at[q, pl.ds(base + z * _CHUNK, _CHUNK)])
            if tail:
                pltpu.sync_copy(acc.at[pl.ds(base + nfull * _CHUNK, tail)],
                                out_h.at[q, pl.ds(base + nfull * _CHUNK, tail)])
            plsc.subcore_barrier()

    return k(table, qidx, dst, zeros)


def _tc_project(X, W, b):
    n, cin = X.shape
    cout = W.shape[1]
    blk = 1000
    grid = n // blk

    def body(x_ref, w_ref, b_ref, xn_ref, mu_ref, mloc):
        i = pl.program_id(0)
        y = jnp.dot(x_ref[...], w_ref[...],
                    preferred_element_type=jnp.float32) + b_ref[...]
        mean = jnp.mean(y, axis=1, keepdims=True)
        var = jnp.mean((y - mean) ** 2, axis=1, keepdims=True)
        xn = (y - mean) / jnp.sqrt(var + EPS)
        xn_ref[...] = xn
        m = jnp.min(xn)

        @pl.when(i == 0)
        def _():
            mloc[0] = m

        @pl.when(i != 0)
        def _():
            mloc[0] = jnp.minimum(mloc[0], m)

        @pl.when(i == grid - 1)
        def _():
            mu_ref[0, 0] = mloc[0] - MU - EPS

    return pl.pallas_call(
        body,
        grid=(grid,),
        in_specs=[pl.BlockSpec((blk, cin), lambda i: (i, 0)),
                  pl.BlockSpec((cin, cout), lambda i: (0, 0)),
                  pl.BlockSpec((1, cout), lambda i: (0, 0))],
        out_specs=[pl.BlockSpec((blk, cout), lambda i: (i, 0)),
                   pl.BlockSpec(memory_space=pltpu.SMEM)],
        out_shape=[jax.ShapeDtypeStruct((n, cout), jnp.float32),
                   jax.ShapeDtypeStruct((1, 1), jnp.float32)],
        scratch_shapes=[pltpu.SMEM((1,), jnp.float32)],
    )(X, W, b.reshape(1, -1))


def _tc_pow_tables(xn, mu, p_param):
    n, c = xn.shape
    h = c // 2
    blk = 1000
    grid = n // blk

    def body(x_ref, m_ref, p_ref, out_ref):
        p = jnp.clip(p_ref[0, 0], P_MIN, P_MAX)
        u = x_ref[...] - m_ref[0, 0]
        t = jnp.exp(p * jnp.log(u))
        ut = u * t
        out_ref[0] = ut[:, :h]
        out_ref[1] = ut[:, h:]
        out_ref[2] = t[:, :h]
        out_ref[3] = t[:, h:]

    return pl.pallas_call(
        body,
        grid=(grid,),
        in_specs=[pl.BlockSpec((blk, c), lambda i: (i, 0)),
                  pl.BlockSpec(memory_space=pltpu.SMEM),
                  pl.BlockSpec(memory_space=pltpu.SMEM)],
        out_specs=pl.BlockSpec((_NQ, blk, h), lambda i: (0, i, 0)),
        out_shape=jax.ShapeDtypeStruct((_NQ, n, h), jnp.float32),
    )(xn, mu, p_param)


def _tc_v2e_epilogue(seg, mu, p_param, e_weight, n_edges):
    h = seg.shape[3]

    def body(seg_ref, m_ref, p_ref, ew_ref, outb_ref, mu2_ref):
        num = jnp.concatenate([seg_ref[0, :, 0, :], seg_ref[1, :, 0, :]],
                              axis=1)
        den = jnp.concatenate([seg_ref[0, :, 1, :], seg_ref[1, :, 1, :]],
                              axis=1)
        xe = (num / (den + EPS) + m_ref[0, 0]) * ew_ref[...]
        mu2 = jnp.min(xe) - MU - EPS
        p = jnp.clip(p_ref[0, 0], P_MIN, P_MAX)
        u = xe - mu2
        t = jnp.exp(p * jnp.log(u))
        ut = u * t
        outb_ref[0] = ut[:, :h]
        outb_ref[1] = ut[:, h:]
        outb_ref[2] = t[:, :h]
        outb_ref[3] = t[:, h:]
        mu2_ref[0, 0] = mu2

    return pl.pallas_call(
        body,
        grid=(1,),
        in_specs=[pl.BlockSpec((2, n_edges, 2, h), lambda i: (0, 0, 0, 0)),
                  pl.BlockSpec(memory_space=pltpu.SMEM),
                  pl.BlockSpec(memory_space=pltpu.SMEM),
                  pl.BlockSpec((n_edges, 1), lambda i: (0, 0))],
        out_specs=[pl.BlockSpec((_NQ, n_edges, h), lambda i: (0, 0, 0)),
                   pl.BlockSpec(memory_space=pltpu.SMEM)],
        out_shape=[jax.ShapeDtypeStruct((_NQ, n_edges, h), jnp.float32),
                   jax.ShapeDtypeStruct((1, 1), jnp.float32)],
    )(seg, mu, p_param, e_weight.reshape(-1, 1))


def _tc_e2v_epilogue(seg2, mu2, n_nodes):
    h = seg2.shape[2]
    c = 2 * h
    blk = 1000
    grid = n_nodes // blk

    def body(seg_ref, m_ref, xv_ref, st_ref, acc):
        i = pl.program_id(0)
        num = jnp.concatenate([seg_ref[0], seg_ref[1]], axis=1)
        den = jnp.concatenate([seg_ref[2], seg_ref[3]], axis=1)
        xv = jnp.maximum(num / (den + EPS) + m_ref[0, 0], 0.0)
        xv_ref[...] = xv

        @pl.when(i == 0)
        def _():
            acc[...] = jnp.zeros_like(acc)

        acc[0:1, :] += jnp.sum(xv, axis=0, keepdims=True)
        acc[1:2, :] += jnp.sum(xv * xv, axis=0, keepdims=True)

        @pl.when(i == grid - 1)
        def _():
            st_ref[...] = acc[...]

    return pl.pallas_call(
        body,
        grid=(grid,),
        in_specs=[pl.BlockSpec((_NQ, blk, h), lambda i: (0, i, 0)),
                  pl.BlockSpec(memory_space=pltpu.SMEM)],
        out_specs=[pl.BlockSpec((blk, c), lambda i: (i, 0)),
                   pl.BlockSpec((8, c), lambda i: (0, 0))],
        out_shape=[jax.ShapeDtypeStruct((n_nodes, c), jnp.float32),
                   jax.ShapeDtypeStruct((8, c), jnp.float32)],
        scratch_shapes=[pltpu.VMEM((8, c), jnp.float32)],
    )(seg2, mu2)


def _tc_batchnorm(xv, stats, gamma, beta):
    n, c = xv.shape
    blk = 1000
    grid = n // blk
    inv_n = 1.0 / n

    def body(xv_ref, st_ref, g_ref, b_ref, out_ref):
        mean = st_ref[0:1, :] * inv_n
        var = jnp.maximum(st_ref[1:2, :] * inv_n - mean * mean, 0.0)
        out_ref[...] = (g_ref[...] * (xv_ref[...] - mean)
                        / jnp.sqrt(var + 1e-05) + b_ref[...])

    return pl.pallas_call(
        body,
        grid=(grid,),
        in_specs=[pl.BlockSpec((blk, c), lambda i: (i, 0)),
                  pl.BlockSpec((8, c), lambda i: (0, 0)),
                  pl.BlockSpec((1, c), lambda i: (0, 0)),
                  pl.BlockSpec((1, c), lambda i: (0, 0))],
        out_specs=pl.BlockSpec((blk, c), lambda i: (i, 0)),
        out_shape=jax.ShapeDtypeStruct((n, c), jnp.float32),
    )(xv, stats, gamma.reshape(1, -1), beta.reshape(1, -1))


def kernel(X, node_idx, edge_idx, W, b, p_param, gamma, beta, e_weight):
    n_nodes, _ = X.shape
    n_edges = e_weight.shape[0]
    nnz = node_idx.shape[0]

    group = _NSUB * _CHUNK * 4
    nnz_pad = _round_up(nnz, group)
    pad = nnz_pad - nnz
    n_chunks = nnz_pad // (_NSUB * _CHUNK)
    zpad = jnp.zeros((pad,), jnp.int32)
    ni_src = jnp.concatenate([node_idx, zpad])
    ei_src = jnp.concatenate([edge_idx, zpad])
    ni_dst = jnp.concatenate([node_idx, jnp.full((pad,), n_nodes, jnp.int32)])
    ei_dst = jnp.concatenate([edge_idx, jnp.full((pad,), n_edges, jnp.int32)])

    q2 = jnp.arange(2, dtype=jnp.int32)[:, None]
    q4 = jnp.arange(_NQ, dtype=jnp.int32)[:, None]
    qidx_v2e = (q2 * n_nodes + ni_src[None, :]).reshape(
        2 * _NSUB, n_chunks, _CHUNK)
    dst_v2e = ei_dst.reshape(_NSUB, n_chunks, _CHUNK)
    qidx_e2v = (q4 * n_edges + ei_src[None, :]).reshape(
        _NQ * _NSUB, n_chunks, _CHUNK)
    dst_e2v = ni_dst.reshape(_NSUB, n_chunks, _CHUNK)

    s_pad_e = _round_up(n_edges + 1, _NSUB)
    s_pad_n = _round_up(n_nodes + 1, _NSUB)

    xn, mu = _tc_project(X, W, b)
    a_tab = _tc_pow_tables(xn, mu, p_param)
    h = a_tab.shape[2]
    a2 = jnp.stack([a_tab[0:2], a_tab[2:4]], axis=2).reshape(
        2 * n_nodes, 2, h)
    seg1 = _sc_segsum(a2, qidx_v2e, dst_v2e, s_pad_e, n_pass=1)
    b_tab, mu2 = _tc_v2e_epilogue(seg1, mu, p_param, e_weight, n_edges)
    seg2 = _sc_segsum(b_tab.reshape(_NQ * n_edges, 1, h), qidx_e2v, dst_e2v,
                      s_pad_n, n_pass=2)
    xv, stats = _tc_e2v_epilogue(seg2.reshape(_NQ, s_pad_n, h), mu2, n_nodes)
    return _tc_batchnorm(xv, stats, gamma, beta)

# --- scband reference (transcript-rebuilt; emitter-appended) ---
"""Pipeline reference for scband-ker-hgnnconv-25237227831426 (READ-ONLY COPY).

The authoritative reference and input builder live on the scoring server;
editing this copy changes nothing except your own understanding.
"""

import jax, jax.numpy as jnp
import numpy as np

EPS = 1e-05
N_NODES = 10000
N_HYPEREDGES = 2000
NNZ = 160000
IN_CH = 256
OUT_CH = 256
P_MIN, P_MAX, MU = 0.0, 2.0, 1.0


def node_norm(x, eps=1e-05):
    # NodeNorm: per-node standardization across the feature dimension
    mean = jnp.mean(x, axis=1, keepdims=True)
    var = jnp.var(x, axis=1, keepdims=True)
    return (x - mean) / jnp.sqrt(var + eps)


def setup_inputs(seed: int = 0) -> dict:
    key = jax.random.key(seed)
    ks = jax.random.split(key, 8)
    X = jax.random.normal(ks[0], (N_NODES, IN_CH), dtype=jnp.float32)
    # hypergraph incidence structure: H is [N_NODES, N_HYPEREDGES] with NNZ nonzeros
    node_idx = jax.random.randint(ks[1], (NNZ,), 0, N_NODES, dtype=jnp.int32)
    edge_idx = jax.random.randint(ks[2], (NNZ,), 0, N_HYPEREDGES, dtype=jnp.int32)
    # learned params: theta (Linear), p, BatchNorm affine, hyperedge weights W_e (ones)
    W = jax.random.normal(ks[3], (IN_CH, OUT_CH), dtype=jnp.float32) * (1.0 / np.sqrt(IN_CH))
    b = jnp.zeros((OUT_CH,), dtype=jnp.float32)
    p_param = jnp.full((1, 1), 0.315, dtype=jnp.float32)
    gamma = jnp.ones((OUT_CH,), dtype=jnp.float32)
    beta = jnp.zeros((OUT_CH,), dtype=jnp.float32)
    e_weight = jnp.ones((N_HYPEREDGES,), dtype=jnp.float32)
    return {"X": X, "node_idx": node_idx, "edge_idx": edge_idx, "W": W, "b": b,
            "p_param": p_param, "gamma": gamma, "beta": beta, "e_weight": e_weight}


def reference(X, node_idx, edge_idx, W, b, p_param, gamma, beta, e_weight):
    # X = self.theta(X)
    X = X @ W + b
    # ---- poly_agg_v2e: X = norm(X); sparse.mm(H_T, (X-min_u)^(p+1)) / (sparse.mm(H_T, (X-min_u)^p) + EPS) + min_u
    Xn = node_norm(X)
    p = jnp.clip(p_param, P_MIN, P_MAX)  # shape (1,1), broadcasts like torch
    min_u = jnp.min(Xn) - MU - EPS
    gathered = Xn[node_idx] - min_u  # [NNZ, OUT_CH], strictly positive
    num = jax.ops.segment_sum(gathered ** (p + 1.0), edge_idx, num_segments=N_HYPEREDGES)
    den = jax.ops.segment_sum(gathered ** p, edge_idx, num_segments=N_HYPEREDGES)
    Xe = num / (den + EPS) + min_u
    # ---- hg.v2e_update: multiply by diagonal hyperedge weights W_e
    Xe = Xe * e_weight[:, None]
    # ---- poly_agg_e2v: sparse.mm(H, (Xe-min_u)^(p+1)) / (sparse.mm(H, (Xe-min_u)^p) + EPS) + min_u
    min_u2 = jnp.min(Xe) - MU - EPS
    g2 = Xe[edge_idx] - min_u2  # [NNZ, OUT_CH]
    num2 = jax.ops.segment_sum(g2 ** (p + 1.0), node_idx, num_segments=N_NODES)
    den2 = jax.ops.segment_sum(g2 ** p, node_idx, num_segments=N_NODES)
    Xv = num2 / (den2 + EPS) + min_u2
    # ---- hg.e2v_update: identity
    # ---- not is_last: ReLU -> BatchNorm1d (batch statistics) -> Dropout (identity, eval)
    Xv = jax.nn.relu(Xv)
    mean = jnp.mean(Xv, axis=0)
    var = jnp.var(Xv, axis=0)
    Xv = gamma * (Xv - mean) / jnp.sqrt(var + 1e-05) + beta
    return Xv

if __name__ == "__main__":
    import jax
    _d = setup_inputs()
    print(jax.jit(kernel)(*tuple(_d.values())))

</pallas_src>

<mosaic_0001>
#map = affine_map<(d0, d1) -> (0, 0, 0)>
#map1 = affine_map<(d0, d1) -> (0, 0, 0, 0)>
module attributes {stable_mosaic.version = 14 : i64} {
  func.func @k(%arg0: i32, %arg1: i32, %arg2: memref<20000x2x128xf32, #tpu.memory_space<hbm>>, %arg3: memref<32x80x128xi32, #tpu.memory_space<hbm>>, %arg4: memref<16x80x128xi32, #tpu.memory_space<hbm>>, %arg5: memref<128x2x128xf32, #tpu.memory_space<hbm>>, %arg6: memref<2x2016x2x128xf32, #tpu.memory_space<hbm>>, %arg7: memref<2x128xi32, #tpu.memory_space<vmem>>, %arg8: memref<2x128xi32, #tpu.memory_space<vmem>>, %arg9: memref<128x2x128xf32, #tpu.memory_space<vmem>>, %arg10: memref<128x2x128xf32, #tpu.memory_space<vmem>>, %arg11: memref<2016x2x128xf32, #tpu.memory_space<vmem_shared>>, %arg12: memref<!tpu.dma_semaphore, #tpu.memory_space<semaphore_mem>>, %arg13: memref<!tpu.dma_semaphore, #tpu.memory_space<semaphore_mem>>, %arg14: memref<!tpu.dma_semaphore, #tpu.memory_space<semaphore_mem>>, %arg15: memref<!tpu.dma_semaphore, #tpu.memory_space<semaphore_mem>>) attributes {dimension_semantics = [#tpu.dimension_semantics<core_parallel>, #tpu.dimension_semantics<subcore_parallel>], iteration_bounds = array<i64: 2, 16>, scalar_prefetch = 0 : i64, scratch_operands = 9 : i64, tpu.core_type = #tpu.core_type<sc_vector_subcore>, window_params = [{transform_indices = #map}, {transform_indices = #map}, {transform_indices = #map}, {transform_indices = #map}, {transform_indices = #map1}]} {
    %mul3A = arith.constant 126 : i32
    %mul3A_0 = arith.muli %arg1, %mul3A : i32
    %mul3A_1 = arith.constant 1 : i32
    %mul3A_2 = arith.muli %arg0, %mul3A_1 : i32
    %add3A = arith.constant 0 : i32
    %add3A_3 = arith.addi %mul3A_2, %add3A : i32
    %mul3A_4 = arith.constant 16 : i32
    %mul3A_5 = arith.muli %add3A_3, %mul3A_4 : i32
    %add3A_6 = arith.addi %mul3A_5, %arg1 : i32
    %add3A_7 = arith.constant 0 : i32
    %add3A_8 = arith.addi %mul3A_0, %add3A_7 : i32
    "tpu.region"() ({
      %run_scoped3A_58 = tpu.sem_alloc : memref<!tpu.dma_semaphore, #tpu.memory_space<semaphore_mem>>
      %dma_start3A_59 = arith.constant 0 : i32
      %dma_start3A_60 = arith.constant 0 : i32
      %dma_start3A_61 = tpu.memref_slice %arg11[%add3A_8, %dma_start3A_59, %dma_start3A_60] : memref<2016x2x128xf32, #tpu.memory_space<vmem_shared>> -> memref<126x2x128xf32, #tpu.memory_space<vmem_shared>>
      %dma_start3A_62 = arith.constant 0 : i32
      %dma_start3A_63 = arith.constant 0 : i32
      %dma_start3A_64 = arith.constant 0 : i32
      %dma_start3A_65 = tpu.memref_slice %arg5[%dma_start3A_62, %dma_start3A_63, %dma_start3A_64] : memref<128x2x128xf32, #tpu.memory_space<hbm>> -> memref<126x2x128xf32, #tpu.memory_space<hbm>>
      tpu.enqueue_dma source(%dma_start3A_65 : memref<126x2x128xf32, #tpu.memory_space<hbm>>) target(%dma_start3A_61 : memref<126x2x128xf32, #tpu.memory_space<vmem_shared>>) target_semaphore(%run_scoped3A_58 : memref<!tpu.dma_semaphore, #tpu.memory_space<semaphore_mem>>)
      %dma_wait3A = arith.constant 0 : i32
      %dma_wait3A_66 = arith.constant 0 : i32
      %dma_wait3A_67 = tpu.memref_slice %arg11[%add3A_8, %dma_wait3A, %dma_wait3A_66] : memref<2016x2x128xf32, #tpu.memory_space<vmem_shared>> -> memref<126x2x128xf32, #tpu.memory_space<vmem_shared>>
      %dma_wait3A_68 = arith.constant 0 : i32
      %dma_wait3A_69 = arith.constant 0 : i32
      %dma_wait3A_70 = arith.constant 0 : i32
      %dma_wait3A_71 = tpu.memref_slice %arg5[%dma_wait3A_68, %dma_wait3A_69, %dma_wait3A_70] : memref<128x2x128xf32, #tpu.memory_space<hbm>> -> memref<126x2x128xf32, #tpu.memory_space<hbm>>
      tpu.wait_dma2 semaphore(%run_scoped3A_58 : memref<!tpu.dma_semaphore, #tpu.memory_space<semaphore_mem>>) src(%dma_wait3A_71 : memref<126x2x128xf32, #tpu.memory_space<hbm>>) dst(%dma_wait3A_67 : memref<126x2x128xf32, #tpu.memory_space<vmem_shared>>)
      tpu.yield
    }) : () -> ()
    %barrier3A = arith.constant 0 : index
    tpu.barrier barrier_id(%barrier3A)
    %run_scoped3A = arith.constant 0 : i32
    %run_scoped3A_9 = arith.constant 0 : i32
    "tpu.region"() ({
      %run_scoped3A_58 = tpu.sem_alloc : memref<!tpu.dma_semaphore, #tpu.memory_space<semaphore_mem>>
      %dma_start3A_59 = arith.constant 0 : i32
      %dma_start3A_60 = tpu.memref_slice %arg7[%run_scoped3A_9, %dma_start3A_59] : memref<2x128xi32, #tpu.memory_space<vmem>> -> memref<1x128xi32, #tpu.memory_space<vmem>>
      %dma_start3A_61 = tpu.memref_squeeze %dma_start3A_60 : memref<1x128xi32, #tpu.memory_space<vmem>> -> memref<128xi32, #tpu.memory_space<vmem>>
      %dma_start3A_62 = arith.constant 0 : i32
      %dma_start3A_63 = tpu.memref_slice %arg3[%add3A_6, %run_scoped3A, %dma_start3A_62] : memref<32x80x128xi32, #tpu.memory_space<hbm>> -> memref<1x1x128xi32, #tpu.memory_space<hbm>>
      %dma_start3A_64 = tpu.memref_squeeze %dma_start3A_63 : memref<1x1x128xi32, #tpu.memory_space<hbm>> -> memref<128xi32, #tpu.memory_space<hbm>>
      %dma_start3A_65 = arith.constant 0 : i32
      %dma_start3A_66 = tpu.memref_slice %arg7[%run_scoped3A_9, %dma_start3A_65] : memref<2x128xi32, #tpu.memory_space<vmem>> -> memref<1x128xi32, #tpu.memory_space<vmem>>
      %dma_start3A_67 = tpu.memref_squeeze %dma_start3A_66 : memref<1x128xi32, #tpu.memory_space<vmem>> -> memref<128xi32, #tpu.memory_space<vmem>>
      %dma_start3A_68 = arith.constant 0 : i32
      %dma_start3A_69 = tpu.memref_slice %arg3[%add3A_6, %run_scoped3A, %dma_start3A_68] : memref<32x80x128xi32, #tpu.memory_space<hbm>> -> memref<1x1x128xi32, #tpu.memory_space<hbm>>
      %dma_start3A_70 = tpu.memref_squeeze %dma_start3A_69 : memref<1x1x128xi32, #tpu.memory_space<hbm>> -> memref<128xi32, #tpu.memory_space<hbm>>
      tpu.enqueue_dma source(%dma_start3A_70 : memref<128xi32, #tpu.memory_space<hbm>>) target(%dma_start3A_67 : memref<128xi32, #tpu.memory_space<vmem>>) target_semaphore(%run_scoped3A_58 : memref<!tpu.dma_semaphore, #tpu.memory_space<semaphore_mem>>)
      %dma_wait3A = arith.constant 0 : i32
      %dma_wait3A_71 = tpu.memref_slice %arg7[%run_scoped3A_9, %dma_wait3A] : memref<2x128xi32, #tpu.memory_space<vmem>> -> memref<1x128xi32, #tpu.memory_space<vmem>>
      %dma_wait3A_72 = tpu.memref_squeeze %dma_wait3A_71 : memref<1x128xi32, #tpu.memory_space<vmem>> -> memref<128xi32, #tpu.memory_space<vmem>>
      %dma_wait3A_73 = arith.constant 0 : i32
      %dma_wait3A_74 = tpu.memref_slice %arg3[%add3A_6, %run_scoped3A, %dma_wait3A_73] : memref<32x80x128xi32, #tpu.memory_space<hbm>> -> memref<1x1x128xi32, #tpu.memory_space<hbm>>
      %dma_wait3A_75 = tpu.memref_squeeze %dma_wait3A_74 : memref<1x1x128xi32, #tpu.memory_space<hbm>> -> memref<128xi32, #tpu.memory_space<hbm>>
      %dma_wait3A_76 = arith.constant 0 : i32
      %dma_wait3A_77 = tpu.memref_slice %arg7[%run_scoped3A_9, %dma_wait3A_76] : memref<2x128xi32, #tpu.memory_space<vmem>> -> memref<1x128xi32, #tpu.memory_space<vmem>>
      %dma_wait3A_78 = tpu.memref_squeeze %dma_wait3A_77 : memref<1x128xi32, #tpu.memory_space<vmem>> -> memref<128xi32, #tpu.memory_space<vmem>>
      %dma_wait3A_79 = arith.constant 0 : i32
      %dma_wait3A_80 = tpu.memref_slice %arg3[%add3A_6, %run_scoped3A, %dma_wait3A_79] : memref<32x80x128xi32, #tpu.memory_space<hbm>> -> memref<1x1x128xi32, #tpu.memory_space<hbm>>
      %dma_wait3A_81 = tpu.memref_squeeze %dma_wait3A_80 : memref<1x1x128xi32, #tpu.memory_space<hbm>> -> memref<128xi32, #tpu.memory_space<hbm>>
      tpu.wait_dma2 semaphore(%run_scoped3A_58 : memref<!tpu.dma_semaphore, #tpu.memory_space<semaphore_mem>>) src(%dma_wait3A_81 : memref<128xi32, #tpu.memory_space<hbm>>) dst(%dma_wait3A_78 : memref<128xi32, #tpu.memory_space<vmem>>)
      tpu.yield
    }) : () -> ()
    %run_scoped3A_10 = arith.constant 0 : i32
    %run_scoped3A_11 = arith.constant 0 : i32
    "tpu.region"() ({
      %run_scoped3A_58 = tpu.sem_alloc : memref<!tpu.dma_semaphore, #tpu.memory_space<semaphore_mem>>
      %dma_start3A_59 = arith.constant 0 : i32
      %dma_start3A_60 = tpu.memref_slice %arg8[%run_scoped3A_11, %dma_start3A_59] : memref<2x128xi32, #tpu.memory_space<vmem>> -> memref<1x128xi32, #tpu.memory_space<vmem>>
      %dma_start3A_61 = tpu.memref_squeeze %dma_start3A_60 : memref<1x128xi32, #tpu.memory_space<vmem>> -> memref<128xi32, #tpu.memory_space<vmem>>
      %dma_start3A_62 = arith.constant 0 : i32
      %dma_start3A_63 = tpu.memref_slice %arg4[%arg1, %run_scoped3A_10, %dma_start3A_62] : memref<16x80x128xi32, #tpu.memory_space<hbm>> -> memref<1x1x128xi32, #tpu.memory_space<hbm>>
      %dma_start3A_64 = tpu.memref_squeeze %dma_start3A_63 : memref<1x1x128xi32, #tpu.memory_space<hbm>> -> memref<128xi32, #tpu.memory_space<hbm>>
      %dma_start3A_65 = arith.constant 0 : i32
      %dma_start3A_66 = tpu.memref_slice %arg8[%run_scoped3A_11, %dma_start3A_65] : memref<2x128xi32, #tpu.memory_space<vmem>> -> memref<1x128xi32, #tpu.memory_space<vmem>>
      %dma_start3A_67 = tpu.memref_squeeze %dma_start3A_66 : memref<1x128xi32, #tpu.memory_space<vmem>> -> memref<128xi32, #tpu.memory_space<vmem>>
      %dma_start3A_68 = arith.constant 0 : i32
      %dma_start3A_69 = tpu.memref_slice %arg4[%arg1, %run_scoped3A_10, %dma_start3A_68] : memref<16x80x128xi32, #tpu.memory_space<hbm>> -> memref<1x1x128xi32, #tpu.memory_space<hbm>>
      %dma_start3A_70 = tpu.memref_squeeze %dma_start3A_69 : memref<1x1x128xi32, #tpu.memory_space<hbm>> -> memref<128xi32, #tpu.memory_space<hbm>>
      tpu.enqueue_dma source(%dma_start3A_70 : memref<128xi32, #tpu.memory_space<hbm>>) target(%dma_start3A_67 : memref<128xi32, #tpu.memory_space<vmem>>) target_semaphore(%run_scoped3A_58 : memref<!tpu.dma_semaphore, #tpu.memory_space<semaphore_mem>>)
      %dma_wait3A = arith.constant 0 : i32
      %dma_wait3A_71 = tpu.memref_slice %arg8[%run_scoped3A_11, %dma_wait3A] : memref<2x128xi32, #tpu.memory_space<vmem>> -> memref<1x128xi32, #tpu.memory_space<vmem>>
      %dma_wait3A_72 = tpu.memref_squeeze %dma_wait3A_71 : memref<1x128xi32, #tpu.memory_space<vmem>> -> memref<128xi32, #tpu.memory_space<vmem>>
      %dma_wait3A_73 = arith.constant 0 : i32
      %dma_wait3A_74 = tpu.memref_slice %arg4[%arg1, %run_scoped3A_10, %dma_wait3A_73] : memref<16x80x128xi32, #tpu.memory_space<hbm>> -> memref<1x1x128xi32, #tpu.memory_space<hbm>>
      %dma_wait3A_75 = tpu.memref_squeeze %dma_wait3A_74 : memref<1x1x128xi32, #tpu.memory_space<hbm>> -> memref<128xi32, #tpu.memory_space<hbm>>
      %dma_wait3A_76 = arith.constant 0 : i32
      %dma_wait3A_77 = tpu.memref_slice %arg8[%run_scoped3A_11, %dma_wait3A_76] : memref<2x128xi32, #tpu.memory_space<vmem>> -> memref<1x128xi32, #tpu.memory_space<vmem>>
      %dma_wait3A_78 = tpu.memref_squeeze %dma_wait3A_77 : memref<1x128xi32, #tpu.memory_space<vmem>> -> memref<128xi32, #tpu.memory_space<vmem>>
      %dma_wait3A_79 = arith.constant 0 : i32
      %dma_wait3A_80 = tpu.memref_slice %arg4[%arg1, %run_scoped3A_10, %dma_wait3A_79] : memref<16x80x128xi32, #tpu.memory_space<hbm>> -> memref<1x1x128xi32, #tpu.memory_space<hbm>>
      %dma_wait3A_81 = tpu.memref_squeeze %dma_wait3A_80 : memref<1x1x128xi32, #tpu.memory_space<hbm>> -> memref<128xi32, #tpu.memory_space<hbm>>
      tpu.wait_dma2 semaphore(%run_scoped3A_58 : memref<!tpu.dma_semaphore, #tpu.memory_space<semaphore_mem>>) src(%dma_wait3A_81 : memref<128xi32, #tpu.memory_space<hbm>>) dst(%dma_wait3A_78 : memref<128xi32, #tpu.memory_space<vmem>>)
      tpu.yield
    }) : () -> ()
    %dma_start3A = arith.constant 0 : i32
    %dma_start3A_12 = arith.constant 0 : i32
    %dma_start3A_13 = tpu.memref_slice %arg7[%dma_start3A, %dma_start3A_12] : memref<2x128xi32, #tpu.memory_space<vmem>> -> memref<1x128xi32, #tpu.memory_space<vmem>>
    %dma_start3A_14 = tpu.memref_squeeze %dma_start3A_13 : memref<1x128xi32, #tpu.memory_space<vmem>> -> memref<128xi32, #tpu.memory_space<vmem>>
    %dma_start3A_15 = arith.constant 0 : i32
    %dma_start3A_16 = arith.constant 0 : i32
    %dma_start3A_17 = arith.constant 0 : i32
    %dma_start3A_18 = tpu.memref_slice %arg2[%dma_start3A_15, %dma_start3A_16, %dma_start3A_17] : memref<20000x2x128xf32, #tpu.memory_space<hbm>> -> memref<20000x2x128xf32, #tpu.memory_space<hbm>>
    tpu.enqueue_indirect_dma source(%dma_start3A_18 : memref<20000x2x128xf32, #tpu.memory_space<hbm>>) target(%arg9 : memref<128x2x128xf32, #tpu.memory_space<vmem>>) offsets(%dma_start3A_14 : memref<128xi32, #tpu.memory_space<vmem>>) semaphore(%arg12 : memref<!tpu.dma_semaphore, #tpu.memory_space<semaphore_mem>>)
    %dma_start3A_19 = arith.constant 1 : i32
    %dma_start3A_20 = arith.constant 1 : i32
    %dma_start3A_21 = arith.constant 0 : i32
    %dma_start3A_22 = tpu.memref_slice %arg7[%dma_start3A_20, %dma_start3A_21] : memref<2x128xi32, #tpu.memory_space<vmem>> -> memref<1x128xi32, #tpu.memory_space<vmem>>
    %dma_start3A_23 = tpu.memref_squeeze %dma_start3A_22 : memref<1x128xi32, #tpu.memory_space<vmem>> -> memref<128xi32, #tpu.memory_space<vmem>>
    %dma_start3A_24 = arith.constant 0 : i32
    %dma_start3A_25 = tpu.memref_slice %arg3[%add3A_6, %dma_start3A_19, %dma_start3A_24] : memref<32x80x128xi32, #tpu.memory_space<hbm>> -> memref<1x1x128xi32, #tpu.memory_space<hbm>>
    %dma_start3A_26 = tpu.memref_squeeze %dma_start3A_25 : memref<1x1x128xi32, #tpu.memory_space<hbm>> -> memref<128xi32, #tpu.memory_space<hbm>>
    %dma_start3A_27 = arith.constant 0 : i32
    %dma_start3A_28 = tpu.memref_slice %arg7[%dma_start3A_20, %dma_start3A_27] : memref<2x128xi32, #tpu.memory_space<vmem>> -> memref<1x128xi32, #tpu.memory_space<vmem>>
    %dma_start3A_29 = tpu.memref_squeeze %dma_start3A_28 : memref<1x128xi32, #tpu.memory_space<vmem>> -> memref<128xi32, #tpu.memory_space<vmem>>
    %dma_start3A_30 = arith.constant 0 : i32
    %dma_start3A_31 = tpu.memref_slice %arg3[%add3A_6, %dma_start3A_19, %dma_start3A_30] : memref<32x80x128xi32, #tpu.memory_space<hbm>> -> memref<1x1x128xi32, #tpu.memory_space<hbm>>
    %dma_start3A_32 = tpu.memref_squeeze %dma_start3A_31 : memref<1x1x128xi32, #tpu.memory_space<hbm>> -> memref<128xi32, #tpu.memory_space<hbm>>
    tpu.enqueue_dma source(%dma_start3A_32 : memref<128xi32, #tpu.memory_space<hbm>>) target(%dma_start3A_29 : memref<128xi32, #tpu.memory_space<vmem>>) target_semaphore(%arg15 : memref<!tpu.dma_semaphore, #tpu.memory_space<semaphore_mem>>)
    %dma_start3A_33 = arith.constant 1 : i32
    %dma_start3A_34 = arith.constant 1 : i32
    %dma_start3A_35 = arith.constant 0 : i32
    %dma_start3A_36 = tpu.memref_slice %arg8[%dma_start3A_34, %dma_start3A_35] : memref<2x128xi32, #tpu.memory_space<vmem>> -> memref<1x128xi32, #tpu.memory_space<vmem>>
    %dma_start3A_37 = tpu.memref_squeeze %dma_start3A_36 : memref<1x128xi32, #tpu.memory_space<vmem>> -> memref<128xi32, #tpu.memory_space<vmem>>
    %dma_start3A_38 = arith.constant 0 : i32
    %dma_start3A_39 = tpu.memref_slice %arg4[%arg1, %dma_start3A_33, %dma_start3A_38] : memref<16x80x128xi32, #tpu.memory_space<hbm>> -> memref<1x1x128xi32, #tpu.memory_space<hbm>>
    %dma_start3A_40 = tpu.memref_squeeze %dma_start3A_39 : memref<1x1x128xi32, #tpu.memory_space<hbm>> -> memref<128xi32, #tpu.memory_space<hbm>>
    %dma_start3A_41 = arith.constant 0 : i32
    %dma_start3A_42 = tpu.memref_slice %arg8[%dma_start3A_34, %dma_start3A_41] : memref<2x128xi32, #tpu.memory_space<vmem>> -> memref<1x128xi32, #tpu.memory_space<vmem>>
    %dma_start3A_43 = tpu.memref_squeeze %dma_start3A_42 : memref<1x128xi32, #tpu.memory_space<vmem>> -> memref<128xi32, #tpu.memory_space<vmem>>
    %dma_start3A_44 = arith.constant 0 : i32
    %dma_start3A_45 = tpu.memref_slice %arg4[%arg1, %dma_start3A_33, %dma_start3A_44] : memref<16x80x128xi32, #tpu.memory_space<hbm>> -> memref<1x1x128xi32, #tpu.memory_space<hbm>>
    %dma_start3A_46 = tpu.memref_squeeze %dma_start3A_45 : memref<1x1x128xi32, #tpu.memory_space<hbm>> -> memref<128xi32, #tpu.memory_space<hbm>>
    tpu.enqueue_dma source(%dma_start3A_46 : memref<128xi32, #tpu.memory_space<hbm>>) target(%dma_start3A_43 : memref<128xi32, #tpu.memory_space<vmem>>) target_semaphore(%arg15 : memref<!tpu.dma_semaphore, #tpu.memory_space<semaphore_mem>>)
    %scan3A = arith.constant 0 : i32
    %scan3A_47 = arith.constant 0 : i32
    %scan3A_48 = arith.constant 40 : i32
    %scan3A_49 = arith.addi %scan3A_47, %scan3A_48 : i32
    %scan3A_50 = arith.constant 1 : i32
    scf.for %scan3A_58 = %scan3A_47 to %scan3A_49 step %scan3A_50  : i32 {
      %mul3A_59 = arith.constant 2 : i32
      %mul3A_60 = arith.muli %mul3A_59, %scan3A_58 : i32
      %add3A_61 = arith.constant 0 : i32
      %add3A_62 = arith.addi %mul3A_60, %add3A_61 : i32
      %add3A_63 = arith.constant 1 : i32
      %add3A_64 = arith.addi %add3A_62, %add3A_63 : i32
      %lt3A = arith.constant 80 : i32
      %lt3A_65 = arith.cmpi slt, %add3A_64, %lt3A : i32
      %convert_element_type3A = arith.extui %lt3A_65 : i1 to i32
      %cond3A = arith.constant 0 : i32
      %cond3A_66 = arith.cmpi ne, %convert_element_type3A, %cond3A : i32
      scf.if %cond3A_66 {
        %add3A_109 = arith.constant 1 : i32
        %add3A_110 = arith.addi %add3A_62, %add3A_109 : i32
        %dma_wait3A_111 = arith.constant 1 : i32
        %dma_wait3A_112 = arith.constant 0 : i32
        %dma_wait3A_113 = tpu.memref_slice %arg7[%dma_wait3A_111, %dma_wait3A_112] : memref<2x128xi32, #tpu.memory_space<vmem>> -> memref<1x128xi32, #tpu.memory_space<vmem>>
        %dma_wait3A_114 = tpu.memref_squeeze %dma_wait3A_113 : memref<1x128xi32, #tpu.memory_space<vmem>> -> memref<128xi32, #tpu.memory_space<vmem>>
        %dma_wait3A_115 = arith.constant 0 : i32
        %dma_wait3A_116 = tpu.memref_slice %arg3[%add3A_6, %add3A_110, %dma_wait3A_115] : memref<32x80x128xi32, #tpu.memory_space<hbm>> -> memref<1x1x128xi32, #tpu.memory_space<hbm>>
        %dma_wait3A_117 = tpu.memref_squeeze %dma_wait3A_116 : memref<1x1x128xi32, #tpu.memory_space<hbm>> -> memref<128xi32, #tpu.memory_space<hbm>>
        %dma_wait3A_118 = arith.constant 0 : i32
        %dma_wait3A_119 = tpu.memref_slice %arg7[%dma_wait3A_111, %dma_wait3A_118] : memref<2x128xi32, #tpu.memory_space<vmem>> -> memref<1x128xi32, #tpu.memory_space<vmem>>
        %dma_wait3A_120 = tpu.memref_squeeze %dma_wait3A_119 : memref<1x128xi32, #tpu.memory_space<vmem>> -> memref<128xi32, #tpu.memory_space<vmem>>
        %dma_wait3A_121 = arith.constant 0 : i32
        %dma_wait3A_122 = tpu.memref_slice %arg3[%add3A_6, %add3A_110, %dma_wait3A_121] : memref<32x80x128xi32, #tpu.memory_space<hbm>> -> memref<1x1x128xi32, #tpu.memory_space<hbm>>
        %dma_wait3A_123 = tpu.memref_squeeze %dma_wait3A_122 : memref<1x1x128xi32, #tpu.memory_space<hbm>> -> memref<128xi32, #tpu.memory_space<hbm>>
        tpu.wait_dma2 semaphore(%arg15 : memref<!tpu.dma_semaphore, #tpu.memory_space<semaphore_mem>>) src(%dma_wait3A_123 : memref<128xi32, #tpu.memory_space<hbm>>) dst(%dma_wait3A_120 : memref<128xi32, #tpu.memory_space<vmem>>)
        %add3A_124 = arith.constant 1 : i32
        %add3A_125 = arith.addi %add3A_62, %add3A_124 : i32
        %dma_wait3A_126 = arith.constant 1 : i32
        %dma_wait3A_127 = arith.constant 0 : i32
        %dma_wait3A_128 = tpu.memref_slice %arg8[%dma_wait3A_126, %dma_wait3A_127] : memref<2x128xi32, #tpu.memory_space<vmem>> -> memref<1x128xi32, #tpu.memory_space<vmem>>
        %dma_wait3A_129 = tpu.memref_squeeze %dma_wait3A_128 : memref<1x128xi32, #tpu.memory_space<vmem>> -> memref<128xi32, #tpu.memory_space<vmem>>
        %dma_wait3A_130 = arith.constant 0 : i32
        %dma_wait3A_131 = tpu.memref_slice %arg4[%arg1, %add3A_125, %dma_wait3A_130] : memref<16x80x128xi32, #tpu.memory_space<hbm>> -> memref<1x1x128xi32, #tpu.memory_space<hbm>>
        %dma_wait3A_132 = tpu.memref_squeeze %dma_wait3A_131 : memref<1x1x128xi32, #tpu.memory_space<hbm>> -> memref<128xi32, #tpu.memory_space<hbm>>
        %dma_wait3A_133 = arith.constant 0 : i32
        %dma_wait3A_134 = tpu.memref_slice %arg8[%dma_wait3A_126, %dma_wait3A_133] : memref<2x128xi32, #tpu.memory_space<vmem>> -> memref<1x128xi32, #tpu.memory_space<vmem>>
        %dma_wait3A_135 = tpu.memref_squeeze %dma_wait3A_134 : memref<1x128xi32, #tpu.memory_space<vmem>> -> memref<128xi32, #tpu.memory_space<vmem>>
        %dma_wait3A_136 = arith.constant 0 : i32
        %dma_wait3A_137 = tpu.memref_slice %arg4[%arg1, %add3A_125, %dma_wait3A_136] : memref<16x80x128xi32, #tpu.memory_space<hbm>> -> memref<1x1x128xi32, #tpu.memory_space<hbm>>
        %dma_wait3A_138 = tpu.memref_squeeze %dma_wait3A_137 : memref<1x1x128xi32, #tpu.memory_space<hbm>> -> memref<128xi32, #tpu.memory_space<hbm>>
        tpu.wait_dma2 semaphore(%arg15 : memref<!tpu.dma_semaphore, #tpu.memory_space<semaphore_mem>>) src(%dma_wait3A_138 : memref<128xi32, #tpu.memory_space<hbm>>) dst(%dma_wait3A_135 : memref<128xi32, #tpu.memory_space<vmem>>)
        %dma_start3A_139 = arith.constant 1 : i32
        %dma_start3A_140 = arith.constant 0 : i32
        %dma_start3A_141 = tpu.memref_slice %arg7[%dma_start3A_139, %dma_start3A_140] : memref<2x128xi32, #tpu.memory_space<vmem>> -> memref<1x128xi32, #tpu.memory_space<vmem>>
        %dma_start3A_142 = tpu.memref_squeeze %dma_start3A_141 : memref<1x128xi32, #tpu.memory_space<vmem>> -> memref<128xi32, #tpu.memory_space<vmem>>
        %dma_start3A_143 = arith.constant 0 : i32
        %dma_start3A_144 = arith.constant 0 : i32
        %dma_start3A_145 = arith.constant 0 : i32
        %dma_start3A_146 = tpu.memref_slice %arg2[%dma_start3A_143, %dma_start3A_144, %dma_start3A_145] : memref<20000x2x128xf32, #tpu.memory_space<hbm>> -> memref<20000x2x128xf32, #tpu.memory_space<hbm>>
        tpu.enqueue_indirect_dma source(%dma_start3A_146 : memref<20000x2x128xf32, #tpu.memory_space<hbm>>) target(%arg10 : memref<128x2x128xf32, #tpu.memory_space<vmem>>) offsets(%dma_start3A_142 : memref<128xi32, #tpu.memory_space<vmem>>) semaphore(%arg13 : memref<!tpu.dma_semaphore, #tpu.memory_space<semaphore_mem>>)
      } else {
      }
      %dma_wait3A = arith.constant 0 : i32
      %dma_wait3A_67 = arith.constant 0 : i32
      %dma_wait3A_68 = tpu.memref_slice %arg7[%dma_wait3A, %dma_wait3A_67] : memref<2x128xi32, #tpu.memory_space<vmem>> -> memref<1x128xi32, #tpu.memory_space<vmem>>
      %dma_wait3A_69 = tpu.memref_squeeze %dma_wait3A_68 : memref<1x128xi32, #tpu.memory_space<vmem>> -> memref<128xi32, #tpu.memory_space<vmem>>
      %dma_wait3A_70 = arith.constant 0 : i32
      %dma_wait3A_71 = arith.constant 0 : i32
      %dma_wait3A_72 = arith.constant 0 : i32
      %dma_wait3A_73 = tpu.memref_slice %arg2[%dma_wait3A_70, %dma_wait3A_71, %dma_wait3A_72] : memref<20000x2x128xf32, #tpu.memory_space<hbm>> -> memref<20000x2x128xf32, #tpu.memory_space<hbm>>
      tpu.wait_indirect_dma semaphore(%arg12 : memref<!tpu.dma_semaphore, #tpu.memory_space<semaphore_mem>>) src(%dma_wait3A_73 : memref<20000x2x128xf32, #tpu.memory_space<hbm>>) dst(%arg9 : memref<128x2x128xf32, #tpu.memory_space<vmem>>)
      %run_scoped3A_74 = arith.constant 0 : i32
      "tpu.region"() ({
        %run_scoped3A_109 = tpu.sem_alloc : memref<!tpu.dma_semaphore, #tpu.memory_space<semaphore_mem>>
        %dma_start3A_110 = arith.constant 0 : i32
        %dma_start3A_111 = tpu.memref_slice %arg8[%run_scoped3A_74, %dma_start3A_110] : memref<2x128xi32, #tpu.memory_space<vmem>> -> memref<1x128xi32, #tpu.memory_space<vmem>>
        %dma_start3A_112 = tpu.memref_squeeze %dma_start3A_111 : memref<1x128xi32, #tpu.memory_space<vmem>> -> memref<128xi32, #tpu.memory_space<vmem>>
        %dma_start3A_113 = arith.constant 0 : i32
        %dma_start3A_114 = arith.constant 0 : i32
        %dma_start3A_115 = arith.constant 0 : i32
        %dma_start3A_116 = tpu.memref_slice %arg11[%dma_start3A_113, %dma_start3A_114, %dma_start3A_115] : memref<2016x2x128xf32, #tpu.memory_space<vmem_shared>> -> memref<2016x2x128xf32, #tpu.memory_space<vmem_shared>>
        tpu.enqueue_indirect_dma source(%arg9 : memref<128x2x128xf32, #tpu.memory_space<vmem>>) target(%dma_start3A_116 : memref<2016x2x128xf32, #tpu.memory_space<vmem_shared>>) offsets(%dma_start3A_112 : memref<128xi32, #tpu.memory_space<vmem>>) semaphore(%run_scoped3A_109 : memref<!tpu.dma_semaphore, #tpu.memory_space<semaphore_mem>>) {add = true}
        %dma_wait3A_117 = arith.constant 0 : i32
        %dma_wait3A_118 = tpu.memref_slice %arg8[%run_scoped3A_74, %dma_wait3A_117] : memref<2x128xi32, #tpu.memory_space<vmem>> -> memref<1x128xi32, #tpu.memory_space<vmem>>
        %dma_wait3A_119 = tpu.memref_squeeze %dma_wait3A_118 : memref<1x128xi32, #tpu.memory_space<vmem>> -> memref<128xi32, #tpu.memory_space<vmem>>
        %dma_wait3A_120 = arith.constant 0 : i32
        %dma_wait3A_121 = arith.constant 0 : i32
        %dma_wait3A_122 = arith.constant 0 : i32
        %dma_wait3A_123 = tpu.memref_slice %arg11[%dma_wait3A_120, %dma_wait3A_121, %dma_wait3A_122] : memref<2016x2x128xf32, #tpu.memory_space<vmem_shared>> -> memref<2016x2x128xf32, #tpu.memory_space<vmem_shared>>
        tpu.wait_indirect_dma semaphore(%run_scoped3A_109 : memref<!tpu.dma_semaphore, #tpu.memory_space<semaphore_mem>>) src(%arg9 : memref<128x2x128xf32, #tpu.memory_space<vmem>>) dst(%dma_wait3A_123 : memref<2016x2x128xf32, #tpu.memory_space<vmem_shared>>)
        tpu.yield
      }) : () -> ()
      %add3A_75 = arith.constant 2 : i32
      %add3A_76 = arith.addi %add3A_62, %add3A_75 : i32
      %lt3A_77 = arith.constant 80 : i32
      %lt3A_78 = arith.cmpi slt, %add3A_76, %lt3A_77 : i32
      %convert_element_type3A_79 = arith.extui %lt3A_78 : i1 to i32
      %cond3A_80 = arith.constant 0 : i32
      %cond3A_81 = arith.cmpi ne, %convert_element_type3A_79, %cond3A_80 : i32
      scf.if %cond3A_81 {
        %add3A_109 = arith.constant 2 : i32
        %add3A_110 = arith.addi %add3A_62, %add3A_109 : i32
        %dma_start3A_111 = arith.constant 0 : i32
        %dma_start3A_112 = arith.constant 0 : i32
        %dma_start3A_113 = tpu.memref_slice %arg7[%dma_start3A_111, %dma_start3A_112] : memref<2x128xi32, #tpu.memory_space<vmem>> -> memref<1x128xi32, #tpu.memory_space<vmem>>
        %dma_start3A_114 = tpu.memref_squeeze %dma_start3A_113 : memref<1x128xi32, #tpu.memory_space<vmem>> -> memref<128xi32, #tpu.memory_space<vmem>>
        %dma_start3A_115 = arith.constant 0 : i32
        %dma_start3A_116 = tpu.memref_slice %arg3[%add3A_6, %add3A_110, %dma_start3A_115] : memref<32x80x128xi32, #tpu.memory_space<hbm>> -> memref<1x1x128xi32, #tpu.memory_space<hbm>>
        %dma_start3A_117 = tpu.memref_squeeze %dma_start3A_116 : memref<1x1x128xi32, #tpu.memory_space<hbm>> -> memref<128xi32, #tpu.memory_space<hbm>>
        %dma_start3A_118 = arith.constant 0 : i32
        %dma_start3A_119 = tpu.memref_slice %arg7[%dma_start3A_111, %dma_start3A_118] : memref<2x128xi32, #tpu.memory_space<vmem>> -> memref<1x128xi32, #tpu.memory_space<vmem>>
        %dma_start3A_120 = tpu.memref_squeeze %dma_start3A_119 : memref<1x128xi32, #tpu.memory_space<vmem>> -> memref<128xi32, #tpu.memory_space<vmem>>
        %dma_start3A_121 = arith.constant 0 : i32
        %dma_start3A_122 = tpu.memref_slice %arg3[%add3A_6, %add3A_110, %dma_start3A_121] : memref<32x80x128xi32, #tpu.memory_space<hbm>> -> memref<1x1x128xi32, #tpu.memory_space<hbm>>
        %dma_start3A_123 = tpu.memref_squeeze %dma_start3A_122 : memref<1x1x128xi32, #tpu.memory_space<hbm>> -> memref<128xi32, #tpu.memory_space<hbm>>
        tpu.enqueue_dma source(%dma_start3A_123 : memref<128xi32, #tpu.memory_space<hbm>>) target(%dma_start3A_120 : memref<128xi32, #tpu.memory_space<vmem>>) target_semaphore(%arg14 : memref<!tpu.dma_semaphore, #tpu.memory_space<semaphore_mem>>)
        %add3A_124 = arith.constant 2 : i32
        %add3A_125 = arith.addi %add3A_62, %add3A_124 : i32
        %dma_start3A_126 = arith.constant 0 : i32
        %dma_start3A_127 = arith.constant 0 : i32
        %dma_start3A_128 = tpu.memref_slice %arg8[%dma_start3A_126, %dma_start3A_127] : memref<2x128xi32, #tpu.memory_space<vmem>> -> memref<1x128xi32, #tpu.memory_space<vmem>>
        %dma_start3A_129 = tpu.memref_squeeze %dma_start3A_128 : memref<1x128xi32, #tpu.memory_space<vmem>> -> memref<128xi32, #tpu.memory_space<vmem>>
        %dma_start3A_130 = arith.constant 0 : i32
        %dma_start3A_131 = tpu.memref_slice %arg4[%arg1, %add3A_125, %dma_start3A_130] : memref<16x80x128xi32, #tpu.memory_space<hbm>> -> memref<1x1x128xi32, #tpu.memory_space<hbm>>
        %dma_start3A_132 = tpu.memref_squeeze %dma_start3A_131 : memref<1x1x128xi32, #tpu.memory_space<hbm>> -> memref<128xi32, #tpu.memory_space<hbm>>
        %dma_start3A_133 = arith.constant 0 : i32
        %dma_start3A_134 = tpu.memref_slice %arg8[%dma_start3A_126, %dma_start3A_133] : memref<2x128xi32, #tpu.memory_space<vmem>> -> memref<1x128xi32, #tpu.memory_space<vmem>>
        %dma_start3A_135 = tpu.memref_squeeze %dma_start3A_134 : memref<1x128xi32, #tpu.memory_space<vmem>> -> memref<128xi32, #tpu.memory_space<vmem>>
        %dma_start3A_136 = arith.constant 0 : i32
        %dma_start3A_137 = tpu.memref_slice %arg4[%arg1, %add3A_125, %dma_start3A_136] : memref<16x80x128xi32, #tpu.memory_space<hbm>> -> memref<1x1x128xi32, #tpu.memory_space<hbm>>
        %dma_start3A_138 = tpu.memref_squeeze %dma_start3A_137 : memref<1x1x128xi32, #tpu.memory_space<hbm>> -> memref<128xi32, #tpu.memory_space<hbm>>
        tpu.enqueue_dma source(%dma_start3A_138 : memref<128xi32, #tpu.memory_space<hbm>>) target(%dma_start3A_135 : memref<128xi32, #tpu.memory_space<vmem>>) target_semaphore(%arg14 : memref<!tpu.dma_semaphore, #tpu.memory_space<semaphore_mem>>)
      } else {
      }
      %mul3A_82 = arith.constant 2 : i32
      %mul3A_83 = arith.muli %mul3A_82, %scan3A_58 : i32
      %add3A_84 = arith.constant 1 : i32
      %add3A_85 = arith.addi %mul3A_83, %add3A_84 : i32
      %add3A_86 = arith.constant 1 : i32
      %add3A_87 = arith.addi %add3A_85, %add3A_86 : i32
      %lt3A_88 = arith.constant 80 : i32
      %lt3A_89 = arith.cmpi slt, %add3A_87, %lt3A_88 : i32
      %convert_element_type3A_90 = arith.extui %lt3A_89 : i1 to i32
      %cond3A_91 = arith.constant 0 : i32
      %cond3A_92 = arith.cmpi ne, %convert_element_type3A_90, %cond3A_91 : i32
      scf.if %cond3A_92 {
        %add3A_109 = arith.constant 1 : i32
        %add3A_110 = arith.addi %add3A_85, %add3A_109 : i32
        %dma_wait3A_111 = arith.constant 0 : i32
        %dma_wait3A_112 = arith.constant 0 : i32
        %dma_wait3A_113 = tpu.memref_slice %arg7[%dma_wait3A_111, %dma_wait3A_112] : memref<2x128xi32, #tpu.memory_space<vmem>> -> memref<1x128xi32, #tpu.memory_space<vmem>>
        %dma_wait3A_114 = tpu.memref_squeeze %dma_wait3A_113 : memref<1x128xi32, #tpu.memory_space<vmem>> -> memref<128xi32, #tpu.memory_space<vmem>>
        %dma_wait3A_115 = arith.constant 0 : i32
        %dma_wait3A_116 = tpu.memref_slice %arg3[%add3A_6, %add3A_110, %dma_wait3A_115] : memref<32x80x128xi32, #tpu.memory_space<hbm>> -> memref<1x1x128xi32, #tpu.memory_space<hbm>>
        %dma_wait3A_117 = tpu.memref_squeeze %dma_wait3A_116 : memref<1x1x128xi32, #tpu.memory_space<hbm>> -> memref<128xi32, #tpu.memory_space<hbm>>
        %dma_wait3A_118 = arith.constant 0 : i32
        %dma_wait3A_119 = tpu.memref_slice %arg7[%dma_wait3A_111, %dma_wait3A_118] : memref<2x128xi32, #tpu.memory_space<vmem>> -> memref<1x128xi32, #tpu.memory_space<vmem>>
        %dma_wait3A_120 = tpu.memref_squeeze %dma_wait3A_119 : memref<1x128xi32, #tpu.memory_space<vmem>> -> memref<128xi32, #tpu.memory_space<vmem>>
        %dma_wait3A_121 = arith.constant 0 : i32
        %dma_wait3A_122 = tpu.memref_slice %arg3[%add3A_6, %add3A_110, %dma_wait3A_121] : memref<32x80x128xi32, #tpu.memory_space<hbm>> -> memref<1x1x128xi32, #tpu.memory_space<hbm>>
        %dma_wait3A_123 = tpu.memref_squeeze %dma_wait3A_122 : memref<1x1x128xi32, #tpu.memory_space<hbm>> -> memref<128xi32, #tpu.memory_space<hbm>>
        tpu.wait_dma2 semaphore(%arg14 : memref<!tpu.dma_semaphore, #tpu.memory_space<semaphore_mem>>) src(%dma_wait3A_123 : memref<128xi32, #tpu.memory_space<hbm>>) dst(%dma_wait3A_120 : memref<128xi32, #tpu.memory_space<vmem>>)
        %add3A_124 = arith.constant 1 : i32
        %add3A_125 = arith.addi %add3A_85, %add3A_124 : i32
        %dma_wait3A_126 = arith.constant 0 : i32
        %dma_wait3A_127 = arith.constant 0 : i32
        %dma_wait3A_128 = tpu.memref_slice %arg8[%dma_wait3A_126, %dma_wait3A_127] : memref<2x128xi32, #tpu.memory_space<vmem>> -> memref<1x128xi32, #tpu.memory_space<vmem>>
        %dma_wait3A_129 = tpu.memref_squeeze %dma_wait3A_128 : memref<1x128xi32, #tpu.memory_space<vmem>> -> memref<128xi32, #tpu.memory_space<vmem>>
        %dma_wait3A_130 = arith.constant 0 : i32
        %dma_wait3A_131 = tpu.memref_slice %arg4[%arg1, %add3A_125, %dma_wait3A_130] : memref<16x80x128xi32, #tpu.memory_space<hbm>> -> memref<1x1x128xi32, #tpu.memory_space<hbm>>
        %dma_wait3A_132 = tpu.memref_squeeze %dma_wait3A_131 : memref<1x1x128xi32, #tpu.memory_space<hbm>> -> memref<128xi32, #tpu.memory_space<hbm>>
        %dma_wait3A_133 = arith.constant 0 : i32
        %dma_wait3A_134 = tpu.memref_slice %arg8[%dma_wait3A_126, %dma_wait3A_133] : memref<2x128xi32, #tpu.memory_space<vmem>> -> memref<1x128xi32, #tpu.memory_space<vmem>>
        %dma_wait3A_135 = tpu.memref_squeeze %dma_wait3A_134 : memref<1x128xi32, #tpu.memory_space<vmem>> -> memref<128xi32, #tpu.memory_space<vmem>>
        %dma_wait3A_136 = arith.constant 0 : i32
        %dma_wait3A_137 = tpu.memref_slice %arg4[%arg1, %add3A_125, %dma_wait3A_136] : memref<16x80x128xi32, #tpu.memory_space<hbm>> -> memref<1x1x128xi32, #tpu.memory_space<hbm>>
        %dma_wait3A_138 = tpu.memref_squeeze %dma_wait3A_137 : memref<1x1x128xi32, #tpu.memory_space<hbm>> -> memref<128xi32, #tpu.memory_space<hbm>>
        tpu.wait_dma2 semaphore(%arg14 : memref<!tpu.dma_semaphore, #tpu.memory_space<semaphore_mem>>) src(%dma_wait3A_138 : memref<128xi32, #tpu.memory_space<hbm>>) dst(%dma_wait3A_135 : memref<128xi32, #tpu.memory_space<vmem>>)
        %dma_start3A_139 = arith.constant 0 : i32
        %dma_start3A_140 = arith.constant 0 : i32
        %dma_start3A_141 = tpu.memref_slice %arg7[%dma_start3A_139, %dma_start3A_140] : memref<2x128xi32, #tpu.memory_space<vmem>> -> memref<1x128xi32, #tpu.memory_space<vmem>>
        %dma_start3A_142 = tpu.memref_squeeze %dma_start3A_141 : memref<1x128xi32, #tpu.memory_space<vmem>> -> memref<128xi32, #tpu.memory_space<vmem>>
        %dma_start3A_143 = arith.constant 0 : i32
        %dma_start3A_144 = arith.constant 0 : i32
        %dma_start3A_145 = arith.constant 0 : i32
        %dma_start3A_146 = tpu.memref_slice %arg2[%dma_start3A_143, %dma_start3A_144, %dma_start3A_145] : memref<20000x2x128xf32, #tpu.memory_space<hbm>> -> memref<20000x2x128xf32, #tpu.memory_space<hbm>>
        tpu.enqueue_indirect_dma source(%dma_start3A_146 : memref<20000x2x128xf32, #tpu.memory_space<hbm>>) target(%arg9 : memref<128x2x128xf32, #tpu.memory_space<vmem>>) offsets(%dma_start3A_142 : memref<128xi32, #tpu.memory_space<vmem>>) semaphore(%arg12 : memref<!tpu.dma_semaphore, #tpu.memory_space<semaphore_mem>>)
      } else {
      }
      %dma_wait3A_93 = arith.constant 1 : i32
      %dma_wait3A_94 = arith.constant 0 : i32
      %dma_wait3A_95 = tpu.memref_slice %arg7[%dma_wait3A_93, %dma_wait3A_94] : memref<2x128xi32, #tpu.memory_space<vmem>> -> memref<1x128xi32, #tpu.memory_space<vmem>>
      %dma_wait3A_96 = tpu.memref_squeeze %dma_wait3A_95 : memref<1x128xi32, #tpu.memory_space<vmem>> -> memref<128xi32, #tpu.memory_space<vmem>>
      %dma_wait3A_97 = arith.constant 0 : i32
      %dma_wait3A_98 = arith.constant 0 : i32
      %dma_wait3A_99 = arith.constant 0 : i32
      %dma_wait3A_100 = tpu.memref_slice %arg2[%dma_wait3A_97, %dma_wait3A_98, %dma_wait3A_99] : memref<20000x2x128xf32, #tpu.memory_space<hbm>> -> memref<20000x2x128xf32, #tpu.memory_space<hbm>>
      tpu.wait_indirect_dma semaphore(%arg13 : memref<!tpu.dma_semaphore, #tpu.memory_space<semaphore_mem>>) src(%dma_wait3A_100 : memref<20000x2x128xf32, #tpu.memory_space<hbm>>) dst(%arg10 : memref<128x2x128xf32, #tpu.memory_space<vmem>>)
      %run_scoped3A_101 = arith.constant 1 : i32
      "tpu.region"() ({
        %run_scoped3A_109 = tpu.sem_alloc : memref<!tpu.dma_semaphore, #tpu.memory_space<semaphore_mem>>
        %dma_start3A_110 = arith.constant 0 : i32
        %dma_start3A_111 = tpu.memref_slice %arg8[%run_scoped3A_101, %dma_start3A_110] : memref<2x128xi32, #tpu.memory_space<vmem>> -> memref<1x128xi32, #tpu.memory_space<vmem>>
        %dma_start3A_112 = tpu.memref_squeeze %dma_start3A_111 : memref<1x128xi32, #tpu.memory_space<vmem>> -> memref<128xi32, #tpu.memory_space<vmem>>
        %dma_start3A_113 = arith.constant 0 : i32
        %dma_start3A_114 = arith.constant 0 : i32
        %dma_start3A_115 = arith.constant 0 : i32
        %dma_start3A_116 = tpu.memref_slice %arg11[%dma_start3A_113, %dma_start3A_114, %dma_start3A_115] : memref<2016x2x128xf32, #tpu.memory_space<vmem_shared>> -> memref<2016x2x128xf32, #tpu.memory_space<vmem_shared>>
        tpu.enqueue_indirect_dma source(%arg10 : memref<128x2x128xf32, #tpu.memory_space<vmem>>) target(%dma_start3A_116 : memref<2016x2x128xf32, #tpu.memory_space<vmem_shared>>) offsets(%dma_start3A_112 : memref<128xi32, #tpu.memory_space<vmem>>) semaphore(%run_scoped3A_109 : memref<!tpu.dma_semaphore, #tpu.memory_space<semaphore_mem>>) {add = true}
        %dma_wait3A_117 = arith.constant 0 : i32
        %dma_wait3A_118 = tpu.memref_slice %arg8[%run_scoped3A_101, %dma_wait3A_117] : memref<2x128xi32, #tpu.memory_space<vmem>> -> memref<1x128xi32, #tpu.memory_space<vmem>>
        %dma_wait3A_119 = tpu.memref_squeeze %dma_wait3A_118 : memref<1x128xi32, #tpu.memory_space<vmem>> -> memref<128xi32, #tpu.memory_space<vmem>>
        %dma_wait3A_120 = arith.constant 0 : i32
        %dma_wait3A_121 = arith.constant 0 : i32
        %dma_wait3A_122 = arith.constant 0 : i32
        %dma_wait3A_123 = tpu.memref_slice %arg11[%dma_wait3A_120, %dma_wait3A_121, %dma_wait3A_122] : memref<2016x2x128xf32, #tpu.memory_space<vmem_shared>> -> memref<2016x2x128xf32, #tpu.memory_space<vmem_shared>>
        tpu.wait_indirect_dma semaphore(%run_scoped3A_109 : memref<!tpu.dma_semaphore, #tpu.memory_space<semaphore_mem>>) src(%arg10 : memref<128x2x128xf32, #tpu.memory_space<vmem>>) dst(%dma_wait3A_123 : memref<2016x2x128xf32, #tpu.memory_space<vmem_shared>>)
        tpu.yield
      }) : () -> ()
      %add3A_102 = arith.constant 2 : i32
      %add3A_103 = arith.addi %add3A_85, %add3A_102 : i32
      %lt3A_104 = arith.constant 80 : i32
      %lt3A_105 = arith.cmpi slt, %add3A_103, %lt3A_104 : i32
      %convert_element_type3A_106 = arith.extui %lt3A_105 : i1 to i32
      %cond3A_107 = arith.constant 0 : i32
      %cond3A_108 = arith.cmpi ne, %convert_element_type3A_106, %cond3A_107 : i32
      scf.if %cond3A_108 {
        %add3A_109 = arith.constant 2 : i32
        %add3A_110 = arith.addi %add3A_85, %add3A_109 : i32
        %dma_start3A_111 = arith.constant 1 : i32
        %dma_start3A_112 = arith.constant 0 : i32
        %dma_start3A_113 = tpu.memref_slice %arg7[%dma_start3A_111, %dma_start3A_112] : memref<2x128xi32, #tpu.memory_space<vmem>> -> memref<1x128xi32, #tpu.memory_space<vmem>>
        %dma_start3A_114 = tpu.memref_squeeze %dma_start3A_113 : memref<1x128xi32, #tpu.memory_space<vmem>> -> memref<128xi32, #tpu.memory_space<vmem>>
        %dma_start3A_115 = arith.constant 0 : i32
        %dma_start3A_116 = tpu.memref_slice %arg3[%add3A_6, %add3A_110, %dma_start3A_115] : memref<32x80x128xi32, #tpu.memory_space<hbm>> -> memref<1x1x128xi32, #tpu.memory_space<hbm>>
        %dma_start3A_117 = tpu.memref_squeeze %dma_start3A_116 : memref<1x1x128xi32, #tpu.memory_space<hbm>> -> memref<128xi32, #tpu.memory_space<hbm>>
        %dma_start3A_118 = arith.constant 0 : i32
        %dma_start3A_119 = tpu.memref_slice %arg7[%dma_start3A_111, %dma_start3A_118] : memref<2x128xi32, #tpu.memory_space<vmem>> -> memref<1x128xi32, #tpu.memory_space<vmem>>
        %dma_start3A_120 = tpu.memref_squeeze %dma_start3A_119 : memref<1x128xi32, #tpu.memory_space<vmem>> -> memref<128xi32, #tpu.memory_space<vmem>>
        %dma_start3A_121 = arith.constant 0 : i32
        %dma_start3A_122 = tpu.memref_slice %arg3[%add3A_6, %add3A_110, %dma_start3A_121] : memref<32x80x128xi32, #tpu.memory_space<hbm>> -> memref<1x1x128xi32, #tpu.memory_space<hbm>>
        %dma_start3A_123 = tpu.memref_squeeze %dma_start3A_122 : memref<1x1x128xi32, #tpu.memory_space<hbm>> -> memref<128xi32, #tpu.memory_space<hbm>>
        tpu.enqueue_dma source(%dma_start3A_123 : memref<128xi32, #tpu.memory_space<hbm>>) target(%dma_start3A_120 : memref<128xi32, #tpu.memory_space<vmem>>) target_semaphore(%arg15 : memref<!tpu.dma_semaphore, #tpu.memory_space<semaphore_mem>>)
        %add3A_124 = arith.constant 2 : i32
        %add3A_125 = arith.addi %add3A_85, %add3A_124 : i32
        %dma_start3A_126 = arith.constant 1 : i32
        %dma_start3A_127 = arith.constant 0 : i32
        %dma_start3A_128 = tpu.memref_slice %arg8[%dma_start3A_126, %dma_start3A_127] : memref<2x128xi32, #tpu.memory_space<vmem>> -> memref<1x128xi32, #tpu.memory_space<vmem>>
        %dma_start3A_129 = tpu.memref_squeeze %dma_start3A_128 : memref<1x128xi32, #tpu.memory_space<vmem>> -> memref<128xi32, #tpu.memory_space<vmem>>
        %dma_start3A_130 = arith.constant 0 : i32
        %dma_start3A_131 = tpu.memref_slice %arg4[%arg1, %add3A_125, %dma_start3A_130] : memref<16x80x128xi32, #tpu.memory_space<hbm>> -> memref<1x1x128xi32, #tpu.memory_space<hbm>>
        %dma_start3A_132 = tpu.memref_squeeze %dma_start3A_131 : memref<1x1x128xi32, #tpu.memory_space<hbm>> -> memref<128xi32, #tpu.memory_space<hbm>>
        %dma_start3A_133 = arith.constant 0 : i32
        %dma_start3A_134 = tpu.memref_slice %arg8[%dma_start3A_126, %dma_start3A_133] : memref<2x128xi32, #tpu.memory_space<vmem>> -> memref<1x128xi32, #tpu.memory_space<vmem>>
        %dma_start3A_135 = tpu.memref_squeeze %dma_start3A_134 : memref<1x128xi32, #tpu.memory_space<vmem>> -> memref<128xi32, #tpu.memory_space<vmem>>
        %dma_start3A_136 = arith.constant 0 : i32
        %dma_start3A_137 = tpu.memref_slice %arg4[%arg1, %add3A_125, %dma_start3A_136] : memref<16x80x128xi32, #tpu.memory_space<hbm>> -> memref<1x1x128xi32, #tpu.memory_space<hbm>>
        %dma_start3A_138 = tpu.memref_squeeze %dma_start3A_137 : memref<1x1x128xi32, #tpu.memory_space<hbm>> -> memref<128xi32, #tpu.memory_space<hbm>>
        tpu.enqueue_dma source(%dma_start3A_138 : memref<128xi32, #tpu.memory_space<hbm>>) target(%dma_start3A_135 : memref<128xi32, #tpu.memory_space<vmem>>) target_semaphore(%arg15 : memref<!tpu.dma_semaphore, #tpu.memory_space<semaphore_mem>>)
      } else {
      }
    }
    %scan3A_51 = arith.constant 40 : i32
    %barrier3A_52 = arith.constant 0 : index
    tpu.barrier barrier_id(%barrier3A_52)
    %add3A_53 = arith.constant 0 : i32
    %add3A_54 = arith.addi %mul3A_0, %add3A_53 : i32
    %add3A_55 = arith.constant 0 : i32
    %add3A_56 = arith.addi %mul3A_0, %add3A_55 : i32
    "tpu.region"() ({
      %run_scoped3A_58 = tpu.sem_alloc : memref<!tpu.dma_semaphore, #tpu.memory_space<semaphore_mem>>
      %dma_start3A_59 = arith.constant 0 : i32
      %dma_start3A_60 = arith.constant 0 : i32
      %dma_start3A_61 = tpu.memref_slice %arg6[%add3A_3, %add3A_56, %dma_start3A_59, %dma_start3A_60] : memref<2x2016x2x128xf32, #tpu.memory_space<hbm>> -> memref<1x126x2x128xf32, #tpu.memory_space<hbm>>
      %dma_start3A_62 = tpu.memref_squeeze %dma_start3A_61 : memref<1x126x2x128xf32, #tpu.memory_space<hbm>> -> memref<126x2x128xf32, #tpu.memory_space<hbm>>
      %dma_start3A_63 = arith.constant 0 : i32
      %dma_start3A_64 = arith.constant 0 : i32
      %dma_start3A_65 = tpu.memref_slice %arg11[%add3A_54, %dma_start3A_63, %dma_start3A_64] : memref<2016x2x128xf32, #tpu.memory_space<vmem_shared>> -> memref<126x2x128xf32, #tpu.memory_space<vmem_shared>>
      tpu.enqueue_dma source(%dma_start3A_65 : memref<126x2x128xf32, #tpu.memory_space<vmem_shared>>) target(%dma_start3A_62 : memref<126x2x128xf32, #tpu.memory_space<hbm>>) target_semaphore(%run_scoped3A_58 : memref<!tpu.dma_semaphore, #tpu.memory_space<semaphore_mem>>)
      %dma_wait3A = arith.constant 0 : i32
      %dma_wait3A_66 = arith.constant 0 : i32
      %dma_wait3A_67 = tpu.memref_slice %arg6[%add3A_3, %add3A_56, %dma_wait3A, %dma_wait3A_66] : memref<2x2016x2x128xf32, #tpu.memory_space<hbm>> -> memref<1x126x2x128xf32, #tpu.memory_space<hbm>>
      %dma_wait3A_68 = tpu.memref_squeeze %dma_wait3A_67 : memref<1x126x2x128xf32, #tpu.memory_space<hbm>> -> memref<126x2x128xf32, #tpu.memory_space<hbm>>
      %dma_wait3A_69 = arith.constant 0 : i32
      %dma_wait3A_70 = arith.constant 0 : i32
      %dma_wait3A_71 = tpu.memref_slice %arg11[%add3A_54, %dma_wait3A_69, %dma_wait3A_70] : memref<2016x2x128xf32, #tpu.memory_space<vmem_shared>> -> memref<126x2x128xf32, #tpu.memory_space<vmem_shared>>
      tpu.wait_dma2 semaphore(%run_scoped3A_58 : memref<!tpu.dma_semaphore, #tpu.memory_space<semaphore_mem>>) src(%dma_wait3A_71 : memref<126x2x128xf32, #tpu.memory_space<vmem_shared>>) dst(%dma_wait3A_68 : memref<126x2x128xf32, #tpu.memory_space<hbm>>)
      tpu.yield
    }) : () -> ()
    %barrier3A_57 = arith.constant 0 : index
    tpu.barrier barrier_id(%barrier3A_57)
    return
  }
}

#map = affine_map<(d0, d1) -> (0, 0, 0)>
#map1 = affine_map<(d0, d1) -> (0, 0, 0, 0)>
module attributes {stable_mosaic.version = 14 : i64} {
  func.func @k(%arg0: i32, %arg1: i32, %arg2: memref<8000x1x128xf32, #tpu.memory_space<hbm>>, %arg3: memref<64x80x128xi32, #tpu.memory_space<hbm>>, %arg4: memref<16x80x128xi32, #tpu.memory_space<hbm>>, %arg5: memref<128x1x128xf32, #tpu.memory_space<hbm>>, %arg6: memref<4x10016x1x128xf32, #tpu.memory_space<hbm>>, %arg7: memref<2x128xi32, #tpu.memory_space<vmem>>, %arg8: memref<2x128xi32, #tpu.memory_space<vmem>>, %arg9: memref<128x1x128xf32, #tpu.memory_space<vmem>>, %arg10: memref<128x1x128xf32, #tpu.memory_space<vmem>>, %arg11: memref<10016x1x128xf32, #tpu.memory_space<vmem_shared>>, %arg12: memref<!tpu.dma_semaphore, #tpu.memory_space<semaphore_mem>>, %arg13: memref<!tpu.dma_semaphore, #tpu.memory_space<semaphore_mem>>, %arg14: memref<!tpu.dma_semaphore, #tpu.memory_space<semaphore_mem>>, %arg15: memref<!tpu.dma_semaphore, #tpu.memory_space<semaphore_mem>>) attributes {dimension_semantics = [#tpu.dimension_semantics<core_parallel>, #tpu.dimension_semantics<subcore_parallel>], iteration_bounds = array<i64: 2, 16>, scalar_prefetch = 0 : i64, scratch_operands = 9 : i64, tpu.core_type = #tpu.core_type<sc_vector_subcore>, window_params = [{transform_indices = #map}, {transform_indices = #map}, {transform_indices = #map}, {transform_indices = #map}, {transform_indices = #map1}]} {
    %mul3A = arith.constant 626 : i32
    %mul3A_0 = arith.muli %arg1, %mul3A : i32
    %mul3A_1 = arith.constant 2 : i32
    %mul3A_2 = arith.muli %arg0, %mul3A_1 : i32
    %add3A = arith.constant 0 : i32
    %add3A_3 = arith.addi %mul3A_2, %add3A : i32
    %mul3A_4 = arith.constant 16 : i32
    %mul3A_5 = arith.muli %add3A_3, %mul3A_4 : i32
    %add3A_6 = arith.addi %mul3A_5, %arg1 : i32
    %add3A_7 = arith.constant 0 : i32
    %add3A_8 = arith.addi %mul3A_0, %add3A_7 : i32
    "tpu.region"() ({
      %run_scoped3A_168 = tpu.sem_alloc : memref<!tpu.dma_semaphore, #tpu.memory_space<semaphore_mem>>
      %dma_start3A_169 = arith.constant 0 : i32
      %dma_start3A_170 = arith.constant 0 : i32
      %dma_start3A_171 = tpu.memref_slice %arg11[%add3A_8, %dma_start3A_169, %dma_start3A_170] : memref<10016x1x128xf32, #tpu.memory_space<vmem_shared>> -> memref<128x1x128xf32, #tpu.memory_space<vmem_shared>>
      tpu.enqueue_dma source(%arg5 : memref<128x1x128xf32, #tpu.memory_space<hbm>>) target(%dma_start3A_171 : memref<128x1x128xf32, #tpu.memory_space<vmem_shared>>) target_semaphore(%run_scoped3A_168 : memref<!tpu.dma_semaphore, #tpu.memory_space<semaphore_mem>>)
      %dma_wait3A = arith.constant 0 : i32
      %dma_wait3A_172 = arith.constant 0 : i32
      %dma_wait3A_173 = tpu.memref_slice %arg11[%add3A_8, %dma_wait3A, %dma_wait3A_172] : memref<10016x1x128xf32, #tpu.memory_space<vmem_shared>> -> memref<128x1x128xf32, #tpu.memory_space<vmem_shared>>
      tpu.wait_dma2 semaphore(%run_scoped3A_168 : memref<!tpu.dma_semaphore, #tpu.memory_space<semaphore_mem>>) src(%arg5 : memref<128x1x128xf32, #tpu.memory_space<hbm>>) dst(%dma_wait3A_173 : memref<128x1x128xf32, #tpu.memory_space<vmem_shared>>)
      tpu.yield
    }) : () -> ()
    %add3A_9 = arith.constant 128 : i32
    %add3A_10 = arith.addi %mul3A_0, %add3A_9 : i32
    "tpu.region"() ({
      %run_scoped3A_168 = tpu.sem_alloc : memref<!tpu.dma_semaphore, #tpu.memory_space<semaphore_mem>>
      %dma_start3A_169 = arith.constant 0 : i32
      %dma_start3A_170 = arith.constant 0 : i32
      %dma_start3A_171 = tpu.memref_slice %arg11[%add3A_10, %dma_start3A_169, %dma_start3A_170] : memref<10016x1x128xf32, #tpu.memory_space<vmem_shared>> -> memref<128x1x128xf32, #tpu.memory_space<vmem_shared>>
      tpu.enqueue_dma source(%arg5 : memref<128x1x128xf32, #tpu.memory_space<hbm>>) target(%dma_start3A_171 : memref<128x1x128xf32, #tpu.memory_space<vmem_shared>>) target_semaphore(%run_scoped3A_168 : memref<!tpu.dma_semaphore, #tpu.memory_space<semaphore_mem>>)
      %dma_wait3A = arith.constant 0 : i32
      %dma_wait3A_172 = arith.constant 0 : i32
      %dma_wait3A_173 = tpu.memref_slice %arg11[%add3A_10, %dma_wait3A, %dma_wait3A_172] : memref<10016x1x128xf32, #tpu.memory_space<vmem_shared>> -> memref<128x1x128xf32, #tpu.memory_space<vmem_shared>>
      tpu.wait_dma2 semaphore(%run_scoped3A_168 : memref<!tpu.dma_semaphore, #tpu.memory_space<semaphore_mem>>) src(%arg5 : memref<128x1x128xf32, #tpu.memory_space<hbm>>) dst(%dma_wait3A_173 : memref<128x1x128xf32, #tpu.memory_space<vmem_shared>>)
      tpu.yield
    }) : () -> ()
    %add3A_11 = arith.constant 256 : i32
    %add3A_12 = arith.addi %mul3A_0, %add3A_11 : i32
    "tpu.region"() ({
      %run_scoped3A_168 = tpu.sem_alloc : memref<!tpu.dma_semaphore, #tpu.memory_space<semaphore_mem>>
      %dma_start3A_169 = arith.constant 0 : i32
      %dma_start3A_170 = arith.constant 0 : i32
      %dma_start3A_171 = tpu.memref_slice %arg11[%add3A_12, %dma_start3A_169, %dma_start3A_170] : memref<10016x1x128xf32, #tpu.memory_space<vmem_shared>> -> memref<128x1x128xf32, #tpu.memory_space<vmem_shared>>
      tpu.enqueue_dma source(%arg5 : memref<128x1x128xf32, #tpu.memory_space<hbm>>) target(%dma_start3A_171 : memref<128x1x128xf32, #tpu.memory_space<vmem_shared>>) target_semaphore(%run_scoped3A_168 : memref<!tpu.dma_semaphore, #tpu.memory_space<semaphore_mem>>)
      %dma_wait3A = arith.constant 0 : i32
      %dma_wait3A_172 = arith.constant 0 : i32
      %dma_wait3A_173 = tpu.memref_slice %arg11[%add3A_12, %dma_wait3A, %dma_wait3A_172] : memref<10016x1x128xf32, #tpu.memory_space<vmem_shared>> -> memref<128x1x128xf32, #tpu.memory_space<vmem_shared>>
      tpu.wait_dma2 semaphore(%run_scoped3A_168 : memref<!tpu.dma_semaphore, #tpu.memory_space<semaphore_mem>>) src(%arg5 : memref<128x1x128xf32, #tpu.memory_space<hbm>>) dst(%dma_wait3A_173 : memref<128x1x128xf32, #tpu.memory_space<vmem_shared>>)
      tpu.yield
    }) : () -> ()
    %add3A_13 = arith.constant 384 : i32
    %add3A_14 = arith.addi %mul3A_0, %add3A_13 : i32
    "tpu.region"() ({
      %run_scoped3A_168 = tpu.sem_alloc : memref<!tpu.dma_semaphore, #tpu.memory_space<semaphore_mem>>
      %dma_start3A_169 = arith.constant 0 : i32
      %dma_start3A_170 = arith.constant 0 : i32
      %dma_start3A_171 = tpu.memref_slice %arg11[%add3A_14, %dma_start3A_169, %dma_start3A_170] : memref<10016x1x128xf32, #tpu.memory_space<vmem_shared>> -> memref<128x1x128xf32, #tpu.memory_space<vmem_shared>>
      tpu.enqueue_dma source(%arg5 : memref<128x1x128xf32, #tpu.memory_space<hbm>>) target(%dma_start3A_171 : memref<128x1x128xf32, #tpu.memory_space<vmem_shared>>) target_semaphore(%run_scoped3A_168 : memref<!tpu.dma_semaphore, #tpu.memory_space<semaphore_mem>>)
      %dma_wait3A = arith.constant 0 : i32
      %dma_wait3A_172 = arith.constant 0 : i32
      %dma_wait3A_173 = tpu.memref_slice %arg11[%add3A_14, %dma_wait3A, %dma_wait3A_172] : memref<10016x1x128xf32, #tpu.memory_space<vmem_shared>> -> memref<128x1x128xf32, #tpu.memory_space<vmem_shared>>
      tpu.wait_dma2 semaphore(%run_scoped3A_168 : memref<!tpu.dma_semaphore, #tpu.memory_space<semaphore_mem>>) src(%arg5 : memref<128x1x128xf32, #tpu.memory_space<hbm>>) dst(%dma_wait3A_173 : memref<128x1x128xf32, #tpu.memory_space<vmem_shared>>)
      tpu.yield
    }) : () -> ()
    %add3A_15 = arith.constant 512 : i32
    %add3A_16 = arith.addi %mul3A_0, %add3A_15 : i32
    "tpu.region"() ({
      %run_scoped3A_168 = tpu.sem_alloc : memref<!tpu.dma_semaphore, #tpu.memory_space<semaphore_mem>>
      %dma_start3A_169 = arith.constant 0 : i32
      %dma_start3A_170 = arith.constant 0 : i32
      %dma_start3A_171 = tpu.memref_slice %arg11[%add3A_16, %dma_start3A_169, %dma_start3A_170] : memref<10016x1x128xf32, #tpu.memory_space<vmem_shared>> -> memref<114x1x128xf32, #tpu.memory_space<vmem_shared>>
      %dma_start3A_172 = arith.constant 0 : i32
      %dma_start3A_173 = arith.constant 0 : i32
      %dma_start3A_174 = arith.constant 0 : i32
      %dma_start3A_175 = tpu.memref_slice %arg5[%dma_start3A_172, %dma_start3A_173, %dma_start3A_174] : memref<128x1x128xf32, #tpu.memory_space<hbm>> -> memref<114x1x128xf32, #tpu.memory_space<hbm>>
      tpu.enqueue_dma source(%dma_start3A_175 : memref<114x1x128xf32, #tpu.memory_space<hbm>>) target(%dma_start3A_171 : memref<114x1x128xf32, #tpu.memory_space<vmem_shared>>) target_semaphore(%run_scoped3A_168 : memref<!tpu.dma_semaphore, #tpu.memory_space<semaphore_mem>>)
      %dma_wait3A = arith.constant 0 : i32
      %dma_wait3A_176 = arith.constant 0 : i32
      %dma_wait3A_177 = tpu.memref_slice %arg11[%add3A_16, %dma_wait3A, %dma_wait3A_176] : memref<10016x1x128xf32, #tpu.memory_space<vmem_shared>> -> memref<114x1x128xf32, #tpu.memory_space<vmem_shared>>
      %dma_wait3A_178 = arith.constant 0 : i32
      %dma_wait3A_179 = arith.constant 0 : i32
      %dma_wait3A_180 = arith.constant 0 : i32
      %dma_wait3A_181 = tpu.memref_slice %arg5[%dma_wait3A_178, %dma_wait3A_179, %dma_wait3A_180] : memref<128x1x128xf32, #tpu.memory_space<hbm>> -> memref<114x1x128xf32, #tpu.memory_space<hbm>>
      tpu.wait_dma2 semaphore(%run_scoped3A_168 : memref<!tpu.dma_semaphore, #tpu.memory_space<semaphore_mem>>) src(%dma_wait3A_181 : memref<114x1x128xf32, #tpu.memory_space<hbm>>) dst(%dma_wait3A_177 : memref<114x1x128xf32, #tpu.memory_space<vmem_shared>>)
      tpu.yield
    }) : () -> ()
    %barrier3A = arith.constant 0 : index
    tpu.barrier barrier_id(%barrier3A)
    %run_scoped3A = arith.constant 0 : i32
    %run_scoped3A_17 = arith.constant 0 : i32
    "tpu.region"() ({
      %run_scoped3A_168 = tpu.sem_alloc : memref<!tpu.dma_semaphore, #tpu.memory_space<semaphore_mem>>
      %dma_start3A_169 = arith.constant 0 : i32
      %dma_start3A_170 = tpu.memref_slice %arg7[%run_scoped3A_17, %dma_start3A_169] : memref<2x128xi32, #tpu.memory_space<vmem>> -> memref<1x128xi32, #tpu.memory_space<vmem>>
      %dma_start3A_171 = tpu.memref_squeeze %dma_start3A_170 : memref<1x128xi32, #tpu.memory_space<vmem>> -> memref<128xi32, #tpu.memory_space<vmem>>
      %dma_start3A_172 = arith.constant 0 : i32
      %dma_start3A_173 = tpu.memref_slice %arg3[%add3A_6, %run_scoped3A, %dma_start3A_172] : memref<64x80x128xi32, #tpu.memory_space<hbm>> -> memref<1x1x128xi32, #tpu.memory_space<hbm>>
      %dma_start3A_174 = tpu.memref_squeeze %dma_start3A_173 : memref<1x1x128xi32, #tpu.memory_space<hbm>> -> memref<128xi32, #tpu.memory_space<hbm>>
      %dma_start3A_175 = arith.constant 0 : i32
      %dma_start3A_176 = tpu.memref_slice %arg7[%run_scoped3A_17, %dma_start3A_175] : memref<2x128xi32, #tpu.memory_space<vmem>> -> memref<1x128xi32, #tpu.memory_space<vmem>>
      %dma_start3A_177 = tpu.memref_squeeze %dma_start3A_176 : memref<1x128xi32, #tpu.memory_space<vmem>> -> memref<128xi32, #tpu.memory_space<vmem>>
      %dma_start3A_178 = arith.constant 0 : i32
      %dma_start3A_179 = tpu.memref_slice %arg3[%add3A_6, %run_scoped3A, %dma_start3A_178] : memref<64x80x128xi32, #tpu.memory_space<hbm>> -> memref<1x1x128xi32, #tpu.memory_space<hbm>>
      %dma_start3A_180 = tpu.memref_squeeze %dma_start3A_179 : memref<1x1x128xi32, #tpu.memory_space<hbm>> -> memref<128xi32, #tpu.memory_space<hbm>>
      tpu.enqueue_dma source(%dma_start3A_180 : memref<128xi32, #tpu.memory_space<hbm>>) target(%dma_start3A_177 : memref<128xi32, #tpu.memory_space<vmem>>) target_semaphore(%run_scoped3A_168 : memref<!tpu.dma_semaphore, #tpu.memory_space<semaphore_mem>>)
      %dma_wait3A = arith.constant 0 : i32
      %dma_wait3A_181 = tpu.memref_slice %arg7[%run_scoped3A_17, %dma_wait3A] : memref<2x128xi32, #tpu.memory_space<vmem>> -> memref<1x128xi32, #tpu.memory_space<vmem>>
      %dma_wait3A_182 = tpu.memref_squeeze %dma_wait3A_181 : memref<1x128xi32, #tpu.memory_space<vmem>> -> memref<128xi32, #tpu.memory_space<vmem>>
      %dma_wait3A_183 = arith.constant 0 : i32
      %dma_wait3A_184 = tpu.memref_slice %arg3[%add3A_6, %run_scoped3A, %dma_wait3A_183] : memref<64x80x128xi32, #tpu.memory_space<hbm>> -> memref<1x1x128xi32, #tpu.memory_space<hbm>>
      %dma_wait3A_185 = tpu.memref_squeeze %dma_wait3A_184 : memref<1x1x128xi32, #tpu.memory_space<hbm>> -> memref<128xi32, #tpu.memory_space<hbm>>
      %dma_wait3A_186 = arith.constant 0 : i32
      %dma_wait3A_187 = tpu.memref_slice %arg7[%run_scoped3A_17, %dma_wait3A_186] : memref<2x128xi32, #tpu.memory_space<vmem>> -> memref<1x128xi32, #tpu.memory_space<vmem>>
      %dma_wait3A_188 = tpu.memref_squeeze %dma_wait3A_187 : memref<1x128xi32, #tpu.memory_space<vmem>> -> memref<128xi32, #tpu.memory_space<vmem>>
      %dma_wait3A_189 = arith.constant 0 : i32
      %dma_wait3A_190 = tpu.memref_slice %arg3[%add3A_6, %run_scoped3A, %dma_wait3A_189] : memref<64x80x128xi32, #tpu.memory_space<hbm>> -> memref<1x1x128xi32, #tpu.memory_space<hbm>>
      %dma_wait3A_191 = tpu.memref_squeeze %dma_wait3A_190 : memref<1x1x128xi32, #tpu.memory_space<hbm>> -> memref<128xi32, #tpu.memory_space<hbm>>
      tpu.wait_dma2 semaphore(%run_scoped3A_168 : memref<!tpu.dma_semaphore, #tpu.memory_space<semaphore_mem>>) src(%dma_wait3A_191 : memref<128xi32, #tpu.memory_space<hbm>>) dst(%dma_wait3A_188 : memref<128xi32, #tpu.memory_space<vmem>>)
      tpu.yield
    }) : () -> ()
    %run_scoped3A_18 = arith.constant 0 : i32
    %run_scoped3A_19 = arith.constant 0 : i32
    "tpu.region"() ({
      %run_scoped3A_168 = tpu.sem_alloc : memref<!tpu.dma_semaphore, #tpu.memory_space<semaphore_mem>>
      %dma_start3A_169 = arith.constant 0 : i32
      %dma_start3A_170 = tpu.memref_slice %arg8[%run_scoped3A_19, %dma_start3A_169] : memref<2x128xi32, #tpu.memory_space<vmem>> -> memref<1x128xi32, #tpu.memory_space<vmem>>
      %dma_start3A_171 = tpu.memref_squeeze %dma_start3A_170 : memref<1x128xi32, #tpu.memory_space<vmem>> -> memref<128xi32, #tpu.memory_space<vmem>>
      %dma_start3A_172 = arith.constant 0 : i32
      %dma_start3A_173 = tpu.memref_slice %arg4[%arg1, %run_scoped3A_18, %dma_start3A_172] : memref<16x80x128xi32, #tpu.memory_space<hbm>> -> memref<1x1x128xi32, #tpu.memory_space<hbm>>
      %dma_start3A_174 = tpu.memref_squeeze %dma_start3A_173 : memref<1x1x128xi32, #tpu.memory_space<hbm>> -> memref<128xi32, #tpu.memory_space<hbm>>
      %dma_start3A_175 = arith.constant 0 : i32
      %dma_start3A_176 = tpu.memref_slice %arg8[%run_scoped3A_19, %dma_start3A_175] : memref<2x128xi32, #tpu.memory_space<vmem>> -> memref<1x128xi32, #tpu.memory_space<vmem>>
      %dma_start3A_177 = tpu.memref_squeeze %dma_start3A_176 : memref<1x128xi32, #tpu.memory_space<vmem>> -> memref<128xi32, #tpu.memory_space<vmem>>
      %dma_start3A_178 = arith.constant 0 : i32
      %dma_start3A_179 = tpu.memref_slice %arg4[%arg1, %run_scoped3A_18, %dma_start3A_178] : memref<16x80x128xi32, #tpu.memory_space<hbm>> -> memref<1x1x128xi32, #tpu.memory_space<hbm>>
      %dma_start3A_180 = tpu.memref_squeeze %dma_start3A_179 : memref<1x1x128xi32, #tpu.memory_space<hbm>> -> memref<128xi32, #tpu.memory_space<hbm>>
      tpu.enqueue_dma source(%dma_start3A_180 : memref<128xi32, #tpu.memory_space<hbm>>) target(%dma_start3A_177 : memref<128xi32, #tpu.memory_space<vmem>>) target_semaphore(%run_scoped3A_168 : memref<!tpu.dma_semaphore, #tpu.memory_space<semaphore_mem>>)
      %dma_wait3A = arith.constant 0 : i32
      %dma_wait3A_181 = tpu.memref_slice %arg8[%run_scoped3A_19, %dma_wait3A] : memref<2x128xi32, #tpu.memory_space<vmem>> -> memref<1x128xi32, #tpu.memory_space<vmem>>
      %dma_wait3A_182 = tpu.memref_squeeze %dma_wait3A_181 : memref<1x128xi32, #tpu.memory_space<vmem>> -> memref<128xi32, #tpu.memory_space<vmem>>
      %dma_wait3A_183 = arith.constant 0 : i32
      %dma_wait3A_184 = tpu.memref_slice %arg4[%arg1, %run_scoped3A_18, %dma_wait3A_183] : memref<16x80x128xi32, #tpu.memory_space<hbm>> -> memref<1x1x128xi32, #tpu.memory_space<hbm>>
      %dma_wait3A_185 = tpu.memref_squeeze %dma_wait3A_184 : memref<1x1x128xi32, #tpu.memory_space<hbm>> -> memref<128xi32, #tpu.memory_space<hbm>>
      %dma_wait3A_186 = arith.constant 0 : i32
      %dma_wait3A_187 = tpu.memref_slice %arg8[%run_scoped3A_19, %dma_wait3A_186] : memref<2x128xi32, #tpu.memory_space<vmem>> -> memref<1x128xi32, #tpu.memory_space<vmem>>
      %dma_wait3A_188 = tpu.memref_squeeze %dma_wait3A_187 : memref<1x128xi32, #tpu.memory_space<vmem>> -> memref<128xi32, #tpu.memory_space<vmem>>
      %dma_wait3A_189 = arith.constant 0 : i32
      %dma_wait3A_190 = tpu.memref_slice %arg4[%arg1, %run_scoped3A_18, %dma_wait3A_189] : memref<16x80x128xi32, #tpu.memory_space<hbm>> -> memref<1x1x128xi32, #tpu.memory_space<hbm>>
      %dma_wait3A_191 = tpu.memref_squeeze %dma_wait3A_190 : memref<1x1x128xi32, #tpu.memory_space<hbm>> -> memref<128xi32, #tpu.memory_space<hbm>>
      tpu.wait_dma2 semaphore(%run_scoped3A_168 : memref<!tpu.dma_semaphore, #tpu.memory_space<semaphore_mem>>) src(%dma_wait3A_191 : memref<128xi32, #tpu.memory_space<hbm>>) dst(%dma_wait3A_188 : memref<128xi32, #tpu.memory_space<vmem>>)
      tpu.yield
    }) : () -> ()
    %dma_start3A = arith.constant 0 : i32
    %dma_start3A_20 = arith.constant 0 : i32
    %dma_start3A_21 = tpu.memref_slice %arg7[%dma_start3A, %dma_start3A_20] : memref<2x128xi32, #tpu.memory_space<vmem>> -> memref<1x128xi32, #tpu.memory_space<vmem>>
    %dma_start3A_22 = tpu.memref_squeeze %dma_start3A_21 : memref<1x128xi32, #tpu.memory_space<vmem>> -> memref<128xi32, #tpu.memory_space<vmem>>
    %dma_start3A_23 = arith.constant 0 : i32
    %dma_start3A_24 = arith.constant 0 : i32
    %dma_start3A_25 = arith.constant 0 : i32
    %dma_start3A_26 = tpu.memref_slice %arg2[%dma_start3A_23, %dma_start3A_24, %dma_start3A_25] : memref<8000x1x128xf32, #tpu.memory_space<hbm>> -> memref<8000x1x128xf32, #tpu.memory_space<hbm>>
    tpu.enqueue_indirect_dma source(%dma_start3A_26 : memref<8000x1x128xf32, #tpu.memory_space<hbm>>) target(%arg9 : memref<128x1x128xf32, #tpu.memory_space<vmem>>) offsets(%dma_start3A_22 : memref<128xi32, #tpu.memory_space<vmem>>) semaphore(%arg12 : memref<!tpu.dma_semaphore, #tpu.memory_space<semaphore_mem>>)
    %dma_start3A_27 = arith.constant 1 : i32
    %dma_start3A_28 = arith.constant 1 : i32
    %dma_start3A_29 = arith.constant 0 : i32
    %dma_start3A_30 = tpu.memref_slice %arg7[%dma_start3A_28, %dma_start3A_29] : memref<2x128xi32, #tpu.memory_space<vmem>> -> memref<1x128xi32, #tpu.memory_space<vmem>>
    %dma_start3A_31 = tpu.memref_squeeze %dma_start3A_30 : memref<1x128xi32, #tpu.memory_space<vmem>> -> memref<128xi32, #tpu.memory_space<vmem>>
    %dma_start3A_32 = arith.constant 0 : i32
    %dma_start3A_33 = tpu.memref_slice %arg3[%add3A_6, %dma_start3A_27, %dma_start3A_32] : memref<64x80x128xi32, #tpu.memory_space<hbm>> -> memref<1x1x128xi32, #tpu.memory_space<hbm>>
    %dma_start3A_34 = tpu.memref_squeeze %dma_start3A_33 : memref<1x1x128xi32, #tpu.memory_space<hbm>> -> memref<128xi32, #tpu.memory_space<hbm>>
    %dma_start3A_35 = arith.constant 0 : i32
    %dma_start3A_36 = tpu.memref_slice %arg7[%dma_start3A_28, %dma_start3A_35] : memref<2x128xi32, #tpu.memory_space<vmem>> -> memref<1x128xi32, #tpu.memory_space<vmem>>
    %dma_start3A_37 = tpu.memref_squeeze %dma_start3A_36 : memref<1x128xi32, #tpu.memory_space<vmem>> -> memref<128xi32, #tpu.memory_space<vmem>>
    %dma_start3A_38 = arith.constant 0 : i32
    %dma_start3A_39 = tpu.memref_slice %arg3[%add3A_6, %dma_start3A_27, %dma_start3A_38] : memref<64x80x128xi32, #tpu.memory_space<hbm>> -> memref<1x1x128xi32, #tpu.memory_space<hbm>>
    %dma_start3A_40 = tpu.memref_squeeze %dma_start3A_39 : memref<1x1x128xi32, #tpu.memory_space<hbm>> -> memref<128xi32, #tpu.memory_space<hbm>>
    tpu.enqueue_dma source(%dma_start3A_40 : memref<128xi32, #tpu.memory_space<hbm>>) target(%dma_start3A_37 : memref<128xi32, #tpu.memory_space<vmem>>) target_semaphore(%arg15 : memref<!tpu.dma_semaphore, #tpu.memory_space<semaphore_mem>>)
    %dma_start3A_41 = arith.constant 1 : i32
    %dma_start3A_42 = arith.constant 1 : i32
    %dma_start3A_43 = arith.constant 0 : i32
    %dma_start3A_44 = tpu.memref_slice %arg8[%dma_start3A_42, %dma_start3A_43] : memref<2x128xi32, #tpu.memory_space<vmem>> -> memref<1x128xi32, #tpu.memory_space<vmem>>
    %dma_start3A_45 = tpu.memref_squeeze %dma_start3A_44 : memref<1x128xi32, #tpu.memory_space<vmem>> -> memref<128xi32, #tpu.memory_space<vmem>>
    %dma_start3A_46 = arith.constant 0 : i32
    %dma_start3A_47 = tpu.memref_slice %arg4[%arg1, %dma_start3A_41, %dma_start3A_46] : memref<16x80x128xi32, #tpu.memory_space<hbm>> -> memref<1x1x128xi32, #tpu.memory_space<hbm>>
    %dma_start3A_48 = tpu.memref_squeeze %dma_start3A_47 : memref<1x1x128xi32, #tpu.memory_space<hbm>> -> memref<128xi32, #tpu.memory_space<hbm>>
    %dma_start3A_49 = arith.constant 0 : i32
    %dma_start3A_50 = tpu.memref_slice %arg8[%dma_start3A_42, %dma_start3A_49] : memref<2x128xi32, #tpu.memory_space<vmem>> -> memref<1x128xi32, #tpu.memory_space<vmem>>
    %dma_start3A_51 = tpu.memref_squeeze %dma_start3A_50 : memref<1x128xi32, #tpu.memory_space<vmem>> -> memref<128xi32, #tpu.memory_space<vmem>>
    %dma_start3A_52 = arith.constant 0 : i32
    %dma_start3A_53 = tpu.memref_slice %arg4[%arg1, %dma_start3A_41, %dma_start3A_52] : memref<16x80x128xi32, #tpu.memory_space<hbm>> -> memref<1x1x128xi32, #tpu.memory_space<hbm>>
    %dma_start3A_54 = tpu.memref_squeeze %dma_start3A_53 : memref<1x1x128xi32, #tpu.memory_space<hbm>> -> memref<128xi32, #tpu.memory_space<hbm>>
    tpu.enqueue_dma source(%dma_start3A_54 : memref<128xi32, #tpu.memory_space<hbm>>) target(%dma_start3A_51 : memref<128xi32, #tpu.memory_space<vmem>>) target_semaphore(%arg15 : memref<!tpu.dma_semaphore, #tpu.memory_space<semaphore_mem>>)
    %scan3A = arith.constant 0 : i32
    %scan3A_55 = arith.constant 0 : i32
    %scan3A_56 = arith.constant 40 : i32
    %scan3A_57 = arith.addi %scan3A_55, %scan3A_56 : i32
    %scan3A_58 = arith.constant 1 : i32
    scf.for %scan3A_168 = %scan3A_55 to %scan3A_57 step %scan3A_58  : i32 {
      %mul3A_169 = arith.constant 2 : i32
      %mul3A_170 = arith.muli %mul3A_169, %scan3A_168 : i32
      %add3A_171 = arith.constant 0 : i32
      %add3A_172 = arith.addi %mul3A_170, %add3A_171 : i32
      %add3A_173 = arith.constant 1 : i32
      %add3A_174 = arith.addi %add3A_172, %add3A_173 : i32
      %lt3A = arith.constant 80 : i32
      %lt3A_175 = arith.cmpi slt, %add3A_174, %lt3A : i32
      %convert_element_type3A = arith.extui %lt3A_175 : i1 to i32
      %cond3A = arith.constant 0 : i32
      %cond3A_176 = arith.cmpi ne, %convert_element_type3A, %cond3A : i32
      scf.if %cond3A_176 {
        %add3A_219 = arith.constant 1 : i32
        %add3A_220 = arith.addi %add3A_172, %add3A_219 : i32
        %dma_wait3A_221 = arith.constant 1 : i32
        %dma_wait3A_222 = arith.constant 0 : i32
        %dma_wait3A_223 = tpu.memref_slice %arg7[%dma_wait3A_221, %dma_wait3A_222] : memref<2x128xi32, #tpu.memory_space<vmem>> -> memref<1x128xi32, #tpu.memory_space<vmem>>
        %dma_wait3A_224 = tpu.memref_squeeze %dma_wait3A_223 : memref<1x128xi32, #tpu.memory_space<vmem>> -> memref<128xi32, #tpu.memory_space<vmem>>
        %dma_wait3A_225 = arith.constant 0 : i32
        %dma_wait3A_226 = tpu.memref_slice %arg3[%add3A_6, %add3A_220, %dma_wait3A_225] : memref<64x80x128xi32, #tpu.memory_space<hbm>> -> memref<1x1x128xi32, #tpu.memory_space<hbm>>
        %dma_wait3A_227 = tpu.memref_squeeze %dma_wait3A_226 : memref<1x1x128xi32, #tpu.memory_space<hbm>> -> memref<128xi32, #tpu.memory_space<hbm>>
        %dma_wait3A_228 = arith.constant 0 : i32
        %dma_wait3A_229 = tpu.memref_slice %arg7[%dma_wait3A_221, %dma_wait3A_228] : memref<2x128xi32, #tpu.memory_space<vmem>> -> memref<1x128xi32, #tpu.memory_space<vmem>>
        %dma_wait3A_230 = tpu.memref_squeeze %dma_wait3A_229 : memref<1x128xi32, #tpu.memory_space<vmem>> -> memref<128xi32, #tpu.memory_space<vmem>>
        %dma_wait3A_231 = arith.constant 0 : i32
        %dma_wait3A_232 = tpu.memref_slice %arg3[%add3A_6, %add3A_220, %dma_wait3A_231] : memref<64x80x128xi32, #tpu.memory_space<hbm>> -> memref<1x1x128xi32, #tpu.memory_space<hbm>>
        %dma_wait3A_233 = tpu.memref_squeeze %dma_wait3A_232 : memref<1x1x128xi32, #tpu.memory_space<hbm>> -> memref<128xi32, #tpu.memory_space<hbm>>
        tpu.wait_dma2 semaphore(%arg15 : memref<!tpu.dma_semaphore, #tpu.memory_space<semaphore_mem>>) src(%dma_wait3A_233 : memref<128xi32, #tpu.memory_space<hbm>>) dst(%dma_wait3A_230 : memref<128xi32, #tpu.memory_space<vmem>>)
        %add3A_234 = arith.constant 1 : i32
        %add3A_235 = arith.addi %add3A_172, %add3A_234 : i32
        %dma_wait3A_236 = arith.constant 1 : i32
        %dma_wait3A_237 = arith.constant 0 : i32
        %dma_wait3A_238 = tpu.memref_slice %arg8[%dma_wait3A_236, %dma_wait3A_237] : memref<2x128xi32, #tpu.memory_space<vmem>> -> memref<1x128xi32, #tpu.memory_space<vmem>>
        %dma_wait3A_239 = tpu.memref_squeeze %dma_wait3A_238 : memref<1x128xi32, #tpu.memory_space<vmem>> -> memref<128xi32, #tpu.memory_space<vmem>>
        %dma_wait3A_240 = arith.constant 0 : i32
        %dma_wait3A_241 = tpu.memref_slice %arg4[%arg1, %add3A_235, %dma_wait3A_240] : memref<16x80x128xi32, #tpu.memory_space<hbm>> -> memref<1x1x128xi32, #tpu.memory_space<hbm>>
        %dma_wait3A_242 = tpu.memref_squeeze %dma_wait3A_241 : memref<1x1x128xi32, #tpu.memory_space<hbm>> -> memref<128xi32, #tpu.memory_space<hbm>>
        %dma_wait3A_243 = arith.constant 0 : i32
        %dma_wait3A_244 = tpu.memref_slice %arg8[%dma_wait3A_236, %dma_wait3A_243] : memref<2x128xi32, #tpu.memory_space<vmem>> -> memref<1x128xi32, #tpu.memory_space<vmem>>
        %dma_wait3A_245 = tpu.memref_squeeze %dma_wait3A_244 : memref<1x128xi32, #tpu.memory_space<vmem>> -> memref<128xi32, #tpu.memory_space<vmem>>
        %dma_wait3A_246 = arith.constant 0 : i32
        %dma_wait3A_247 = tpu.memref_slice %arg4[%arg1, %add3A_235, %dma_wait3A_246] : memref<16x80x128xi32, #tpu.memory_space<hbm>> -> memref<1x1x128xi32, #tpu.memory_space<hbm>>
        %dma_wait3A_248 = tpu.memref_squeeze %dma_wait3A_247 : memref<1x1x128xi32, #tpu.memory_space<hbm>> -> memref<128xi32, #tpu.memory_space<hbm>>
        tpu.wait_dma2 semaphore(%arg15 : memref<!tpu.dma_semaphore, #tpu.memory_space<semaphore_mem>>) src(%dma_wait3A_248 : memref<128xi32, #tpu.memory_space<hbm>>) dst(%dma_wait3A_245 : memref<128xi32, #tpu.memory_space<vmem>>)
        %dma_start3A_249 = arith.constant 1 : i32
        %dma_start3A_250 = arith.constant 0 : i32
        %dma_start3A_251 = tpu.memref_slice %arg7[%dma_start3A_249, %dma_start3A_250] : memref<2x128xi32, #tpu.memory_space<vmem>> -> memref<1x128xi32, #tpu.memory_space<vmem>>
        %dma_start3A_252 = tpu.memref_squeeze %dma_start3A_251 : memref<1x128xi32, #tpu.memory_space<vmem>> -> memref<128xi32, #tpu.memory_space<vmem>>
        %dma_start3A_253 = arith.constant 0 : i32
        %dma_start3A_254 = arith.constant 0 : i32
        %dma_start3A_255 = arith.constant 0 : i32
        %dma_start3A_256 = tpu.memref_slice %arg2[%dma_start3A_253, %dma_start3A_254, %dma_start3A_255] : memref<8000x1x128xf32, #tpu.memory_space<hbm>> -> memref<8000x1x128xf32, #tpu.memory_space<hbm>>
        tpu.enqueue_indirect_dma source(%dma_start3A_256 : memref<8000x1x128xf32, #tpu.memory_space<hbm>>) target(%arg10 : memref<128x1x128xf32, #tpu.memory_space<vmem>>) offsets(%dma_start3A_252 : memref<128xi32, #tpu.memory_space<vmem>>) semaphore(%arg13 : memref<!tpu.dma_semaphore, #tpu.memory_space<semaphore_mem>>)
      } else {
      }
      %dma_wait3A = arith.constant 0 : i32
      %dma_wait3A_177 = arith.constant 0 : i32
      %dma_wait3A_178 = tpu.memref_slice %arg7[%dma_wait3A, %dma_wait3A_177] : memref<2x128xi32, #tpu.memory_space<vmem>> -> memref<1x128xi32, #tpu.memory_space<vmem>>
      %dma_wait3A_179 = tpu.memref_squeeze %dma_wait3A_178 : memref<1x128xi32, #tpu.memory_space<vmem>> -> memref<128xi32, #tpu.memory_space<vmem>>
      %dma_wait3A_180 = arith.constant 0 : i32
      %dma_wait3A_181 = arith.constant 0 : i32
      %dma_wait3A_182 = arith.constant 0 : i32
      %dma_wait3A_183 = tpu.memref_slice %arg2[%dma_wait3A_180, %dma_wait3A_181, %dma_wait3A_182] : memref<8000x1x128xf32, #tpu.memory_space<hbm>> -> memref<8000x1x128xf32, #tpu.memory_space<hbm>>
      tpu.wait_indirect_dma semaphore(%arg12 : memref<!tpu.dma_semaphore, #tpu.memory_space<semaphore_mem>>) src(%dma_wait3A_183 : memref<8000x1x128xf32, #tpu.memory_space<hbm>>) dst(%arg9 : memref<128x1x128xf32, #tpu.memory_space<vmem>>)
      %run_scoped3A_184 = arith.constant 0 : i32
      "tpu.region"() ({
        %run_scoped3A_219 = tpu.sem_alloc : memref<!tpu.dma_semaphore, #tpu.memory_space<semaphore_mem>>
        %dma_start3A_220 = arith.constant 0 : i32
        %dma_start3A_221 = tpu.memref_slice %arg8[%run_scoped3A_184, %dma_start3A_220] : memref<2x128xi32, #tpu.memory_space<vmem>> -> memref<1x128xi32, #tpu.memory_space<vmem>>
        %dma_start3A_222 = tpu.memref_squeeze %dma_start3A_221 : memref<1x128xi32, #tpu.memory_space<vmem>> -> memref<128xi32, #tpu.memory_space<vmem>>
        %dma_start3A_223 = arith.constant 0 : i32
        %dma_start3A_224 = arith.constant 0 : i32
        %dma_start3A_225 = arith.constant 0 : i32
        %dma_start3A_226 = tpu.memref_slice %arg11[%dma_start3A_223, %dma_start3A_224, %dma_start3A_225] : memref<10016x1x128xf32, #tpu.memory_space<vmem_shared>> -> memref<10016x1x128xf32, #tpu.memory_space<vmem_shared>>
        tpu.enqueue_indirect_dma source(%arg9 : memref<128x1x128xf32, #tpu.memory_space<vmem>>) target(%dma_start3A_226 : memref<10016x1x128xf32, #tpu.memory_space<vmem_shared>>) offsets(%dma_start3A_222 : memref<128xi32, #tpu.memory_space<vmem>>) semaphore(%run_scoped3A_219 : memref<!tpu.dma_semaphore, #tpu.memory_space<semaphore_mem>>) {add = true}
        %dma_wait3A_227 = arith.constant 0 : i32
        %dma_wait3A_228 = tpu.memref_slice %arg8[%run_scoped3A_184, %dma_wait3A_227] : memref<2x128xi32, #tpu.memory_space<vmem>> -> memref<1x128xi32, #tpu.memory_space<vmem>>
        %dma_wait3A_229 = tpu.memref_squeeze %dma_wait3A_228 : memref<1x128xi32, #tpu.memory_space<vmem>> -> memref<128xi32, #tpu.memory_space<vmem>>
        %dma_wait3A_230 = arith.constant 0 : i32
        %dma_wait3A_231 = arith.constant 0 : i32
        %dma_wait3A_232 = arith.constant 0 : i32
        %dma_wait3A_233 = tpu.memref_slice %arg11[%dma_wait3A_230, %dma_wait3A_231, %dma_wait3A_232] : memref<10016x1x128xf32, #tpu.memory_space<vmem_shared>> -> memref<10016x1x128xf32, #tpu.memory_space<vmem_shared>>
        tpu.wait_indirect_dma semaphore(%run_scoped3A_219 : memref<!tpu.dma_semaphore, #tpu.memory_space<semaphore_mem>>) src(%arg9 : memref<128x1x128xf32, #tpu.memory_space<vmem>>) dst(%dma_wait3A_233 : memref<10016x1x128xf32, #tpu.memory_space<vmem_shared>>)
        tpu.yield
      }) : () -> ()
      %add3A_185 = arith.constant 2 : i32
      %add3A_186 = arith.addi %add3A_172, %add3A_185 : i32
      %lt3A_187 = arith.constant 80 : i32
      %lt3A_188 = arith.cmpi slt, %add3A_186, %lt3A_187 : i32
      %convert_element_type3A_189 = arith.extui %lt3A_188 : i1 to i32
      %cond3A_190 = arith.constant 0 : i32
      %cond3A_191 = arith.cmpi ne, %convert_element_type3A_189, %cond3A_190 : i32
      scf.if %cond3A_191 {
        %add3A_219 = arith.constant 2 : i32
        %add3A_220 = arith.addi %add3A_172, %add3A_219 : i32
        %dma_start3A_221 = arith.constant 0 : i32
        %dma_start3A_222 = arith.constant 0 : i32
        %dma_start3A_223 = tpu.memref_slice %arg7[%dma_start3A_221, %dma_start3A_222] : memref<2x128xi32, #tpu.memory_space<vmem>> -> memref<1x128xi32, #tpu.memory_space<vmem>>
        %dma_start3A_224 = tpu.memref_squeeze %dma_start3A_223 : memref<1x128xi32, #tpu.memory_space<vmem>> -> memref<128xi32, #tpu.memory_space<vmem>>
        %dma_start3A_225 = arith.constant 0 : i32
        %dma_start3A_226 = tpu.memref_slice %arg3[%add3A_6, %add3A_220, %dma_start3A_225] : memref<64x80x128xi32, #tpu.memory_space<hbm>> -> memref<1x1x128xi32, #tpu.memory_space<hbm>>
        %dma_start3A_227 = tpu.memref_squeeze %dma_start3A_226 : memref<1x1x128xi32, #tpu.memory_space<hbm>> -> memref<128xi32, #tpu.memory_space<hbm>>
        %dma_start3A_228 = arith.constant 0 : i32
        %dma_start3A_229 = tpu.memref_slice %arg7[%dma_start3A_221, %dma_start3A_228] : memref<2x128xi32, #tpu.memory_space<vmem>> -> memref<1x128xi32, #tpu.memory_space<vmem>>
        %dma_start3A_230 = tpu.memref_squeeze %dma_start3A_229 : memref<1x128xi32, #tpu.memory_space<vmem>> -> memref<128xi32, #tpu.memory_space<vmem>>
        %dma_start3A_231 = arith.constant 0 : i32
        %dma_start3A_232 = tpu.memref_slice %arg3[%add3A_6, %add3A_220, %dma_start3A_231] : memref<64x80x128xi32, #tpu.memory_space<hbm>> -> memref<1x1x128xi32, #tpu.memory_space<hbm>>
        %dma_start3A_233 = tpu.memref_squeeze %dma_start3A_232 : memref<1x1x128xi32, #tpu.memory_space<hbm>> -> memref<128xi32, #tpu.memory_space<hbm>>
        tpu.enqueue_dma source(%dma_start3A_233 : memref<128xi32, #tpu.memory_space<hbm>>) target(%dma_start3A_230 : memref<128xi32, #tpu.memory_space<vmem>>) target_semaphore(%arg14 : memref<!tpu.dma_semaphore, #tpu.memory_space<semaphore_mem>>)
        %add3A_234 = arith.constant 2 : i32
        %add3A_235 = arith.addi %add3A_172, %add3A_234 : i32
        %dma_start3A_236 = arith.constant 0 : i32
        %dma_start3A_237 = arith.constant 0 : i32
        %dma_start3A_238 = tpu.memref_slice %arg8[%dma_start3A_236, %dma_start3A_237] : memref<2x128xi32, #tpu.memory_space<vmem>> -> memref<1x128xi32, #tpu.memory_space<vmem>>
        %dma_start3A_239 = tpu.memref_squeeze %dma_start3A_238 : memref<1x128xi32, #tpu.memory_space<vmem>> -> memref<128xi32, #tpu.memory_space<vmem>>
        %dma_start3A_240 = arith.constant 0 : i32
        %dma_start3A_241 = tpu.memref_slice %arg4[%arg1, %add3A_235, %dma_start3A_240] : memref<16x80x128xi32, #tpu.memory_space<hbm>> -> memref<1x1x128xi32, #tpu.memory_space<hbm>>
        %dma_start3A_242 = tpu.memref_squeeze %dma_start3A_241 : memref<1x1x128xi32, #tpu.memory_space<hbm>> -> memref<128xi32, #tpu.memory_space<hbm>>
        %dma_start3A_243 = arith.constant 0 : i32
        %dma_start3A_244 = tpu.memref_slice %arg8[%dma_start3A_236, %dma_start3A_243] : memref<2x128xi32, #tpu.memory_space<vmem>> -> memref<1x128xi32, #tpu.memory_space<vmem>>
        %dma_start3A_245 = tpu.memref_squeeze %dma_start3A_244 : memref<1x128xi32, #tpu.memory_space<vmem>> -> memref<128xi32, #tpu.memory_space<vmem>>
        %dma_start3A_246 = arith.constant 0 : i32
        %dma_start3A_247 = tpu.memref_slice %arg4[%arg1, %add3A_235, %dma_start3A_246] : memref<16x80x128xi32, #tpu.memory_space<hbm>> -> memref<1x1x128xi32, #tpu.memory_space<hbm>>
        %dma_start3A_248 = tpu.memref_squeeze %dma_start3A_247 : memref<1x1x128xi32, #tpu.memory_space<hbm>> -> memref<128xi32, #tpu.memory_space<hbm>>
        tpu.enqueue_dma source(%dma_start3A_248 : memref<128xi32, #tpu.memory_space<hbm>>) target(%dma_start3A_245 : memref<128xi32, #tpu.memory_space<vmem>>) target_semaphore(%arg14 : memref<!tpu.dma_semaphore, #tpu.memory_space<semaphore_mem>>)
      } else {
      }
      %mul3A_192 = arith.constant 2 : i32
      %mul3A_193 = arith.muli %mul3A_192, %scan3A_168 : i32
      %add3A_194 = arith.constant 1 : i32
      %add3A_195 = arith.addi %mul3A_193, %add3A_194 : i32
      %add3A_196 = arith.constant 1 : i32
      %add3A_197 = arith.addi %add3A_195, %add3A_196 : i32
      %lt3A_198 = arith.constant 80 : i32
      %lt3A_199 = arith.cmpi slt, %add3A_197, %lt3A_198 : i32
      %convert_element_type3A_200 = arith.extui %lt3A_199 : i1 to i32
      %cond3A_201 = arith.constant 0 : i32
      %cond3A_202 = arith.cmpi ne, %convert_element_type3A_200, %cond3A_201 : i32
      scf.if %cond3A_202 {
        %add3A_219 = arith.constant 1 : i32
        %add3A_220 = arith.addi %add3A_195, %add3A_219 : i32
        %dma_wait3A_221 = arith.constant 0 : i32
        %dma_wait3A_222 = arith.constant 0 : i32
        %dma_wait3A_223 = tpu.memref_slice %arg7[%dma_wait3A_221, %dma_wait3A_222] : memref<2x128xi32, #tpu.memory_space<vmem>> -> memref<1x128xi32, #tpu.memory_space<vmem>>
        %dma_wait3A_224 = tpu.memref_squeeze %dma_wait3A_223 : memref<1x128xi32, #tpu.memory_space<vmem>> -> memref<128xi32, #tpu.memory_space<vmem>>
        %dma_wait3A_225 = arith.constant 0 : i32
        %dma_wait3A_226 = tpu.memref_slice %arg3[%add3A_6, %add3A_220, %dma_wait3A_225] : memref<64x80x128xi32, #tpu.memory_space<hbm>> -> memref<1x1x128xi32, #tpu.memory_space<hbm>>
        %dma_wait3A_227 = tpu.memref_squeeze %dma_wait3A_226 : memref<1x1x128xi32, #tpu.memory_space<hbm>> -> memref<128xi32, #tpu.memory_space<hbm>>
        %dma_wait3A_228 = arith.constant 0 : i32
        %dma_wait3A_229 = tpu.memref_slice %arg7[%dma_wait3A_221, %dma_wait3A_228] : memref<2x128xi32, #tpu.memory_space<vmem>> -> memref<1x128xi32, #tpu.memory_space<vmem>>
        %dma_wait3A_230 = tpu.memref_squeeze %dma_wait3A_229 : memref<1x128xi32, #tpu.memory_space<vmem>> -> memref<128xi32, #tpu.memory_space<vmem>>
        %dma_wait3A_231 = arith.constant 0 : i32
        %dma_wait3A_232 = tpu.memref_slice %arg3[%add3A_6, %add3A_220, %dma_wait3A_231] : memref<64x80x128xi32, #tpu.memory_space<hbm>> -> memref<1x1x128xi32, #tpu.memory_space<hbm>>
        %dma_wait3A_233 = tpu.memref_squeeze %dma_wait3A_232 : memref<1x1x128xi32, #tpu.memory_space<hbm>> -> memref<128xi32, #tpu.memory_space<hbm>>
        tpu.wait_dma2 semaphore(%arg14 : memref<!tpu.dma_semaphore, #tpu.memory_space<semaphore_mem>>) src(%dma_wait3A_233 : memref<128xi32, #tpu.memory_space<hbm>>) dst(%dma_wait3A_230 : memref<128xi32, #tpu.memory_space<vmem>>)
        %add3A_234 = arith.constant 1 : i32
        %add3A_235 = arith.addi %add3A_195, %add3A_234 : i32
        %dma_wait3A_236 = arith.constant 0 : i32
        %dma_wait3A_237 = arith.constant 0 : i32
        %dma_wait3A_238 = tpu.memref_slice %arg8[%dma_wait3A_236, %dma_wait3A_237] : memref<2x128xi32, #tpu.memory_space<vmem>> -> memref<1x128xi32, #tpu.memory_space<vmem>>
        %dma_wait3A_239 = tpu.memref_squeeze %dma_wait3A_238 : memref<1x128xi32, #tpu.memory_space<vmem>> -> memref<128xi32, #tpu.memory_space<vmem>>
        %dma_wait3A_240 = arith.constant 0 : i32
        %dma_wait3A_241 = tpu.memref_slice %arg4[%arg1, %add3A_235, %dma_wait3A_240] : memref<16x80x128xi32, #tpu.memory_space<hbm>> -> memref<1x1x128xi32, #tpu.memory_space<hbm>>
        %dma_wait3A_242 = tpu.memref_squeeze %dma_wait3A_241 : memref<1x1x128xi32, #tpu.memory_space<hbm>> -> memref<128xi32, #tpu.memory_space<hbm>>
        %dma_wait3A_243 = arith.constant 0 : i32
        %dma_wait3A_244 = tpu.memref_slice %arg8[%dma_wait3A_236, %dma_wait3A_243] : memref<2x128xi32, #tpu.memory_space<vmem>> -> memref<1x128xi32, #tpu.memory_space<vmem>>
        %dma_wait3A_245 = tpu.memref_squeeze %dma_wait3A_244 : memref<1x128xi32, #tpu.memory_space<vmem>> -> memref<128xi32, #tpu.memory_space<vmem>>
        %dma_wait3A_246 = arith.constant 0 : i32
        %dma_wait3A_247 = tpu.memref_slice %arg4[%arg1, %add3A_235, %dma_wait3A_246] : memref<16x80x128xi32, #tpu.memory_space<hbm>> -> memref<1x1x128xi32, #tpu.memory_space<hbm>>
        %dma_wait3A_248 = tpu.memref_squeeze %dma_wait3A_247 : memref<1x1x128xi32, #tpu.memory_space<hbm>> -> memref<128xi32, #tpu.memory_space<hbm>>
        tpu.wait_dma2 semaphore(%arg14 : memref<!tpu.dma_semaphore, #tpu.memory_space<semaphore_mem>>) src(%dma_wait3A_248 : memref<128xi32, #tpu.memory_space<hbm>>) dst(%dma_wait3A_245 : memref<128xi32, #tpu.memory_space<vmem>>)
        %dma_start3A_249 = arith.constant 0 : i32
        %dma_start3A_250 = arith.constant 0 : i32
        %dma_start3A_251 = tpu.memref_slice %arg7[%dma_start3A_249, %dma_start3A_250] : memref<2x128xi32, #tpu.memory_space<vmem>> -> memref<1x128xi32, #tpu.memory_space<vmem>>
        %dma_start3A_252 = tpu.memref_squeeze %dma_start3A_251 : memref<1x128xi32, #tpu.memory_space<vmem>> -> memref<128xi32, #tpu.memory_space<vmem>>
        %dma_start3A_253 = arith.constant 0 : i32
        %dma_start3A_254 = arith.constant 0 : i32
        %dma_start3A_255 = arith.constant 0 : i32
        %dma_start3A_256 = tpu.memref_slice %arg2[%dma_start3A_253, %dma_start3A_254, %dma_start3A_255] : memref<8000x1x128xf32, #tpu.memory_space<hbm>> -> memref<8000x1x128xf32, #tpu.memory_space<hbm>>
        tpu.enqueue_indirect_dma source(%dma_start3A_256 : memref<8000x1x128xf32, #tpu.memory_space<hbm>>) target(%arg9 : memref<128x1x128xf32, #tpu.memory_space<vmem>>) offsets(%dma_start3A_252 : memref<128xi32, #tpu.memory_space<vmem>>) semaphore(%arg12 : memref<!tpu.dma_semaphore, #tpu.memory_space<semaphore_mem>>)
      } else {
      }
      %dma_wait3A_203 = arith.constant 1 : i32
      %dma_wait3A_204 = arith.constant 0 : i32
      %dma_wait3A_205 = tpu.memref_slice %arg7[%dma_wait3A_203, %dma_wait3A_204] : memref<2x128xi32, #tpu.memory_space<vmem>> -> memref<1x128xi32, #tpu.memory_space<vmem>>
      %dma_wait3A_206 = tpu.memref_squeeze %dma_wait3A_205 : memref<1x128xi32, #tpu.memory_space<vmem>> -> memref<128xi32, #tpu.memory_space<vmem>>
      %dma_wait3A_207 = arith.constant 0 : i32
      %dma_wait3A_208 = arith.constant 0 : i32
      %dma_wait3A_209 = arith.constant 0 : i32
      %dma_wait3A_210 = tpu.memref_slice %arg2[%dma_wait3A_207, %dma_wait3A_208, %dma_wait3A_209] : memref<8000x1x128xf32, #tpu.memory_space<hbm>> -> memref<8000x1x128xf32, #tpu.memory_space<hbm>>
      tpu.wait_indirect_dma semaphore(%arg13 : memref<!tpu.dma_semaphore, #tpu.memory_space<semaphore_mem>>) src(%dma_wait3A_210 : memref<8000x1x128xf32, #tpu.memory_space<hbm>>) dst(%arg10 : memref<128x1x128xf32, #tpu.memory_space<vmem>>)
      %run_scoped3A_211 = arith.constant 1 : i32
      "tpu.region"() ({
        %run_scoped3A_219 = tpu.sem_alloc : memref<!tpu.dma_semaphore, #tpu.memory_space<semaphore_mem>>
        %dma_start3A_220 = arith.constant 0 : i32
        %dma_start3A_221 = tpu.memref_slice %arg8[%run_scoped3A_211, %dma_start3A_220] : memref<2x128xi32, #tpu.memory_space<vmem>> -> memref<1x128xi32, #tpu.memory_space<vmem>>
        %dma_start3A_222 = tpu.memref_squeeze %dma_start3A_221 : memref<1x128xi32, #tpu.memory_space<vmem>> -> memref<128xi32, #tpu.memory_space<vmem>>
        %dma_start3A_223 = arith.constant 0 : i32
        %dma_start3A_224 = arith.constant 0 : i32
        %dma_start3A_225 = arith.constant 0 : i32
        %dma_start3A_226 = tpu.memref_slice %arg11[%dma_start3A_223, %dma_start3A_224, %dma_start3A_225] : memref<10016x1x128xf32, #tpu.memory_space<vmem_shared>> -> memref<10016x1x128xf32, #tpu.memory_space<vmem_shared>>
        tpu.enqueue_indirect_dma source(%arg10 : memref<128x1x128xf32, #tpu.memory_space<vmem>>) target(%dma_start3A_226 : memref<10016x1x128xf32, #tpu.memory_space<vmem_shared>>) offsets(%dma_start3A_222 : memref<128xi32, #tpu.memory_space<vmem>>) semaphore(%run_scoped3A_219 : memref<!tpu.dma_semaphore, #tpu.memory_space<semaphore_mem>>) {add = true}
        %dma_wait3A_227 = arith.constant 0 : i32
        %dma_wait3A_228 = tpu.memref_slice %arg8[%run_scoped3A_211, %dma_wait3A_227] : memref<2x128xi32, #tpu.memory_space<vmem>> -> memref<1x128xi32, #tpu.memory_space<vmem>>
        %dma_wait3A_229 = tpu.memref_squeeze %dma_wait3A_228 : memref<1x128xi32, #tpu.memory_space<vmem>> -> memref<128xi32, #tpu.memory_space<vmem>>
        %dma_wait3A_230 = arith.constant 0 : i32
        %dma_wait3A_231 = arith.constant 0 : i32
        %dma_wait3A_232 = arith.constant 0 : i32
        %dma_wait3A_233 = tpu.memref_slice %arg11[%dma_wait3A_230, %dma_wait3A_231, %dma_wait3A_232] : memref<10016x1x128xf32, #tpu.memory_space<vmem_shared>> -> memref<10016x1x128xf32, #tpu.memory_space<vmem_shared>>
        tpu.wait_indirect_dma semaphore(%run_scoped3A_219 : memref<!tpu.dma_semaphore, #tpu.memory_space<semaphore_mem>>) src(%arg10 : memref<128x1x128xf32, #tpu.memory_space<vmem>>) dst(%dma_wait3A_233 : memref<10016x1x128xf32, #tpu.memory_space<vmem_shared>>)
        tpu.yield
      }) : () -> ()
      %add3A_212 = arith.constant 2 : i32
      %add3A_213 = arith.addi %add3A_195, %add3A_212 : i32
      %lt3A_214 = arith.constant 80 : i32
      %lt3A_215 = arith.cmpi slt, %add3A_213, %lt3A_214 : i32
      %convert_element_type3A_216 = arith.extui %lt3A_215 : i1 to i32
      %cond3A_217 = arith.constant 0 : i32
      %cond3A_218 = arith.cmpi ne, %convert_element_type3A_216, %cond3A_217 : i32
      scf.if %cond3A_218 {
        %add3A_219 = arith.constant 2 : i32
        %add3A_220 = arith.addi %add3A_195, %add3A_219 : i32
        %dma_start3A_221 = arith.constant 1 : i32
        %dma_start3A_222 = arith.constant 0 : i32
        %dma_start3A_223 = tpu.memref_slice %arg7[%dma_start3A_221, %dma_start3A_222] : memref<2x128xi32, #tpu.memory_space<vmem>> -> memref<1x128xi32, #tpu.memory_space<vmem>>
        %dma_start3A_224 = tpu.memref_squeeze %dma_start3A_223 : memref<1x128xi32, #tpu.memory_space<vmem>> -> memref<128xi32, #tpu.memory_space<vmem>>
        %dma_start3A_225 = arith.constant 0 : i32
        %dma_start3A_226 = tpu.memref_slice %arg3[%add3A_6, %add3A_220, %dma_start3A_225] : memref<64x80x128xi32, #tpu.memory_space<hbm>> -> memref<1x1x128xi32, #tpu.memory_space<hbm>>
        %dma_start3A_227 = tpu.memref_squeeze %dma_start3A_226 : memref<1x1x128xi32, #tpu.memory_space<hbm>> -> memref<128xi32, #tpu.memory_space<hbm>>
        %dma_start3A_228 = arith.constant 0 : i32
        %dma_start3A_229 = tpu.memref_slice %arg7[%dma_start3A_221, %dma_start3A_228] : memref<2x128xi32, #tpu.memory_space<vmem>> -> memref<1x128xi32, #tpu.memory_space<vmem>>
        %dma_start3A_230 = tpu.memref_squeeze %dma_start3A_229 : memref<1x128xi32, #tpu.memory_space<vmem>> -> memref<128xi32, #tpu.memory_space<vmem>>
        %dma_start3A_231 = arith.constant 0 : i32
        %dma_start3A_232 = tpu.memref_slice %arg3[%add3A_6, %add3A_220, %dma_start3A_231] : memref<64x80x128xi32, #tpu.memory_space<hbm>> -> memref<1x1x128xi32, #tpu.memory_space<hbm>>
        %dma_start3A_233 = tpu.memref_squeeze %dma_start3A_232 : memref<1x1x128xi32, #tpu.memory_space<hbm>> -> memref<128xi32, #tpu.memory_space<hbm>>
        tpu.enqueue_dma source(%dma_start3A_233 : memref<128xi32, #tpu.memory_space<hbm>>) target(%dma_start3A_230 : memref<128xi32, #tpu.memory_space<vmem>>) target_semaphore(%arg15 : memref<!tpu.dma_semaphore, #tpu.memory_space<semaphore_mem>>)
        %add3A_234 = arith.constant 2 : i32
        %add3A_235 = arith.addi %add3A_195, %add3A_234 : i32
        %dma_start3A_236 = arith.constant 1 : i32
        %dma_start3A_237 = arith.constant 0 : i32
        %dma_start3A_238 = tpu.memref_slice %arg8[%dma_start3A_236, %dma_start3A_237] : memref<2x128xi32, #tpu.memory_space<vmem>> -> memref<1x128xi32, #tpu.memory_space<vmem>>
        %dma_start3A_239 = tpu.memref_squeeze %dma_start3A_238 : memref<1x128xi32, #tpu.memory_space<vmem>> -> memref<128xi32, #tpu.memory_space<vmem>>
        %dma_start3A_240 = arith.constant 0 : i32
        %dma_start3A_241 = tpu.memref_slice %arg4[%arg1, %add3A_235, %dma_start3A_240] : memref<16x80x128xi32, #tpu.memory_space<hbm>> -> memref<1x1x128xi32, #tpu.memory_space<hbm>>
        %dma_start3A_242 = tpu.memref_squeeze %dma_start3A_241 : memref<1x1x128xi32, #tpu.memory_space<hbm>> -> memref<128xi32, #tpu.memory_space<hbm>>
        %dma_start3A_243 = arith.constant 0 : i32
        %dma_start3A_244 = tpu.memref_slice %arg8[%dma_start3A_236, %dma_start3A_243] : memref<2x128xi32, #tpu.memory_space<vmem>> -> memref<1x128xi32, #tpu.memory_space<vmem>>
        %dma_start3A_245 = tpu.memref_squeeze %dma_start3A_244 : memref<1x128xi32, #tpu.memory_space<vmem>> -> memref<128xi32, #tpu.memory_space<vmem>>
        %dma_start3A_246 = arith.constant 0 : i32
        %dma_start3A_247 = tpu.memref_slice %arg4[%arg1, %add3A_235, %dma_start3A_246] : memref<16x80x128xi32, #tpu.memory_space<hbm>> -> memref<1x1x128xi32, #tpu.memory_space<hbm>>
        %dma_start3A_248 = tpu.memref_squeeze %dma_start3A_247 : memref<1x1x128xi32, #tpu.memory_space<hbm>> -> memref<128xi32, #tpu.memory_space<hbm>>
        tpu.enqueue_dma source(%dma_start3A_248 : memref<128xi32, #tpu.memory_space<hbm>>) target(%dma_start3A_245 : memref<128xi32, #tpu.memory_space<vmem>>) target_semaphore(%arg15 : memref<!tpu.dma_semaphore, #tpu.memory_space<semaphore_mem>>)
      } else {
      }
    }
    %scan3A_59 = arith.constant 40 : i32
    %barrier3A_60 = arith.constant 0 : index
    tpu.barrier barrier_id(%barrier3A_60)
    %add3A_61 = arith.constant 0 : i32
    %add3A_62 = arith.addi %mul3A_0, %add3A_61 : i32
    %add3A_63 = arith.constant 0 : i32
    %add3A_64 = arith.addi %mul3A_0, %add3A_63 : i32
    "tpu.region"() ({
      %run_scoped3A_168 = tpu.sem_alloc : memref<!tpu.dma_semaphore, #tpu.memory_space<semaphore_mem>>
      %dma_start3A_169 = arith.constant 0 : i32
      %dma_start3A_170 = arith.constant 0 : i32
      %dma_start3A_171 = tpu.memref_slice %arg6[%add3A_3, %add3A_64, %dma_start3A_169, %dma_start3A_170] : memref<4x10016x1x128xf32, #tpu.memory_space<hbm>> -> memref<1x128x1x128xf32, #tpu.memory_space<hbm>>
      %dma_start3A_172 = tpu.memref_squeeze %dma_start3A_171 : memref<1x128x1x128xf32, #tpu.memory_space<hbm>> -> memref<128x1x128xf32, #tpu.memory_space<hbm>>
      %dma_start3A_173 = arith.constant 0 : i32
      %dma_start3A_174 = arith.constant 0 : i32
      %dma_start3A_175 = tpu.memref_slice %arg11[%add3A_62, %dma_start3A_173, %dma_start3A_174] : memref<10016x1x128xf32, #tpu.memory_space<vmem_shared>> -> memref<128x1x128xf32, #tpu.memory_space<vmem_shared>>
      tpu.enqueue_dma source(%dma_start3A_175 : memref<128x1x128xf32, #tpu.memory_space<vmem_shared>>) target(%dma_start3A_172 : memref<128x1x128xf32, #tpu.memory_space<hbm>>) target_semaphore(%run_scoped3A_168 : memref<!tpu.dma_semaphore, #tpu.memory_space<semaphore_mem>>)
      %dma_wait3A = arith.constant 0 : i32
      %dma_wait3A_176 = arith.constant 0 : i32
      %dma_wait3A_177 = tpu.memref_slice %arg6[%add3A_3, %add3A_64, %dma_wait3A, %dma_wait3A_176] : memref<4x10016x1x128xf32, #tpu.memory_space<hbm>> -> memref<1x128x1x128xf32, #tpu.memory_space<hbm>>
      %dma_wait3A_178 = tpu.memref_squeeze %dma_wait3A_177 : memref<1x128x1x128xf32, #tpu.memory_space<hbm>> -> memref<128x1x128xf32, #tpu.memory_space<hbm>>
      %dma_wait3A_179 = arith.constant 0 : i32
      %dma_wait3A_180 = arith.constant 0 : i32
      %dma_wait3A_181 = tpu.memref_slice %arg11[%add3A_62, %dma_wait3A_179, %dma_wait3A_180] : memref<10016x1x128xf32, #tpu.memory_space<vmem_shared>> -> memref<128x1x128xf32, #tpu.memory_space<vmem_shared>>
      tpu.wait_dma2 semaphore(%run_scoped3A_168 : memref<!tpu.dma_semaphore, #tpu.memory_space<semaphore_mem>>) src(%dma_wait3A_181 : memref<128x1x128xf32, #tpu.memory_space<vmem_shared>>) dst(%dma_wait3A_178 : memref<128x1x128xf32, #tpu.memory_space<hbm>>)
      tpu.yield
    }) : () -> ()
    %add3A_65 = arith.constant 128 : i32
    %add3A_66 = arith.addi %mul3A_0, %add3A_65 : i32
    %add3A_67 = arith.constant 128 : i32
    %add3A_68 = arith.addi %mul3A_0, %add3A_67 : i32
    "tpu.region"() ({
      %run_scoped3A_168 = tpu.sem_alloc : memref<!tpu.dma_semaphore, #tpu.memory_space<semaphore_mem>>
      %dma_start3A_169 = arith.constant 0 : i32
      %dma_start3A_170 = arith.constant 0 : i32
      %dma_start3A_171 = tpu.memref_slice %arg6[%add3A_3, %add3A_68, %dma_start3A_169, %dma_start3A_170] : memref<4x10016x1x128xf32, #tpu.memory_space<hbm>> -> memref<1x128x1x128xf32, #tpu.memory_space<hbm>>
      %dma_start3A_172 = tpu.memref_squeeze %dma_start3A_171 : memref<1x128x1x128xf32, #tpu.memory_space<hbm>> -> memref<128x1x128xf32, #tpu.memory_space<hbm>>
      %dma_start3A_173 = arith.constant 0 : i32
      %dma_start3A_174 = arith.constant 0 : i32
      %dma_start3A_175 = tpu.memref_slice %arg11[%add3A_66, %dma_start3A_173, %dma_start3A_174] : memref<10016x1x128xf32, #tpu.memory_space<vmem_shared>> -> memref<128x1x128xf32, #tpu.memory_space<vmem_shared>>
      tpu.enqueue_dma source(%dma_start3A_175 : memref<128x1x128xf32, #tpu.memory_space<vmem_shared>>) target(%dma_start3A_172 : memref<128x1x128xf32, #tpu.memory_space<hbm>>) target_semaphore(%run_scoped3A_168 : memref<!tpu.dma_semaphore, #tpu.memory_space<semaphore_mem>>)
      %dma_wait3A = arith.constant 0 : i32
      %dma_wait3A_176 = arith.constant 0 : i32
      %dma_wait3A_177 = tpu.memref_slice %arg6[%add3A_3, %add3A_68, %dma_wait3A, %dma_wait3A_176] : memref<4x10016x1x128xf32, #tpu.memory_space<hbm>> -> memref<1x128x1x128xf32, #tpu.memory_space<hbm>>
      %dma_wait3A_178 = tpu.memref_squeeze %dma_wait3A_177 : memref<1x128x1x128xf32, #tpu.memory_space<hbm>> -> memref<128x1x128xf32, #tpu.memory_space<hbm>>
      %dma_wait3A_179 = arith.constant 0 : i32
      %dma_wait3A_180 = arith.constant 0 : i32
      %dma_wait3A_181 = tpu.memref_slice %arg11[%add3A_66, %dma_wait3A_179, %dma_wait3A_180] : memref<10016x1x128xf32, #tpu.memory_space<vmem_shared>> -> memref<128x1x128xf32, #tpu.memory_space<vmem_shared>>
      tpu.wait_dma2 semaphore(%run_scoped3A_168 : memref<!tpu.dma_semaphore, #tpu.memory_space<semaphore_mem>>) src(%dma_wait3A_181 : memref<128x1x128xf32, #tpu.memory_space<vmem_shared>>) dst(%dma_wait3A_178 : memref<128x1x128xf32, #tpu.memory_space<hbm>>)
      tpu.yield
    }) : () -> ()
    %add3A_69 = arith.constant 256 : i32
    %add3A_70 = arith.addi %mul3A_0, %add3A_69 : i32
    %add3A_71 = arith.constant 256 : i32
    %add3A_72 = arith.addi %mul3A_0, %add3A_71 : i32
    "tpu.region"() ({
      %run_scoped3A_168 = tpu.sem_alloc : memref<!tpu.dma_semaphore, #tpu.memory_space<semaphore_mem>>
      %dma_start3A_169 = arith.constant 0 : i32
      %dma_start3A_170 = arith.constant 0 : i32
      %dma_start3A_171 = tpu.memref_slice %arg6[%add3A_3, %add3A_72, %dma_start3A_169, %dma_start3A_170] : memref<4x10016x1x128xf32, #tpu.memory_space<hbm>> -> memref<1x128x1x128xf32, #tpu.memory_space<hbm>>
      %dma_start3A_172 = tpu.memref_squeeze %dma_start3A_171 : memref<1x128x1x128xf32, #tpu.memory_space<hbm>> -> memref<128x1x128xf32, #tpu.memory_space<hbm>>
      %dma_start3A_173 = arith.constant 0 : i32
      %dma_start3A_174 = arith.constant 0 : i32
      %dma_start3A_175 = tpu.memref_slice %arg11[%add3A_70, %dma_start3A_173, %dma_start3A_174] : memref<10016x1x128xf32, #tpu.memory_space<vmem_shared>> -> memref<128x1x128xf32, #tpu.memory_space<vmem_shared>>
      tpu.enqueue_dma source(%dma_start3A_175 : memref<128x1x128xf32, #tpu.memory_space<vmem_shared>>) target(%dma_start3A_172 : memref<128x1x128xf32, #tpu.memory_space<hbm>>) target_semaphore(%run_scoped3A_168 : memref<!tpu.dma_semaphore, #tpu.memory_space<semaphore_mem>>)
      %dma_wait3A = arith.constant 0 : i32
      %dma_wait3A_176 = arith.constant 0 : i32
      %dma_wait3A_177 = tpu.memref_slice %arg6[%add3A_3, %add3A_72, %dma_wait3A, %dma_wait3A_176] : memref<4x10016x1x128xf32, #tpu.memory_space<hbm>> -> memref<1x128x1x128xf32, #tpu.memory_space<hbm>>
      %dma_wait3A_178 = tpu.memref_squeeze %dma_wait3A_177 : memref<1x128x1x128xf32, #tpu.memory_space<hbm>> -> memref<128x1x128xf32, #tpu.memory_space<hbm>>
      %dma_wait3A_179 = arith.constant 0 : i32
      %dma_wait3A_180 = arith.constant 0 : i32
      %dma_wait3A_181 = tpu.memref_slice %arg11[%add3A_70, %dma_wait3A_179, %dma_wait3A_180] : memref<10016x1x128xf32, #tpu.memory_space<vmem_shared>> -> memref<128x1x128xf32, #tpu.memory_space<vmem_shared>>
      tpu.wait_dma2 semaphore(%run_scoped3A_168 : memref<!tpu.dma_semaphore, #tpu.memory_space<semaphore_mem>>) src(%dma_wait3A_181 : memref<128x1x128xf32, #tpu.memory_space<vmem_shared>>) dst(%dma_wait3A_178 : memref<128x1x128xf32, #tpu.memory_space<hbm>>)
      tpu.yield
    }) : () -> ()
    %add3A_73 = arith.constant 384 : i32
    %add3A_74 = arith.addi %mul3A_0, %add3A_73 : i32
    %add3A_75 = arith.constant 384 : i32
    %add3A_76 = arith.addi %mul3A_0, %add3A_75 : i32
    "tpu.region"() ({
      %run_scoped3A_168 = tpu.sem_alloc : memref<!tpu.dma_semaphore, #tpu.memory_space<semaphore_mem>>
      %dma_start3A_169 = arith.constant 0 : i32
      %dma_start3A_170 = arith.constant 0 : i32
      %dma_start3A_171 = tpu.memref_slice %arg6[%add3A_3, %add3A_76, %dma_start3A_169, %dma_start3A_170] : memref<4x10016x1x128xf32, #tpu.memory_space<hbm>> -> memref<1x128x1x128xf32, #tpu.memory_space<hbm>>
      %dma_start3A_172 = tpu.memref_squeeze %dma_start3A_171 : memref<1x128x1x128xf32, #tpu.memory_space<hbm>> -> memref<128x1x128xf32, #tpu.memory_space<hbm>>
      %dma_start3A_173 = arith.constant 0 : i32
      %dma_start3A_174 = arith.constant 0 : i32
      %dma_start3A_175 = tpu.memref_slice %arg11[%add3A_74, %dma_start3A_173, %dma_start3A_174] : memref<10016x1x128xf32, #tpu.memory_space<vmem_shared>> -> memref<128x1x128xf32, #tpu.memory_space<vmem_shared>>
      tpu.enqueue_dma source(%dma_start3A_175 : memref<128x1x128xf32, #tpu.memory_space<vmem_shared>>) target(%dma_start3A_172 : memref<128x1x128xf32, #tpu.memory_space<hbm>>) target_semaphore(%run_scoped3A_168 : memref<!tpu.dma_semaphore, #tpu.memory_space<semaphore_mem>>)
      %dma_wait3A = arith.constant 0 : i32
      %dma_wait3A_176 = arith.constant 0 : i32
      %dma_wait3A_177 = tpu.memref_slice %arg6[%add3A_3, %add3A_76, %dma_wait3A, %dma_wait3A_176] : memref<4x10016x1x128xf32, #tpu.memory_space<hbm>> -> memref<1x128x1x128xf32, #tpu.memory_space<hbm>>
      %dma_wait3A_178 = tpu.memref_squeeze %dma_wait3A_177 : memref<1x128x1x128xf32, #tpu.memory_space<hbm>> -> memref<128x1x128xf32, #tpu.memory_space<hbm>>
      %dma_wait3A_179 = arith.constant 0 : i32
      %dma_wait3A_180 = arith.constant 0 : i32
      %dma_wait3A_181 = tpu.memref_slice %arg11[%add3A_74, %dma_wait3A_179, %dma_wait3A_180] : memref<10016x1x128xf32, #tpu.memory_space<vmem_shared>> -> memref<128x1x128xf32, #tpu.memory_space<vmem_shared>>
      tpu.wait_dma2 semaphore(%run_scoped3A_168 : memref<!tpu.dma_semaphore, #tpu.memory_space<semaphore_mem>>) src(%dma_wait3A_181 : memref<128x1x128xf32, #tpu.memory_space<vmem_shared>>) dst(%dma_wait3A_178 : memref<128x1x128xf32, #tpu.memory_space<hbm>>)
      tpu.yield
    }) : () -> ()
    %add3A_77 = arith.constant 512 : i32
    %add3A_78 = arith.addi %mul3A_0, %add3A_77 : i32
    %add3A_79 = arith.constant 512 : i32
    %add3A_80 = arith.addi %mul3A_0, %add3A_79 : i32
    "tpu.region"() ({
      %run_scoped3A_168 = tpu.sem_alloc : memref<!tpu.dma_semaphore, #tpu.memory_space<semaphore_mem>>
      %dma_start3A_169 = arith.constant 0 : i32
      %dma_start3A_170 = arith.constant 0 : i32
      %dma_start3A_171 = tpu.memref_slice %arg6[%add3A_3, %add3A_80, %dma_start3A_169, %dma_start3A_170] : memref<4x10016x1x128xf32, #tpu.memory_space<hbm>> -> memref<1x114x1x128xf32, #tpu.memory_space<hbm>>
      %dma_start3A_172 = tpu.memref_squeeze %dma_start3A_171 : memref<1x114x1x128xf32, #tpu.memory_space<hbm>> -> memref<114x1x128xf32, #tpu.memory_space<hbm>>
      %dma_start3A_173 = arith.constant 0 : i32
      %dma_start3A_174 = arith.constant 0 : i32
      %dma_start3A_175 = tpu.memref_slice %arg11[%add3A_78, %dma_start3A_173, %dma_start3A_174] : memref<10016x1x128xf32, #tpu.memory_space<vmem_shared>> -> memref<114x1x128xf32, #tpu.memory_space<vmem_shared>>
      tpu.enqueue_dma source(%dma_start3A_175 : memref<114x1x128xf32, #tpu.memory_space<vmem_shared>>) target(%dma_start3A_172 : memref<114x1x128xf32, #tpu.memory_space<hbm>>) target_semaphore(%run_scoped3A_168 : memref<!tpu.dma_semaphore, #tpu.memory_space<semaphore_mem>>)
      %dma_wait3A = arith.constant 0 : i32
      %dma_wait3A_176 = arith.constant 0 : i32
      %dma_wait3A_177 = tpu.memref_slice %arg6[%add3A_3, %add3A_80, %dma_wait3A, %dma_wait3A_176] : memref<4x10016x1x128xf32, #tpu.memory_space<hbm>> -> memref<1x114x1x128xf32, #tpu.memory_space<hbm>>
      %dma_wait3A_178 = tpu.memref_squeeze %dma_wait3A_177 : memref<1x114x1x128xf32, #tpu.memory_space<hbm>> -> memref<114x1x128xf32, #tpu.memory_space<hbm>>
      %dma_wait3A_179 = arith.constant 0 : i32
      %dma_wait3A_180 = arith.constant 0 : i32
      %dma_wait3A_181 = tpu.memref_slice %arg11[%add3A_78, %dma_wait3A_179, %dma_wait3A_180] : memref<10016x1x128xf32, #tpu.memory_space<vmem_shared>> -> memref<114x1x128xf32, #tpu.memory_space<vmem_shared>>
      tpu.wait_dma2 semaphore(%run_scoped3A_168 : memref<!tpu.dma_semaphore, #tpu.memory_space<semaphore_mem>>) src(%dma_wait3A_181 : memref<114x1x128xf32, #tpu.memory_space<vmem_shared>>) dst(%dma_wait3A_178 : memref<114x1x128xf32, #tpu.memory_space<hbm>>)
      tpu.yield
    }) : () -> ()
    %barrier3A_81 = arith.constant 0 : index
    tpu.barrier barrier_id(%barrier3A_81)
    %mul3A_82 = arith.constant 2 : i32
    %mul3A_83 = arith.muli %arg0, %mul3A_82 : i32
    %add3A_84 = arith.constant 1 : i32
    %add3A_85 = arith.addi %mul3A_83, %add3A_84 : i32
    %mul3A_86 = arith.constant 16 : i32
    %mul3A_87 = arith.muli %add3A_85, %mul3A_86 : i32
    %add3A_88 = arith.addi %mul3A_87, %arg1 : i32
    %add3A_89 = arith.constant 0 : i32
    %add3A_90 = arith.addi %mul3A_0, %add3A_89 : i32
    "tpu.region"() ({
      %run_scoped3A_168 = tpu.sem_alloc : memref<!tpu.dma_semaphore, #tpu.memory_space<semaphore_mem>>
      %dma_start3A_169 = arith.constant 0 : i32
      %dma_start3A_170 = arith.constant 0 : i32
      %dma_start3A_171 = tpu.memref_slice %arg11[%add3A_90, %dma_start3A_169, %dma_start3A_170] : memref<10016x1x128xf32, #tpu.memory_space<vmem_shared>> -> memref<128x1x128xf32, #tpu.memory_space<vmem_shared>>
      tpu.enqueue_dma source(%arg5 : memref<128x1x128xf32, #tpu.memory_space<hbm>>) target(%dma_start3A_171 : memref<128x1x128xf32, #tpu.memory_space<vmem_shared>>) target_semaphore(%run_scoped3A_168 : memref<!tpu.dma_semaphore, #tpu.memory_space<semaphore_mem>>)
      %dma_wait3A = arith.constant 0 : i32
      %dma_wait3A_172 = arith.constant 0 : i32
      %dma_wait3A_173 = tpu.memref_slice %arg11[%add3A_90, %dma_wait3A, %dma_wait3A_172] : memref<10016x1x128xf32, #tpu.memory_space<vmem_shared>> -> memref<128x1x128xf32, #tpu.memory_space<vmem_shared>>
      tpu.wait_dma2 semaphore(%run_scoped3A_168 : memref<!tpu.dma_semaphore, #tpu.memory_space<semaphore_mem>>) src(%arg5 : memref<128x1x128xf32, #tpu.memory_space<hbm>>) dst(%dma_wait3A_173 : memref<128x1x128xf32, #tpu.memory_space<vmem_shared>>)
      tpu.yield
    }) : () -> ()
    %add3A_91 = arith.constant 128 : i32
    %add3A_92 = arith.addi %mul3A_0, %add3A_91 : i32
    "tpu.region"() ({
      %run_scoped3A_168 = tpu.sem_alloc : memref<!tpu.dma_semaphore, #tpu.memory_space<semaphore_mem>>
      %dma_start3A_169 = arith.constant 0 : i32
      %dma_start3A_170 = arith.constant 0 : i32
      %dma_start3A_171 = tpu.memref_slice %arg11[%add3A_92, %dma_start3A_169, %dma_start3A_170] : memref<10016x1x128xf32, #tpu.memory_space<vmem_shared>> -> memref<128x1x128xf32, #tpu.memory_space<vmem_shared>>
      tpu.enqueue_dma source(%arg5 : memref<128x1x128xf32, #tpu.memory_space<hbm>>) target(%dma_start3A_171 : memref<128x1x128xf32, #tpu.memory_space<vmem_shared>>) target_semaphore(%run_scoped3A_168 : memref<!tpu.dma_semaphore, #tpu.memory_space<semaphore_mem>>)
      %dma_wait3A = arith.constant 0 : i32
      %dma_wait3A_172 = arith.constant 0 : i32
      %dma_wait3A_173 = tpu.memref_slice %arg11[%add3A_92, %dma_wait3A, %dma_wait3A_172] : memref<10016x1x128xf32, #tpu.memory_space<vmem_shared>> -> memref<128x1x128xf32, #tpu.memory_space<vmem_shared>>
      tpu.wait_dma2 semaphore(%run_scoped3A_168 : memref<!tpu.dma_semaphore, #tpu.memory_space<semaphore_mem>>) src(%arg5 : memref<128x1x128xf32, #tpu.memory_space<hbm>>) dst(%dma_wait3A_173 : memref<128x1x128xf32, #tpu.memory_space<vmem_shared>>)
      tpu.yield
    }) : () -> ()
    %add3A_93 = arith.constant 256 : i32
    %add3A_94 = arith.addi %mul3A_0, %add3A_93 : i32
    "tpu.region"() ({
      %run_scoped3A_168 = tpu.sem_alloc : memref<!tpu.dma_semaphore, #tpu.memory_space<semaphore_mem>>
      %dma_start3A_169 = arith.constant 0 : i32
      %dma_start3A_170 = arith.constant 0 : i32
      %dma_start3A_171 = tpu.memref_slice %arg11[%add3A_94, %dma_start3A_169, %dma_start3A_170] : memref<10016x1x128xf32, #tpu.memory_space<vmem_shared>> -> memref<128x1x128xf32, #tpu.memory_space<vmem_shared>>
      tpu.enqueue_dma source(%arg5 : memref<128x1x128xf32, #tpu.memory_space<hbm>>) target(%dma_start3A_171 : memref<128x1x128xf32, #tpu.memory_space<vmem_shared>>) target_semaphore(%run_scoped3A_168 : memref<!tpu.dma_semaphore, #tpu.memory_space<semaphore_mem>>)
      %dma_wait3A = arith.constant 0 : i32
      %dma_wait3A_172 = arith.constant 0 : i32
      %dma_wait3A_173 = tpu.memref_slice %arg11[%add3A_94, %dma_wait3A, %dma_wait3A_172] : memref<10016x1x128xf32, #tpu.memory_space<vmem_shared>> -> memref<128x1x128xf32, #tpu.memory_space<vmem_shared>>
      tpu.wait_dma2 semaphore(%run_scoped3A_168 : memref<!tpu.dma_semaphore, #tpu.memory_space<semaphore_mem>>) src(%arg5 : memref<128x1x128xf32, #tpu.memory_space<hbm>>) dst(%dma_wait3A_173 : memref<128x1x128xf32, #tpu.memory_space<vmem_shared>>)
      tpu.yield
    }) : () -> ()
    %add3A_95 = arith.constant 384 : i32
    %add3A_96 = arith.addi %mul3A_0, %add3A_95 : i32
    "tpu.region"() ({
      %run_scoped3A_168 = tpu.sem_alloc : memref<!tpu.dma_semaphore, #tpu.memory_space<semaphore_mem>>
      %dma_start3A_169 = arith.constant 0 : i32
      %dma_start3A_170 = arith.constant 0 : i32
      %dma_start3A_171 = tpu.memref_slice %arg11[%add3A_96, %dma_start3A_169, %dma_start3A_170] : memref<10016x1x128xf32, #tpu.memory_space<vmem_shared>> -> memref<128x1x128xf32, #tpu.memory_space<vmem_shared>>
      tpu.enqueue_dma source(%arg5 : memref<128x1x128xf32, #tpu.memory_space<hbm>>) target(%dma_start3A_171 : memref<128x1x128xf32, #tpu.memory_space<vmem_shared>>) target_semaphore(%run_scoped3A_168 : memref<!tpu.dma_semaphore, #tpu.memory_space<semaphore_mem>>)
      %dma_wait3A = arith.constant 0 : i32
      %dma_wait3A_172 = arith.constant 0 : i32
      %dma_wait3A_173 = tpu.memref_slice %arg11[%add3A_96, %dma_wait3A, %dma_wait3A_172] : memref<10016x1x128xf32, #tpu.memory_space<vmem_shared>> -> memref<128x1x128xf32, #tpu.memory_space<vmem_shared>>
      tpu.wait_dma2 semaphore(%run_scoped3A_168 : memref<!tpu.dma_semaphore, #tpu.memory_space<semaphore_mem>>) src(%arg5 : memref<128x1x128xf32, #tpu.memory_space<hbm>>) dst(%dma_wait3A_173 : memref<128x1x128xf32, #tpu.memory_space<vmem_shared>>)
      tpu.yield
    }) : () -> ()
    %add3A_97 = arith.constant 512 : i32
    %add3A_98 = arith.addi %mul3A_0, %add3A_97 : i32
    "tpu.region"() ({
      %run_scoped3A_168 = tpu.sem_alloc : memref<!tpu.dma_semaphore, #tpu.memory_space<semaphore_mem>>
      %dma_start3A_169 = arith.constant 0 : i32
      %dma_start3A_170 = arith.constant 0 : i32
      %dma_start3A_171 = tpu.memref_slice %arg11[%add3A_98, %dma_start3A_169, %dma_start3A_170] : memref<10016x1x128xf32, #tpu.memory_space<vmem_shared>> -> memref<114x1x128xf32, #tpu.memory_space<vmem_shared>>
      %dma_start3A_172 = arith.constant 0 : i32
      %dma_start3A_173 = arith.constant 0 : i32
      %dma_start3A_174 = arith.constant 0 : i32
      %dma_start3A_175 = tpu.memref_slice %arg5[%dma_start3A_172, %dma_start3A_173, %dma_start3A_174] : memref<128x1x128xf32, #tpu.memory_space<hbm>> -> memref<114x1x128xf32, #tpu.memory_space<hbm>>
      tpu.enqueue_dma source(%dma_start3A_175 : memref<114x1x128xf32, #tpu.memory_space<hbm>>) target(%dma_start3A_171 : memref<114x1x128xf32, #tpu.memory_space<vmem_shared>>) target_semaphore(%run_scoped3A_168 : memref<!tpu.dma_semaphore, #tpu.memory_space<semaphore_mem>>)
      %dma_wait3A = arith.constant 0 : i32
      %dma_wait3A_176 = arith.constant 0 : i32
      %dma_wait3A_177 = tpu.memref_slice %arg11[%add3A_98, %dma_wait3A, %dma_wait3A_176] : memref<10016x1x128xf32, #tpu.memory_space<vmem_shared>> -> memref<114x1x128xf32, #tpu.memory_space<vmem_shared>>
      %dma_wait3A_178 = arith.constant 0 : i32
      %dma_wait3A_179 = arith.constant 0 : i32
      %dma_wait3A_180 = arith.constant 0 : i32
      %dma_wait3A_181 = tpu.memref_slice %arg5[%dma_wait3A_178, %dma_wait3A_179, %dma_wait3A_180] : memref<128x1x128xf32, #tpu.memory_space<hbm>> -> memref<114x1x128xf32, #tpu.memory_space<hbm>>
      tpu.wait_dma2 semaphore(%run_scoped3A_168 : memref<!tpu.dma_semaphore, #tpu.memory_space<semaphore_mem>>) src(%dma_wait3A_181 : memref<114x1x128xf32, #tpu.memory_space<hbm>>) dst(%dma_wait3A_177 : memref<114x1x128xf32, #tpu.memory_space<vmem_shared>>)
      tpu.yield
    }) : () -> ()
    %barrier3A_99 = arith.constant 0 : index
    tpu.barrier barrier_id(%barrier3A_99)
    %run_scoped3A_100 = arith.constant 0 : i32
    %run_scoped3A_101 = arith.constant 0 : i32
    "tpu.region"() ({
      %run_scoped3A_168 = tpu.sem_alloc : memref<!tpu.dma_semaphore, #tpu.memory_space<semaphore_mem>>
      %dma_start3A_169 = arith.constant 0 : i32
      %dma_start3A_170 = tpu.memref_slice %arg7[%run_scoped3A_101, %dma_start3A_169] : memref<2x128xi32, #tpu.memory_space<vmem>> -> memref<1x128xi32, #tpu.memory_space<vmem>>
      %dma_start3A_171 = tpu.memref_squeeze %dma_start3A_170 : memref<1x128xi32, #tpu.memory_space<vmem>> -> memref<128xi32, #tpu.memory_space<vmem>>
      %dma_start3A_172 = arith.constant 0 : i32
      %dma_start3A_173 = tpu.memref_slice %arg3[%add3A_88, %run_scoped3A_100, %dma_start3A_172] : memref<64x80x128xi32, #tpu.memory_space<hbm>> -> memref<1x1x128xi32, #tpu.memory_space<hbm>>
      %dma_start3A_174 = tpu.memref_squeeze %dma_start3A_173 : memref<1x1x128xi32, #tpu.memory_space<hbm>> -> memref<128xi32, #tpu.memory_space<hbm>>
      %dma_start3A_175 = arith.constant 0 : i32
      %dma_start3A_176 = tpu.memref_slice %arg7[%run_scoped3A_101, %dma_start3A_175] : memref<2x128xi32, #tpu.memory_space<vmem>> -> memref<1x128xi32, #tpu.memory_space<vmem>>
      %dma_start3A_177 = tpu.memref_squeeze %dma_start3A_176 : memref<1x128xi32, #tpu.memory_space<vmem>> -> memref<128xi32, #tpu.memory_space<vmem>>
      %dma_start3A_178 = arith.constant 0 : i32
      %dma_start3A_179 = tpu.memref_slice %arg3[%add3A_88, %run_scoped3A_100, %dma_start3A_178] : memref<64x80x128xi32, #tpu.memory_space<hbm>> -> memref<1x1x128xi32, #tpu.memory_space<hbm>>
      %dma_start3A_180 = tpu.memref_squeeze %dma_start3A_179 : memref<1x1x128xi32, #tpu.memory_space<hbm>> -> memref<128xi32, #tpu.memory_space<hbm>>
      tpu.enqueue_dma source(%dma_start3A_180 : memref<128xi32, #tpu.memory_space<hbm>>) target(%dma_start3A_177 : memref<128xi32, #tpu.memory_space<vmem>>) target_semaphore(%run_scoped3A_168 : memref<!tpu.dma_semaphore, #tpu.memory_space<semaphore_mem>>)
      %dma_wait3A = arith.constant 0 : i32
      %dma_wait3A_181 = tpu.memref_slice %arg7[%run_scoped3A_101, %dma_wait3A] : memref<2x128xi32, #tpu.memory_space<vmem>> -> memref<1x128xi32, #tpu.memory_space<vmem>>
      %dma_wait3A_182 = tpu.memref_squeeze %dma_wait3A_181 : memref<1x128xi32, #tpu.memory_space<vmem>> -> memref<128xi32, #tpu.memory_space<vmem>>
      %dma_wait3A_183 = arith.constant 0 : i32
      %dma_wait3A_184 = tpu.memref_slice %arg3[%add3A_88, %run_scoped3A_100, %dma_wait3A_183] : memref<64x80x128xi32, #tpu.memory_space<hbm>> -> memref<1x1x128xi32, #tpu.memory_space<hbm>>
      %dma_wait3A_185 = tpu.memref_squeeze %dma_wait3A_184 : memref<1x1x128xi32, #tpu.memory_space<hbm>> -> memref<128xi32, #tpu.memory_space<hbm>>
      %dma_wait3A_186 = arith.constant 0 : i32
      %dma_wait3A_187 = tpu.memref_slice %arg7[%run_scoped3A_101, %dma_wait3A_186] : memref<2x128xi32, #tpu.memory_space<vmem>> -> memref<1x128xi32, #tpu.memory_space<vmem>>
      %dma_wait3A_188 = tpu.memref_squeeze %dma_wait3A_187 : memref<1x128xi32, #tpu.memory_space<vmem>> -> memref<128xi32, #tpu.memory_space<vmem>>
      %dma_wait3A_189 = arith.constant 0 : i32
      %dma_wait3A_190 = tpu.memref_slice %arg3[%add3A_88, %run_scoped3A_100, %dma_wait3A_189] : memref<64x80x128xi32, #tpu.memory_space<hbm>> -> memref<1x1x128xi32, #tpu.memory_space<hbm>>
      %dma_wait3A_191 = tpu.memref_squeeze %dma_wait3A_190 : memref<1x1x128xi32, #tpu.memory_space<hbm>> -> memref<128xi32, #tpu.memory_space<hbm>>
      tpu.wait_dma2 semaphore(%run_scoped3A_168 : memref<!tpu.dma_semaphore, #tpu.memory_space<semaphore_mem>>) src(%dma_wait3A_191 : memref<128xi32, #tpu.memory_space<hbm>>) dst(%dma_wait3A_188 : memref<128xi32, #tpu.memory_space<vmem>>)
      tpu.yield
    }) : () -> ()
    %run_scoped3A_102 = arith.constant 0 : i32
    %run_scoped3A_103 = arith.constant 0 : i32
    "tpu.region"() ({
      %run_scoped3A_168 = tpu.sem_alloc : memref<!tpu.dma_semaphore, #tpu.memory_space<semaphore_mem>>
      %dma_start3A_169 = arith.constant 0 : i32
      %dma_start3A_170 = tpu.memref_slice %arg8[%run_scoped3A_103, %dma_start3A_169] : memref<2x128xi32, #tpu.memory_space<vmem>> -> memref<1x128xi32, #tpu.memory_space<vmem>>
      %dma_start3A_171 = tpu.memref_squeeze %dma_start3A_170 : memref<1x128xi32, #tpu.memory_space<vmem>> -> memref<128xi32, #tpu.memory_space<vmem>>
      %dma_start3A_172 = arith.constant 0 : i32
      %dma_start3A_173 = tpu.memref_slice %arg4[%arg1, %run_scoped3A_102, %dma_start3A_172] : memref<16x80x128xi32, #tpu.memory_space<hbm>> -> memref<1x1x128xi32, #tpu.memory_space<hbm>>
      %dma_start3A_174 = tpu.memref_squeeze %dma_start3A_173 : memref<1x1x128xi32, #tpu.memory_space<hbm>> -> memref<128xi32, #tpu.memory_space<hbm>>
      %dma_start3A_175 = arith.constant 0 : i32
      %dma_start3A_176 = tpu.memref_slice %arg8[%run_scoped3A_103, %dma_start3A_175] : memref<2x128xi32, #tpu.memory_space<vmem>> -> memref<1x128xi32, #tpu.memory_space<vmem>>
      %dma_start3A_177 = tpu.memref_squeeze %dma_start3A_176 : memref<1x128xi32, #tpu.memory_space<vmem>> -> memref<128xi32, #tpu.memory_space<vmem>>
      %dma_start3A_178 = arith.constant 0 : i32
      %dma_start3A_179 = tpu.memref_slice %arg4[%arg1, %run_scoped3A_102, %dma_start3A_178] : memref<16x80x128xi32, #tpu.memory_space<hbm>> -> memref<1x1x128xi32, #tpu.memory_space<hbm>>
      %dma_start3A_180 = tpu.memref_squeeze %dma_start3A_179 : memref<1x1x128xi32, #tpu.memory_space<hbm>> -> memref<128xi32, #tpu.memory_space<hbm>>
      tpu.enqueue_dma source(%dma_start3A_180 : memref<128xi32, #tpu.memory_space<hbm>>) target(%dma_start3A_177 : memref<128xi32, #tpu.memory_space<vmem>>) target_semaphore(%run_scoped3A_168 : memref<!tpu.dma_semaphore, #tpu.memory_space<semaphore_mem>>)
      %dma_wait3A = arith.constant 0 : i32
      %dma_wait3A_181 = tpu.memref_slice %arg8[%run_scoped3A_103, %dma_wait3A] : memref<2x128xi32, #tpu.memory_space<vmem>> -> memref<1x128xi32, #tpu.memory_space<vmem>>
      %dma_wait3A_182 = tpu.memref_squeeze %dma_wait3A_181 : memref<1x128xi32, #tpu.memory_space<vmem>> -> memref<128xi32, #tpu.memory_space<vmem>>
      %dma_wait3A_183 = arith.constant 0 : i32
      %dma_wait3A_184 = tpu.memref_slice %arg4[%arg1, %run_scoped3A_102, %dma_wait3A_183] : memref<16x80x128xi32, #tpu.memory_space<hbm>> -> memref<1x1x128xi32, #tpu.memory_space<hbm>>
      %dma_wait3A_185 = tpu.memref_squeeze %dma_wait3A_184 : memref<1x1x128xi32, #tpu.memory_space<hbm>> -> memref<128xi32, #tpu.memory_space<hbm>>
      %dma_wait3A_186 = arith.constant 0 : i32
      %dma_wait3A_187 = tpu.memref_slice %arg8[%run_scoped3A_103, %dma_wait3A_186] : memref<2x128xi32, #tpu.memory_space<vmem>> -> memref<1x128xi32, #tpu.memory_space<vmem>>
      %dma_wait3A_188 = tpu.memref_squeeze %dma_wait3A_187 : memref<1x128xi32, #tpu.memory_space<vmem>> -> memref<128xi32, #tpu.memory_space<vmem>>
      %dma_wait3A_189 = arith.constant 0 : i32
      %dma_wait3A_190 = tpu.memref_slice %arg4[%arg1, %run_scoped3A_102, %dma_wait3A_189] : memref<16x80x128xi32, #tpu.memory_space<hbm>> -> memref<1x1x128xi32, #tpu.memory_space<hbm>>
      %dma_wait3A_191 = tpu.memref_squeeze %dma_wait3A_190 : memref<1x1x128xi32, #tpu.memory_space<hbm>> -> memref<128xi32, #tpu.memory_space<hbm>>
      tpu.wait_dma2 semaphore(%run_scoped3A_168 : memref<!tpu.dma_semaphore, #tpu.memory_space<semaphore_mem>>) src(%dma_wait3A_191 : memref<128xi32, #tpu.memory_space<hbm>>) dst(%dma_wait3A_188 : memref<128xi32, #tpu.memory_space<vmem>>)
      tpu.yield
    }) : () -> ()
    %dma_start3A_104 = arith.constant 0 : i32
    %dma_start3A_105 = arith.constant 0 : i32
    %dma_start3A_106 = tpu.memref_slice %arg7[%dma_start3A_104, %dma_start3A_105] : memref<2x128xi32, #tpu.memory_space<vmem>> -> memref<1x128xi32, #tpu.memory_space<vmem>>
    %dma_start3A_107 = tpu.memref_squeeze %dma_start3A_106 : memref<1x128xi32, #tpu.memory_space<vmem>> -> memref<128xi32, #tpu.memory_space<vmem>>
    %dma_start3A_108 = arith.constant 0 : i32
    %dma_start3A_109 = arith.constant 0 : i32
    %dma_start3A_110 = arith.constant 0 : i32
    %dma_start3A_111 = tpu.memref_slice %arg2[%dma_start3A_108, %dma_start3A_109, %dma_start3A_110] : memref<8000x1x128xf32, #tpu.memory_space<hbm>> -> memref<8000x1x128xf32, #tpu.memory_space<hbm>>
    tpu.enqueue_indirect_dma source(%dma_start3A_111 : memref<8000x1x128xf32, #tpu.memory_space<hbm>>) target(%arg9 : memref<128x1x128xf32, #tpu.memory_space<vmem>>) offsets(%dma_start3A_107 : memref<128xi32, #tpu.memory_space<vmem>>) semaphore(%arg12 : memref<!tpu.dma_semaphore, #tpu.memory_space<semaphore_mem>>)
    %dma_start3A_112 = arith.constant 1 : i32
    %dma_start3A_113 = arith.constant 1 : i32
    %dma_start3A_114 = arith.constant 0 : i32
    %dma_start3A_115 = tpu.memref_slice %arg7[%dma_start3A_113, %dma_start3A_114] : memref<2x128xi32, #tpu.memory_space<vmem>> -> memref<1x128xi32, #tpu.memory_space<vmem>>
    %dma_start3A_116 = tpu.memref_squeeze %dma_start3A_115 : memref<1x128xi32, #tpu.memory_space<vmem>> -> memref<128xi32, #tpu.memory_space<vmem>>
    %dma_start3A_117 = arith.constant 0 : i32
    %dma_start3A_118 = tpu.memref_slice %arg3[%add3A_88, %dma_start3A_112, %dma_start3A_117] : memref<64x80x128xi32, #tpu.memory_space<hbm>> -> memref<1x1x128xi32, #tpu.memory_space<hbm>>
    %dma_start3A_119 = tpu.memref_squeeze %dma_start3A_118 : memref<1x1x128xi32, #tpu.memory_space<hbm>> -> memref<128xi32, #tpu.memory_space<hbm>>
    %dma_start3A_120 = arith.constant 0 : i32
    %dma_start3A_121 = tpu.memref_slice %arg7[%dma_start3A_113, %dma_start3A_120] : memref<2x128xi32, #tpu.memory_space<vmem>> -> memref<1x128xi32, #tpu.memory_space<vmem>>
    %dma_start3A_122 = tpu.memref_squeeze %dma_start3A_121 : memref<1x128xi32, #tpu.memory_space<vmem>> -> memref<128xi32, #tpu.memory_space<vmem>>
    %dma_start3A_123 = arith.constant 0 : i32
    %dma_start3A_124 = tpu.memref_slice %arg3[%add3A_88, %dma_start3A_112, %dma_start3A_123] : memref<64x80x128xi32, #tpu.memory_space<hbm>> -> memref<1x1x128xi32, #tpu.memory_space<hbm>>
    %dma_start3A_125 = tpu.memref_squeeze %dma_start3A_124 : memref<1x1x128xi32, #tpu.memory_space<hbm>> -> memref<128xi32, #tpu.memory_space<hbm>>
    tpu.enqueue_dma source(%dma_start3A_125 : memref<128xi32, #tpu.memory_space<hbm>>) target(%dma_start3A_122 : memref<128xi32, #tpu.memory_space<vmem>>) target_semaphore(%arg15 : memref<!tpu.dma_semaphore, #tpu.memory_space<semaphore_mem>>)
    %dma_start3A_126 = arith.constant 1 : i32
    %dma_start3A_127 = arith.constant 1 : i32
    %dma_start3A_128 = arith.constant 0 : i32
    %dma_start3A_129 = tpu.memref_slice %arg8[%dma_start3A_127, %dma_start3A_128] : memref<2x128xi32, #tpu.memory_space<vmem>> -> memref<1x128xi32, #tpu.memory_space<vmem>>
    %dma_start3A_130 = tpu.memref_squeeze %dma_start3A_129 : memref<1x128xi32, #tpu.memory_space<vmem>> -> memref<128xi32, #tpu.memory_space<vmem>>
    %dma_start3A_131 = arith.constant 0 : i32
    %dma_start3A_132 = tpu.memref_slice %arg4[%arg1, %dma_start3A_126, %dma_start3A_131] : memref<16x80x128xi32, #tpu.memory_space<hbm>> -> memref<1x1x128xi32, #tpu.memory_space<hbm>>
    %dma_start3A_133 = tpu.memref_squeeze %dma_start3A_132 : memref<1x1x128xi32, #tpu.memory_space<hbm>> -> memref<128xi32, #tpu.memory_space<hbm>>
    %dma_start3A_134 = arith.constant 0 : i32
    %dma_start3A_135 = tpu.memref_slice %arg8[%dma_start3A_127, %dma_start3A_134] : memref<2x128xi32, #tpu.memory_space<vmem>> -> memref<1x128xi32, #tpu.memory_space<vmem>>
    %dma_start3A_136 = tpu.memref_squeeze %dma_start3A_135 : memref<1x128xi32, #tpu.memory_space<vmem>> -> memref<128xi32, #tpu.memory_space<vmem>>
    %dma_start3A_137 = arith.constant 0 : i32
    %dma_start3A_138 = tpu.memref_slice %arg4[%arg1, %dma_start3A_126, %dma_start3A_137] : memref<16x80x128xi32, #tpu.memory_space<hbm>> -> memref<1x1x128xi32, #tpu.memory_space<hbm>>
    %dma_start3A_139 = tpu.memref_squeeze %dma_start3A_138 : memref<1x1x128xi32, #tpu.memory_space<hbm>> -> memref<128xi32, #tpu.memory_space<hbm>>
    tpu.enqueue_dma source(%dma_start3A_139 : memref<128xi32, #tpu.memory_space<hbm>>) target(%dma_start3A_136 : memref<128xi32, #tpu.memory_space<vmem>>) target_semaphore(%arg15 : memref<!tpu.dma_semaphore, #tpu.memory_space<semaphore_mem>>)
    %scan3A_140 = arith.constant 0 : i32
    %scan3A_141 = arith.constant 0 : i32
    %scan3A_142 = arith.constant 40 : i32
    %scan3A_143 = arith.addi %scan3A_141, %scan3A_142 : i32
    %scan3A_144 = arith.constant 1 : i32
    scf.for %scan3A_168 = %scan3A_141 to %scan3A_143 step %scan3A_144  : i32 {
      %mul3A_169 = arith.constant 2 : i32
      %mul3A_170 = arith.muli %mul3A_169, %scan3A_168 : i32
      %add3A_171 = arith.constant 0 : i32
      %add3A_172 = arith.addi %mul3A_170, %add3A_171 : i32
      %add3A_173 = arith.constant 1 : i32
      %add3A_174 = arith.addi %add3A_172, %add3A_173 : i32
      %lt3A = arith.constant 80 : i32
      %lt3A_175 = arith.cmpi slt, %add3A_174, %lt3A : i32
      %convert_element_type3A = arith.extui %lt3A_175 : i1 to i32
      %cond3A = arith.constant 0 : i32
      %cond3A_176 = arith.cmpi ne, %convert_element_type3A, %cond3A : i32
      scf.if %cond3A_176 {
        %add3A_219 = arith.constant 1 : i32
        %add3A_220 = arith.addi %add3A_172, %add3A_219 : i32
        %dma_wait3A_221 = arith.constant 1 : i32
        %dma_wait3A_222 = arith.constant 0 : i32
        %dma_wait3A_223 = tpu.memref_slice %arg7[%dma_wait3A_221, %dma_wait3A_222] : memref<2x128xi32, #tpu.memory_space<vmem>> -> memref<1x128xi32, #tpu.memory_space<vmem>>
        %dma_wait3A_224 = tpu.memref_squeeze %dma_wait3A_223 : memref<1x128xi32, #tpu.memory_space<vmem>> -> memref<128xi32, #tpu.memory_space<vmem>>
        %dma_wait3A_225 = arith.constant 0 : i32
        %dma_wait3A_226 = tpu.memref_slice %arg3[%add3A_88, %add3A_220, %dma_wait3A_225] : memref<64x80x128xi32, #tpu.memory_space<hbm>> -> memref<1x1x128xi32, #tpu.memory_space<hbm>>
        %dma_wait3A_227 = tpu.memref_squeeze %dma_wait3A_226 : memref<1x1x128xi32, #tpu.memory_space<hbm>> -> memref<128xi32, #tpu.memory_space<hbm>>
        %dma_wait3A_228 = arith.constant 0 : i32
        %dma_wait3A_229 = tpu.memref_slice %arg7[%dma_wait3A_221, %dma_wait3A_228] : memref<2x128xi32, #tpu.memory_space<vmem>> -> memref<1x128xi32, #tpu.memory_space<vmem>>
        %dma_wait3A_230 = tpu.memref_squeeze %dma_wait3A_229 : memref<1x128xi32, #tpu.memory_space<vmem>> -> memref<128xi32, #tpu.memory_space<vmem>>
        %dma_wait3A_231 = arith.constant 0 : i32
        %dma_wait3A_232 = tpu.memref_slice %arg3[%add3A_88, %add3A_220, %dma_wait3A_231] : memref<64x80x128xi32, #tpu.memory_space<hbm>> -> memref<1x1x128xi32, #tpu.memory_space<hbm>>
        %dma_wait3A_233 = tpu.memref_squeeze %dma_wait3A_232 : memref<1x1x128xi32, #tpu.memory_space<hbm>> -> memref<128xi32, #tpu.memory_space<hbm>>
        tpu.wait_dma2 semaphore(%arg15 : memref<!tpu.dma_semaphore, #tpu.memory_space<semaphore_mem>>) src(%dma_wait3A_233 : memref<128xi32, #tpu.memory_space<hbm>>) dst(%dma_wait3A_230 : memref<128xi32, #tpu.memory_space<vmem>>)
        %add3A_234 = arith.constant 1 : i32
        %add3A_235 = arith.addi %add3A_172, %add3A_234 : i32
        %dma_wait3A_236 = arith.constant 1 : i32
        %dma_wait3A_237 = arith.constant 0 : i32
        %dma_wait3A_238 = tpu.memref_slice %arg8[%dma_wait3A_236, %dma_wait3A_237] : memref<2x128xi32, #tpu.memory_space<vmem>> -> memref<1x128xi32, #tpu.memory_space<vmem>>
        %dma_wait3A_239 = tpu.memref_squeeze %dma_wait3A_238 : memref<1x128xi32, #tpu.memory_space<vmem>> -> memref<128xi32, #tpu.memory_space<vmem>>
        %dma_wait3A_240 = arith.constant 0 : i32
        %dma_wait3A_241 = tpu.memref_slice %arg4[%arg1, %add3A_235, %dma_wait3A_240] : memref<16x80x128xi32, #tpu.memory_space<hbm>> -> memref<1x1x128xi32, #tpu.memory_space<hbm>>
        %dma_wait3A_242 = tpu.memref_squeeze %dma_wait3A_241 : memref<1x1x128xi32, #tpu.memory_space<hbm>> -> memref<128xi32, #tpu.memory_space<hbm>>
        %dma_wait3A_243 = arith.constant 0 : i32
        %dma_wait3A_244 = tpu.memref_slice %arg8[%dma_wait3A_236, %dma_wait3A_243] : memref<2x128xi32, #tpu.memory_space<vmem>> -> memref<1x128xi32, #tpu.memory_space<vmem>>
        %dma_wait3A_245 = tpu.memref_squeeze %dma_wait3A_244 : memref<1x128xi32, #tpu.memory_space<vmem>> -> memref<128xi32, #tpu.memory_space<vmem>>
        %dma_wait3A_246 = arith.constant 0 : i32
        %dma_wait3A_247 = tpu.memref_slice %arg4[%arg1, %add3A_235, %dma_wait3A_246] : memref<16x80x128xi32, #tpu.memory_space<hbm>> -> memref<1x1x128xi32, #tpu.memory_space<hbm>>
        %dma_wait3A_248 = tpu.memref_squeeze %dma_wait3A_247 : memref<1x1x128xi32, #tpu.memory_space<hbm>> -> memref<128xi32, #tpu.memory_space<hbm>>
        tpu.wait_dma2 semaphore(%arg15 : memref<!tpu.dma_semaphore, #tpu.memory_space<semaphore_mem>>) src(%dma_wait3A_248 : memref<128xi32, #tpu.memory_space<hbm>>) dst(%dma_wait3A_245 : memref<128xi32, #tpu.memory_space<vmem>>)
        %dma_start3A_249 = arith.constant 1 : i32
        %dma_start3A_250 = arith.constant 0 : i32
        %dma_start3A_251 = tpu.memref_slice %arg7[%dma_start3A_249, %dma_start3A_250] : memref<2x128xi32, #tpu.memory_space<vmem>> -> memref<1x128xi32, #tpu.memory_space<vmem>>
        %dma_start3A_252 = tpu.memref_squeeze %dma_start3A_251 : memref<1x128xi32, #tpu.memory_space<vmem>> -> memref<128xi32, #tpu.memory_space<vmem>>
        %dma_start3A_253 = arith.constant 0 : i32
        %dma_start3A_254 = arith.constant 0 : i32
        %dma_start3A_255 = arith.constant 0 : i32
        %dma_start3A_256 = tpu.memref_slice %arg2[%dma_start3A_253, %dma_start3A_254, %dma_start3A_255] : memref<8000x1x128xf32, #tpu.memory_space<hbm>> -> memref<8000x1x128xf32, #tpu.memory_space<hbm>>
        tpu.enqueue_indirect_dma source(%dma_start3A_256 : memref<8000x1x128xf32, #tpu.memory_space<hbm>>) target(%arg10 : memref<128x1x128xf32, #tpu.memory_space<vmem>>) offsets(%dma_start3A_252 : memref<128xi32, #tpu.memory_space<vmem>>) semaphore(%arg13 : memref<!tpu.dma_semaphore, #tpu.memory_space<semaphore_mem>>)
      } else {
      }
      %dma_wait3A = arith.constant 0 : i32
      %dma_wait3A_177 = arith.constant 0 : i32
      %dma_wait3A_178 = tpu.memref_slice %arg7[%dma_wait3A, %dma_wait3A_177] : memref<2x128xi32, #tpu.memory_space<vmem>> -> memref<1x128xi32, #tpu.memory_space<vmem>>
      %dma_wait3A_179 = tpu.memref_squeeze %dma_wait3A_178 : memref<1x128xi32, #tpu.memory_space<vmem>> -> memref<128xi32, #tpu.memory_space<vmem>>
      %dma_wait3A_180 = arith.constant 0 : i32
      %dma_wait3A_181 = arith.constant 0 : i32
      %dma_wait3A_182 = arith.constant 0 : i32
      %dma_wait3A_183 = tpu.memref_slice %arg2[%dma_wait3A_180, %dma_wait3A_181, %dma_wait3A_182] : memref<8000x1x128xf32, #tpu.memory_space<hbm>> -> memref<8000x1x128xf32, #tpu.memory_space<hbm>>
      tpu.wait_indirect_dma semaphore(%arg12 : memref<!tpu.dma_semaphore, #tpu.memory_space<semaphore_mem>>) src(%dma_wait3A_183 : memref<8000x1x128xf32, #tpu.memory_space<hbm>>) dst(%arg9 : memref<128x1x128xf32, #tpu.memory_space<vmem>>)
      %run_scoped3A_184 = arith.constant 0 : i32
      "tpu.region"() ({
        %run_scoped3A_219 = tpu.sem_alloc : memref<!tpu.dma_semaphore, #tpu.memory_space<semaphore_mem>>
        %dma_start3A_220 = arith.constant 0 : i32
        %dma_start3A_221 = tpu.memref_slice %arg8[%run_scoped3A_184, %dma_start3A_220] : memref<2x128xi32, #tpu.memory_space<vmem>> -> memref<1x128xi32, #tpu.memory_space<vmem>>
        %dma_start3A_222 = tpu.memref_squeeze %dma_start3A_221 : memref<1x128xi32, #tpu.memory_space<vmem>> -> memref<128xi32, #tpu.memory_space<vmem>>
        %dma_start3A_223 = arith.constant 0 : i32
        %dma_start3A_224 = arith.constant 0 : i32
        %dma_start3A_225 = arith.constant 0 : i32
        %dma_start3A_226 = tpu.memref_slice %arg11[%dma_start3A_223, %dma_start3A_224, %dma_start3A_225] : memref<10016x1x128xf32, #tpu.memory_space<vmem_shared>> -> memref<10016x1x128xf32, #tpu.memory_space<vmem_shared>>
        tpu.enqueue_indirect_dma source(%arg9 : memref<128x1x128xf32, #tpu.memory_space<vmem>>) target(%dma_start3A_226 : memref<10016x1x128xf32, #tpu.memory_space<vmem_shared>>) offsets(%dma_start3A_222 : memref<128xi32, #tpu.memory_space<vmem>>) semaphore(%run_scoped3A_219 : memref<!tpu.dma_semaphore, #tpu.memory_space<semaphore_mem>>) {add = true}
        %dma_wait3A_227 = arith.constant 0 : i32
        %dma_wait3A_228 = tpu.memref_slice %arg8[%run_scoped3A_184, %dma_wait3A_227] : memref<2x128xi32, #tpu.memory_space<vmem>> -> memref<1x128xi32, #tpu.memory_space<vmem>>
        %dma_wait3A_229 = tpu.memref_squeeze %dma_wait3A_228 : memref<1x128xi32, #tpu.memory_space<vmem>> -> memref<128xi32, #tpu.memory_space<vmem>>
        %dma_wait3A_230 = arith.constant 0 : i32
        %dma_wait3A_231 = arith.constant 0 : i32
        %dma_wait3A_232 = arith.constant 0 : i32
        %dma_wait3A_233 = tpu.memref_slice %arg11[%dma_wait3A_230, %dma_wait3A_231, %dma_wait3A_232] : memref<10016x1x128xf32, #tpu.memory_space<vmem_shared>> -> memref<10016x1x128xf32, #tpu.memory_space<vmem_shared>>
        tpu.wait_indirect_dma semaphore(%run_scoped3A_219 : memref<!tpu.dma_semaphore, #tpu.memory_space<semaphore_mem>>) src(%arg9 : memref<128x1x128xf32, #tpu.memory_space<vmem>>) dst(%dma_wait3A_233 : memref<10016x1x128xf32, #tpu.memory_space<vmem_shared>>)
        tpu.yield
      }) : () -> ()
      %add3A_185 = arith.constant 2 : i32
      %add3A_186 = arith.addi %add3A_172, %add3A_185 : i32
      %lt3A_187 = arith.constant 80 : i32
      %lt3A_188 = arith.cmpi slt, %add3A_186, %lt3A_187 : i32
      %convert_element_type3A_189 = arith.extui %lt3A_188 : i1 to i32
      %cond3A_190 = arith.constant 0 : i32
      %cond3A_191 = arith.cmpi ne, %convert_element_type3A_189, %cond3A_190 : i32
      scf.if %cond3A_191 {
        %add3A_219 = arith.constant 2 : i32
        %add3A_220 = arith.addi %add3A_172, %add3A_219 : i32
        %dma_start3A_221 = arith.constant 0 : i32
        %dma_start3A_222 = arith.constant 0 : i32
        %dma_start3A_223 = tpu.memref_slice %arg7[%dma_start3A_221, %dma_start3A_222] : memref<2x128xi32, #tpu.memory_space<vmem>> -> memref<1x128xi32, #tpu.memory_space<vmem>>
        %dma_start3A_224 = tpu.memref_squeeze %dma_start3A_223 : memref<1x128xi32, #tpu.memory_space<vmem>> -> memref<128xi32, #tpu.memory_space<vmem>>
        %dma_start3A_225 = arith.constant 0 : i32
        %dma_start3A_226 = tpu.memref_slice %arg3[%add3A_88, %add3A_220, %dma_start3A_225] : memref<64x80x128xi32, #tpu.memory_space<hbm>> -> memref<1x1x128xi32, #tpu.memory_space<hbm>>
        %dma_start3A_227 = tpu.memref_squeeze %dma_start3A_226 : memref<1x1x128xi32, #tpu.memory_space<hbm>> -> memref<128xi32, #tpu.memory_space<hbm>>
        %dma_start3A_228 = arith.constant 0 : i32
        %dma_start3A_229 = tpu.memref_slice %arg7[%dma_start3A_221, %dma_start3A_228] : memref<2x128xi32, #tpu.memory_space<vmem>> -> memref<1x128xi32, #tpu.memory_space<vmem>>
        %dma_start3A_230 = tpu.memref_squeeze %dma_start3A_229 : memref<1x128xi32, #tpu.memory_space<vmem>> -> memref<128xi32, #tpu.memory_space<vmem>>
        %dma_start3A_231 = arith.constant 0 : i32
        %dma_start3A_232 = tpu.memref_slice %arg3[%add3A_88, %add3A_220, %dma_start3A_231] : memref<64x80x128xi32, #tpu.memory_space<hbm>> -> memref<1x1x128xi32, #tpu.memory_space<hbm>>
        %dma_start3A_233 = tpu.memref_squeeze %dma_start3A_232 : memref<1x1x128xi32, #tpu.memory_space<hbm>> -> memref<128xi32, #tpu.memory_space<hbm>>
        tpu.enqueue_dma source(%dma_start3A_233 : memref<128xi32, #tpu.memory_space<hbm>>) target(%dma_start3A_230 : memref<128xi32, #tpu.memory_space<vmem>>) target_semaphore(%arg14 : memref<!tpu.dma_semaphore, #tpu.memory_space<semaphore_mem>>)
        %add3A_234 = arith.constant 2 : i32
        %add3A_235 = arith.addi %add3A_172, %add3A_234 : i32
        %dma_start3A_236 = arith.constant 0 : i32
        %dma_start3A_237 = arith.constant 0 : i32
        %dma_start3A_238 = tpu.memref_slice %arg8[%dma_start3A_236, %dma_start3A_237] : memref<2x128xi32, #tpu.memory_space<vmem>> -> memref<1x128xi32, #tpu.memory_space<vmem>>
        %dma_start3A_239 = tpu.memref_squeeze %dma_start3A_238 : memref<1x128xi32, #tpu.memory_space<vmem>> -> memref<128xi32, #tpu.memory_space<vmem>>
        %dma_start3A_240 = arith.constant 0 : i32
        %dma_start3A_241 = tpu.memref_slice %arg4[%arg1, %add3A_235, %dma_start3A_240] : memref<16x80x128xi32, #tpu.memory_space<hbm>> -> memref<1x1x128xi32, #tpu.memory_space<hbm>>
        %dma_start3A_242 = tpu.memref_squeeze %dma_start3A_241 : memref<1x1x128xi32, #tpu.memory_space<hbm>> -> memref<128xi32, #tpu.memory_space<hbm>>
        %dma_start3A_243 = arith.constant 0 : i32
        %dma_start3A_244 = tpu.memref_slice %arg8[%dma_start3A_236, %dma_start3A_243] : memref<2x128xi32, #tpu.memory_space<vmem>> -> memref<1x128xi32, #tpu.memory_space<vmem>>
        %dma_start3A_245 = tpu.memref_squeeze %dma_start3A_244 : memref<1x128xi32, #tpu.memory_space<vmem>> -> memref<128xi32, #tpu.memory_space<vmem>>
        %dma_start3A_246 = arith.constant 0 : i32
        %dma_start3A_247 = tpu.memref_slice %arg4[%arg1, %add3A_235, %dma_start3A_246] : memref<16x80x128xi32, #tpu.memory_space<hbm>> -> memref<1x1x128xi32, #tpu.memory_space<hbm>>
        %dma_start3A_248 = tpu.memref_squeeze %dma_start3A_247 : memref<1x1x128xi32, #tpu.memory_space<hbm>> -> memref<128xi32, #tpu.memory_space<hbm>>
        tpu.enqueue_dma source(%dma_start3A_248 : memref<128xi32, #tpu.memory_space<hbm>>) target(%dma_start3A_245 : memref<128xi32, #tpu.memory_space<vmem>>) target_semaphore(%arg14 : memref<!tpu.dma_semaphore, #tpu.memory_space<semaphore_mem>>)
      } else {
      }
      %mul3A_192 = arith.constant 2 : i32
      %mul3A_193 = arith.muli %mul3A_192, %scan3A_168 : i32
      %add3A_194 = arith.constant 1 : i32
      %add3A_195 = arith.addi %mul3A_193, %add3A_194 : i32
      %add3A_196 = arith.constant 1 : i32
      %add3A_197 = arith.addi %add3A_195, %add3A_196 : i32
      %lt3A_198 = arith.constant 80 : i32
      %lt3A_199 = arith.cmpi slt, %add3A_197, %lt3A_198 : i32
      %convert_element_type3A_200 = arith.extui %lt3A_199 : i1 to i32
      %cond3A_201 = arith.constant 0 : i32
      %cond3A_202 = arith.cmpi ne, %convert_element_type3A_200, %cond3A_201 : i32
      scf.if %cond3A_202 {
        %add3A_219 = arith.constant 1 : i32
        %add3A_220 = arith.addi %add3A_195, %add3A_219 : i32
        %dma_wait3A_221 = arith.constant 0 : i32
        %dma_wait3A_222 = arith.constant 0 : i32
        %dma_wait3A_223 = tpu.memref_slice %arg7[%dma_wait3A_221, %dma_wait3A_222] : memref<2x128xi32, #tpu.memory_space<vmem>> -> memref<1x128xi32, #tpu.memory_space<vmem>>
        %dma_wait3A_224 = tpu.memref_squeeze %dma_wait3A_223 : memref<1x128xi32, #tpu.memory_space<vmem>> -> memref<128xi32, #tpu.memory_space<vmem>>
        %dma_wait3A_225 = arith.constant 0 : i32
        %dma_wait3A_226 = tpu.memref_slice %arg3[%add3A_88, %add3A_220, %dma_wait3A_225] : memref<64x80x128xi32, #tpu.memory_space<hbm>> -> memref<1x1x128xi32, #tpu.memory_space<hbm>>
        %dma_wait3A_227 = tpu.memref_squeeze %dma_wait3A_226 : memref<1x1x128xi32, #tpu.memory_space<hbm>> -> memref<128xi32, #tpu.memory_space<hbm>>
        %dma_wait3A_228 = arith.constant 0 : i32
        %dma_wait3A_229 = tpu.memref_slice %arg7[%dma_wait3A_221, %dma_wait3A_228] : memref<2x128xi32, #tpu.memory_space<vmem>> -> memref<1x128xi32, #tpu.memory_space<vmem>>
        %dma_wait3A_230 = tpu.memref_squeeze %dma_wait3A_229 : memref<1x128xi32, #tpu.memory_space<vmem>> -> memref<128xi32, #tpu.memory_space<vmem>>
        %dma_wait3A_231 = arith.constant 0 : i32
        %dma_wait3A_232 = tpu.memref_slice %arg3[%add3A_88, %add3A_220, %dma_wait3A_231] : memref<64x80x128xi32, #tpu.memory_space<hbm>> -> memref<1x1x128xi32, #tpu.memory_space<hbm>>
        %dma_wait3A_233 = tpu.memref_squeeze %dma_wait3A_232 : memref<1x1x128xi32, #tpu.memory_space<hbm>> -> memref<128xi32, #tpu.memory_space<hbm>>
        tpu.wait_dma2 semaphore(%arg14 : memref<!tpu.dma_semaphore, #tpu.memory_space<semaphore_mem>>) src(%dma_wait3A_233 : memref<128xi32, #tpu.memory_space<hbm>>) dst(%dma_wait3A_230 : memref<128xi32, #tpu.memory_space<vmem>>)
        %add3A_234 = arith.constant 1 : i32
        %add3A_235 = arith.addi %add3A_195, %add3A_234 : i32
        %dma_wait3A_236 = arith.constant 0 : i32
        %dma_wait3A_237 = arith.constant 0 : i32
        %dma_wait3A_238 = tpu.memref_slice %arg8[%dma_wait3A_236, %dma_wait3A_237] : memref<2x128xi32, #tpu.memory_space<vmem>> -> memref<1x128xi32, #tpu.memory_space<vmem>>
        %dma_wait3A_239 = tpu.memref_squeeze %dma_wait3A_238 : memref<1x128xi32, #tpu.memory_space<vmem>> -> memref<128xi32, #tpu.memory_space<vmem>>
        %dma_wait3A_240 = arith.constant 0 : i32
        %dma_wait3A_241 = tpu.memref_slice %arg4[%arg1, %add3A_235, %dma_wait3A_240] : memref<16x80x128xi32, #tpu.memory_space<hbm>> -> memref<1x1x128xi32, #tpu.memory_space<hbm>>
        %dma_wait3A_242 = tpu.memref_squeeze %dma_wait3A_241 : memref<1x1x128xi32, #tpu.memory_space<hbm>> -> memref<128xi32, #tpu.memory_space<hbm>>
        %dma_wait3A_243 = arith.constant 0 : i32
        %dma_wait3A_244 = tpu.memref_slice %arg8[%dma_wait3A_236, %dma_wait3A_243] : memref<2x128xi32, #tpu.memory_space<vmem>> -> memref<1x128xi32, #tpu.memory_space<vmem>>
        %dma_wait3A_245 = tpu.memref_squeeze %dma_wait3A_244 : memref<1x128xi32, #tpu.memory_space<vmem>> -> memref<128xi32, #tpu.memory_space<vmem>>
        %dma_wait3A_246 = arith.constant 0 : i32
        %dma_wait3A_247 = tpu.memref_slice %arg4[%arg1, %add3A_235, %dma_wait3A_246] : memref<16x80x128xi32, #tpu.memory_space<hbm>> -> memref<1x1x128xi32, #tpu.memory_space<hbm>>
        %dma_wait3A_248 = tpu.memref_squeeze %dma_wait3A_247 : memref<1x1x128xi32, #tpu.memory_space<hbm>> -> memref<128xi32, #tpu.memory_space<hbm>>
        tpu.wait_dma2 semaphore(%arg14 : memref<!tpu.dma_semaphore, #tpu.memory_space<semaphore_mem>>) src(%dma_wait3A_248 : memref<128xi32, #tpu.memory_space<hbm>>) dst(%dma_wait3A_245 : memref<128xi32, #tpu.memory_space<vmem>>)
        %dma_start3A_249 = arith.constant 0 : i32
        %dma_start3A_250 = arith.constant 0 : i32
        %dma_start3A_251 = tpu.memref_slice %arg7[%dma_start3A_249, %dma_start3A_250] : memref<2x128xi32, #tpu.memory_space<vmem>> -> memref<1x128xi32, #tpu.memory_space<vmem>>
        %dma_start3A_252 = tpu.memref_squeeze %dma_start3A_251 : memref<1x128xi32, #tpu.memory_space<vmem>> -> memref<128xi32, #tpu.memory_space<vmem>>
        %dma_start3A_253 = arith.constant 0 : i32
        %dma_start3A_254 = arith.constant 0 : i32
        %dma_start3A_255 = arith.constant 0 : i32
        %dma_start3A_256 = tpu.memref_slice %arg2[%dma_start3A_253, %dma_start3A_254, %dma_start3A_255] : memref<8000x1x128xf32, #tpu.memory_space<hbm>> -> memref<8000x1x128xf32, #tpu.memory_space<hbm>>
        tpu.enqueue_indirect_dma source(%dma_start3A_256 : memref<8000x1x128xf32, #tpu.memory_space<hbm>>) target(%arg9 : memref<128x1x128xf32, #tpu.memory_space<vmem>>) offsets(%dma_start3A_252 : memref<128xi32, #tpu.memory_space<vmem>>) semaphore(%arg12 : memref<!tpu.dma_semaphore, #tpu.memory_space<semaphore_mem>>)
      } else {
      }
      %dma_wait3A_203 = arith.constant 1 : i32
      %dma_wait3A_204 = arith.constant 0 : i32
      %dma_wait3A_205 = tpu.memref_slice %arg7[%dma_wait3A_203, %dma_wait3A_204] : memref<2x128xi32, #tpu.memory_space<vmem>> -> memref<1x128xi32, #tpu.memory_space<vmem>>
      %dma_wait3A_206 = tpu.memref_squeeze %dma_wait3A_205 : memref<1x128xi32, #tpu.memory_space<vmem>> -> memref<128xi32, #tpu.memory_space<vmem>>
      %dma_wait3A_207 = arith.constant 0 : i32
      %dma_wait3A_208 = arith.constant 0 : i32
      %dma_wait3A_209 = arith.constant 0 : i32
      %dma_wait3A_210 = tpu.memref_slice %arg2[%dma_wait3A_207, %dma_wait3A_208, %dma_wait3A_209] : memref<8000x1x128xf32, #tpu.memory_space<hbm>> -> memref<8000x1x128xf32, #tpu.memory_space<hbm>>
      tpu.wait_indirect_dma semaphore(%arg13 : memref<!tpu.dma_semaphore, #tpu.memory_space<semaphore_mem>>) src(%dma_wait3A_210 : memref<8000x1x128xf32, #tpu.memory_space<hbm>>) dst(%arg10 : memref<128x1x128xf32, #tpu.memory_space<vmem>>)
      %run_scoped3A_211 = arith.constant 1 : i32
      "tpu.region"() ({
        %run_scoped3A_219 = tpu.sem_alloc : memref<!tpu.dma_semaphore, #tpu.memory_space<semaphore_mem>>
        %dma_start3A_220 = arith.constant 0 : i32
        %dma_start3A_221 = tpu.memref_slice %arg8[%run_scoped3A_211, %dma_start3A_220] : memref<2x128xi32, #tpu.memory_space<vmem>> -> memref<1x128xi32, #tpu.memory_space<vmem>>
        %dma_start3A_222 = tpu.memref_squeeze %dma_start3A_221 : memref<1x128xi32, #tpu.memory_space<vmem>> -> memref<128xi32, #tpu.memory_space<vmem>>
        %dma_start3A_223 = arith.constant 0 : i32
        %dma_start3A_224 = arith.constant 0 : i32
        %dma_start3A_225 = arith.constant 0 : i32
        %dma_start3A_226 = tpu.memref_slice %arg11[%dma_start3A_223, %dma_start3A_224, %dma_start3A_225] : memref<10016x1x128xf32, #tpu.memory_space<vmem_shared>> -> memref<10016x1x128xf32, #tpu.memory_space<vmem_shared>>
        tpu.enqueue_indirect_dma source(%arg10 : memref<128x1x128xf32, #tpu.memory_space<vmem>>) target(%dma_start3A_226 : memref<10016x1x128xf32, #tpu.memory_space<vmem_shared>>) offsets(%dma_start3A_222 : memref<128xi32, #tpu.memory_space<vmem>>) semaphore(%run_scoped3A_219 : memref<!tpu.dma_semaphore, #tpu.memory_space<semaphore_mem>>) {add = true}
        %dma_wait3A_227 = arith.constant 0 : i32
        %dma_wait3A_228 = tpu.memref_slice %arg8[%run_scoped3A_211, %dma_wait3A_227] : memref<2x128xi32, #tpu.memory_space<vmem>> -> memref<1x128xi32, #tpu.memory_space<vmem>>
        %dma_wait3A_229 = tpu.memref_squeeze %dma_wait3A_228 : memref<1x128xi32, #tpu.memory_space<vmem>> -> memref<128xi32, #tpu.memory_space<vmem>>
        %dma_wait3A_230 = arith.constant 0 : i32
        %dma_wait3A_231 = arith.constant 0 : i32
        %dma_wait3A_232 = arith.constant 0 : i32
        %dma_wait3A_233 = tpu.memref_slice %arg11[%dma_wait3A_230, %dma_wait3A_231, %dma_wait3A_232] : memref<10016x1x128xf32, #tpu.memory_space<vmem_shared>> -> memref<10016x1x128xf32, #tpu.memory_space<vmem_shared>>
        tpu.wait_indirect_dma semaphore(%run_scoped3A_219 : memref<!tpu.dma_semaphore, #tpu.memory_space<semaphore_mem>>) src(%arg10 : memref<128x1x128xf32, #tpu.memory_space<vmem>>) dst(%dma_wait3A_233 : memref<10016x1x128xf32, #tpu.memory_space<vmem_shared>>)
        tpu.yield
      }) : () -> ()
      %add3A_212 = arith.constant 2 : i32
      %add3A_213 = arith.addi %add3A_195, %add3A_212 : i32
      %lt3A_214 = arith.constant 80 : i32
      %lt3A_215 = arith.cmpi slt, %add3A_213, %lt3A_214 : i32
      %convert_element_type3A_216 = arith.extui %lt3A_215 : i1 to i32
      %cond3A_217 = arith.constant 0 : i32
      %cond3A_218 = arith.cmpi ne, %convert_element_type3A_216, %cond3A_217 : i32
      scf.if %cond3A_218 {
        %add3A_219 = arith.constant 2 : i32
        %add3A_220 = arith.addi %add3A_195, %add3A_219 : i32
        %dma_start3A_221 = arith.constant 1 : i32
        %dma_start3A_222 = arith.constant 0 : i32
        %dma_start3A_223 = tpu.memref_slice %arg7[%dma_start3A_221, %dma_start3A_222] : memref<2x128xi32, #tpu.memory_space<vmem>> -> memref<1x128xi32, #tpu.memory_space<vmem>>
        %dma_start3A_224 = tpu.memref_squeeze %dma_start3A_223 : memref<1x128xi32, #tpu.memory_space<vmem>> -> memref<128xi32, #tpu.memory_space<vmem>>
        %dma_start3A_225 = arith.constant 0 : i32
        %dma_start3A_226 = tpu.memref_slice %arg3[%add3A_88, %add3A_220, %dma_start3A_225] : memref<64x80x128xi32, #tpu.memory_space<hbm>> -> memref<1x1x128xi32, #tpu.memory_space<hbm>>
        %dma_start3A_227 = tpu.memref_squeeze %dma_start3A_226 : memref<1x1x128xi32, #tpu.memory_space<hbm>> -> memref<128xi32, #tpu.memory_space<hbm>>
        %dma_start3A_228 = arith.constant 0 : i32
        %dma_start3A_229 = tpu.memref_slice %arg7[%dma_start3A_221, %dma_start3A_228] : memref<2x128xi32, #tpu.memory_space<vmem>> -> memref<1x128xi32, #tpu.memory_space<vmem>>
        %dma_start3A_230 = tpu.memref_squeeze %dma_start3A_229 : memref<1x128xi32, #tpu.memory_space<vmem>> -> memref<128xi32, #tpu.memory_space<vmem>>
        %dma_start3A_231 = arith.constant 0 : i32
        %dma_start3A_232 = tpu.memref_slice %arg3[%add3A_88, %add3A_220, %dma_start3A_231] : memref<64x80x128xi32, #tpu.memory_space<hbm>> -> memref<1x1x128xi32, #tpu.memory_space<hbm>>
        %dma_start3A_233 = tpu.memref_squeeze %dma_start3A_232 : memref<1x1x128xi32, #tpu.memory_space<hbm>> -> memref<128xi32, #tpu.memory_space<hbm>>
        tpu.enqueue_dma source(%dma_start3A_233 : memref<128xi32, #tpu.memory_space<hbm>>) target(%dma_start3A_230 : memref<128xi32, #tpu.memory_space<vmem>>) target_semaphore(%arg15 : memref<!tpu.dma_semaphore, #tpu.memory_space<semaphore_mem>>)
        %add3A_234 = arith.constant 2 : i32
        %add3A_235 = arith.addi %add3A_195, %add3A_234 : i32
        %dma_start3A_236 = arith.constant 1 : i32
        %dma_start3A_237 = arith.constant 0 : i32
        %dma_start3A_238 = tpu.memref_slice %arg8[%dma_start3A_236, %dma_start3A_237] : memref<2x128xi32, #tpu.memory_space<vmem>> -> memref<1x128xi32, #tpu.memory_space<vmem>>
        %dma_start3A_239 = tpu.memref_squeeze %dma_start3A_238 : memref<1x128xi32, #tpu.memory_space<vmem>> -> memref<128xi32, #tpu.memory_space<vmem>>
        %dma_start3A_240 = arith.constant 0 : i32
        %dma_start3A_241 = tpu.memref_slice %arg4[%arg1, %add3A_235, %dma_start3A_240] : memref<16x80x128xi32, #tpu.memory_space<hbm>> -> memref<1x1x128xi32, #tpu.memory_space<hbm>>
        %dma_start3A_242 = tpu.memref_squeeze %dma_start3A_241 : memref<1x1x128xi32, #tpu.memory_space<hbm>> -> memref<128xi32, #tpu.memory_space<hbm>>
        %dma_start3A_243 = arith.constant 0 : i32
        %dma_start3A_244 = tpu.memref_slice %arg8[%dma_start3A_236, %dma_start3A_243] : memref<2x128xi32, #tpu.memory_space<vmem>> -> memref<1x128xi32, #tpu.memory_space<vmem>>
        %dma_start3A_245 = tpu.memref_squeeze %dma_start3A_244 : memref<1x128xi32, #tpu.memory_space<vmem>> -> memref<128xi32, #tpu.memory_space<vmem>>
        %dma_start3A_246 = arith.constant 0 : i32
        %dma_start3A_247 = tpu.memref_slice %arg4[%arg1, %add3A_235, %dma_start3A_246] : memref<16x80x128xi32, #tpu.memory_space<hbm>> -> memref<1x1x128xi32, #tpu.memory_space<hbm>>
        %dma_start3A_248 = tpu.memref_squeeze %dma_start3A_247 : memref<1x1x128xi32, #tpu.memory_space<hbm>> -> memref<128xi32, #tpu.memory_space<hbm>>
        tpu.enqueue_dma source(%dma_start3A_248 : memref<128xi32, #tpu.memory_space<hbm>>) target(%dma_start3A_245 : memref<128xi32, #tpu.memory_space<vmem>>) target_semaphore(%arg15 : memref<!tpu.dma_semaphore, #tpu.memory_space<semaphore_mem>>)
      } else {
      }
    }
    %scan3A_145 = arith.constant 40 : i32
    %barrier3A_146 = arith.constant 0 : index
    tpu.barrier barrier_id(%barrier3A_146)
    %add3A_147 = arith.constant 0 : i32
    %add3A_148 = arith.addi %mul3A_0, %add3A_147 : i32
    %add3A_149 = arith.constant 0 : i32
    %add3A_150 = arith.addi %mul3A_0, %add3A_149 : i32
    "tpu.region"() ({
      %run_scoped3A_168 = tpu.sem_alloc : memref<!tpu.dma_semaphore, #tpu.memory_space<semaphore_mem>>
      %dma_start3A_169 = arith.constant 0 : i32
      %dma_start3A_170 = arith.constant 0 : i32
      %dma_start3A_171 = tpu.memref_slice %arg6[%add3A_85, %add3A_150, %dma_start3A_169, %dma_start3A_170] : memref<4x10016x1x128xf32, #tpu.memory_space<hbm>> -> memref<1x128x1x128xf32, #tpu.memory_space<hbm>>
      %dma_start3A_172 = tpu.memref_squeeze %dma_start3A_171 : memref<1x128x1x128xf32, #tpu.memory_space<hbm>> -> memref<128x1x128xf32, #tpu.memory_space<hbm>>
      %dma_start3A_173 = arith.constant 0 : i32
      %dma_start3A_174 = arith.constant 0 : i32
      %dma_start3A_175 = tpu.memref_slice %arg11[%add3A_148, %dma_start3A_173, %dma_start3A_174] : memref<10016x1x128xf32, #tpu.memory_space<vmem_shared>> -> memref<128x1x128xf32, #tpu.memory_space<vmem_shared>>
      tpu.enqueue_dma source(%dma_start3A_175 : memref<128x1x128xf32, #tpu.memory_space<vmem_shared>>) target(%dma_start3A_172 : memref<128x1x128xf32, #tpu.memory_space<hbm>>) target_semaphore(%run_scoped3A_168 : memref<!tpu.dma_semaphore, #tpu.memory_space<semaphore_mem>>)
      %dma_wait3A = arith.constant 0 : i32
      %dma_wait3A_176 = arith.constant 0 : i32
      %dma_wait3A_177 = tpu.memref_slice %arg6[%add3A_85, %add3A_150, %dma_wait3A, %dma_wait3A_176] : memref<4x10016x1x128xf32, #tpu.memory_space<hbm>> -> memref<1x128x1x128xf32, #tpu.memory_space<hbm>>
      %dma_wait3A_178 = tpu.memref_squeeze %dma_wait3A_177 : memref<1x128x1x128xf32, #tpu.memory_space<hbm>> -> memref<128x1x128xf32, #tpu.memory_space<hbm>>
      %dma_wait3A_179 = arith.constant 0 : i32
      %dma_wait3A_180 = arith.constant 0 : i32
      %dma_wait3A_181 = tpu.memref_slice %arg11[%add3A_148, %dma_wait3A_179, %dma_wait3A_180] : memref<10016x1x128xf32, #tpu.memory_space<vmem_shared>> -> memref<128x1x128xf32, #tpu.memory_space<vmem_shared>>
      tpu.wait_dma2 semaphore(%run_scoped3A_168 : memref<!tpu.dma_semaphore, #tpu.memory_space<semaphore_mem>>) src(%dma_wait3A_181 : memref<128x1x128xf32, #tpu.memory_space<vmem_shared>>) dst(%dma_wait3A_178 : memref<128x1x128xf32, #tpu.memory_space<hbm>>)
      tpu.yield
    }) : () -> ()
    %add3A_151 = arith.constant 128 : i32
    %add3A_152 = arith.addi %mul3A_0, %add3A_151 : i32
    %add3A_153 = arith.constant 128 : i32
    %add3A_154 = arith.addi %mul3A_0, %add3A_153 : i32
    "tpu.region"() ({
      %run_scoped3A_168 = tpu.sem_alloc : memref<!tpu.dma_semaphore, #tpu.memory_space<semaphore_mem>>
      %dma_start3A_169 = arith.constant 0 : i32
      %dma_start3A_170 = arith.constant 0 : i32
      %dma_start3A_171 = tpu.memref_slice %arg6[%add3A_85, %add3A_154, %dma_start3A_169, %dma_start3A_170] : memref<4x10016x1x128xf32, #tpu.memory_space<hbm>> -> memref<1x128x1x128xf32, #tpu.memory_space<hbm>>
      %dma_start3A_172 = tpu.memref_squeeze %dma_start3A_171 : memref<1x128x1x128xf32, #tpu.memory_space<hbm>> -> memref<128x1x128xf32, #tpu.memory_space<hbm>>
      %dma_start3A_173 = arith.constant 0 : i32
      %dma_start3A_174 = arith.constant 0 : i32
      %dma_start3A_175 = tpu.memref_slice %arg11[%add3A_152, %dma_start3A_173, %dma_start3A_174] : memref<10016x1x128xf32, #tpu.memory_space<vmem_shared>> -> memref<128x1x128xf32, #tpu.memory_space<vmem_shared>>
      tpu.enqueue_dma source(%dma_start3A_175 : memref<128x1x128xf32, #tpu.memory_space<vmem_shared>>) target(%dma_start3A_172 : memref<128x1x128xf32, #tpu.memory_space<hbm>>) target_semaphore(%run_scoped3A_168 : memref<!tpu.dma_semaphore, #tpu.memory_space<semaphore_mem>>)
      %dma_wait3A = arith.constant 0 : i32
      %dma_wait3A_176 = arith.constant 0 : i32
      %dma_wait3A_177 = tpu.memref_slice %arg6[%add3A_85, %add3A_154, %dma_wait3A, %dma_wait3A_176] : memref<4x10016x1x128xf32, #tpu.memory_space<hbm>> -> memref<1x128x1x128xf32, #tpu.memory_space<hbm>>
      %dma_wait3A_178 = tpu.memref_squeeze %dma_wait3A_177 : memref<1x128x1x128xf32, #tpu.memory_space<hbm>> -> memref<128x1x128xf32, #tpu.memory_space<hbm>>
      %dma_wait3A_179 = arith.constant 0 : i32
      %dma_wait3A_180 = arith.constant 0 : i32
      %dma_wait3A_181 = tpu.memref_slice %arg11[%add3A_152, %dma_wait3A_179, %dma_wait3A_180] : memref<10016x1x128xf32, #tpu.memory_space<vmem_shared>> -> memref<128x1x128xf32, #tpu.memory_space<vmem_shared>>
      tpu.wait_dma2 semaphore(%run_scoped3A_168 : memref<!tpu.dma_semaphore, #tpu.memory_space<semaphore_mem>>) src(%dma_wait3A_181 : memref<128x1x128xf32, #tpu.memory_space<vmem_shared>>) dst(%dma_wait3A_178 : memref<128x1x128xf32, #tpu.memory_space<hbm>>)
      tpu.yield
    }) : () -> ()
    %add3A_155 = arith.constant 256 : i32
    %add3A_156 = arith.addi %mul3A_0, %add3A_155 : i32
    %add3A_157 = arith.constant 256 : i32
    %add3A_158 = arith.addi %mul3A_0, %add3A_157 : i32
    "tpu.region"() ({
      %run_scoped3A_168 = tpu.sem_alloc : memref<!tpu.dma_semaphore, #tpu.memory_space<semaphore_mem>>
      %dma_start3A_169 = arith.constant 0 : i32
      %dma_start3A_170 = arith.constant 0 : i32
      %dma_start3A_171 = tpu.memref_slice %arg6[%add3A_85, %add3A_158, %dma_start3A_169, %dma_start3A_170] : memref<4x10016x1x128xf32, #tpu.memory_space<hbm>> -> memref<1x128x1x128xf32, #tpu.memory_space<hbm>>
      %dma_start3A_172 = tpu.memref_squeeze %dma_start3A_171 : memref<1x128x1x128xf32, #tpu.memory_space<hbm>> -> memref<128x1x128xf32, #tpu.memory_space<hbm>>
      %dma_start3A_173 = arith.constant 0 : i32
      %dma_start3A_174 = arith.constant 0 : i32
      %dma_start3A_175 = tpu.memref_slice %arg11[%add3A_156, %dma_start3A_173, %dma_start3A_174] : memref<10016x1x128xf32, #tpu.memory_space<vmem_shared>> -> memref<128x1x128xf32, #tpu.memory_space<vmem_shared>>
      tpu.enqueue_dma source(%dma_start3A_175 : memref<128x1x128xf32, #tpu.memory_space<vmem_shared>>) target(%dma_start3A_172 : memref<128x1x128xf32, #tpu.memory_space<hbm>>) target_semaphore(%run_scoped3A_168 : memref<!tpu.dma_semaphore, #tpu.memory_space<semaphore_mem>>)
      %dma_wait3A = arith.constant 0 : i32
      %dma_wait3A_176 = arith.constant 0 : i32
      %dma_wait3A_177 = tpu.memref_slice %arg6[%add3A_85, %add3A_158, %dma_wait3A, %dma_wait3A_176] : memref<4x10016x1x128xf32, #tpu.memory_space<hbm>> -> memref<1x128x1x128xf32, #tpu.memory_space<hbm>>
      %dma_wait3A_178 = tpu.memref_squeeze %dma_wait3A_177 : memref<1x128x1x128xf32, #tpu.memory_space<hbm>> -> memref<128x1x128xf32, #tpu.memory_space<hbm>>
      %dma_wait3A_179 = arith.constant 0 : i32
      %dma_wait3A_180 = arith.constant 0 : i32
      %dma_wait3A_181 = tpu.memref_slice %arg11[%add3A_156, %dma_wait3A_179, %dma_wait3A_180] : memref<10016x1x128xf32, #tpu.memory_space<vmem_shared>> -> memref<128x1x128xf32, #tpu.memory_space<vmem_shared>>
      tpu.wait_dma2 semaphore(%run_scoped3A_168 : memref<!tpu.dma_semaphore, #tpu.memory_space<semaphore_mem>>) src(%dma_wait3A_181 : memref<128x1x128xf32, #tpu.memory_space<vmem_shared>>) dst(%dma_wait3A_178 : memref<128x1x128xf32, #tpu.memory_space<hbm>>)
      tpu.yield
    }) : () -> ()
    %add3A_159 = arith.constant 384 : i32
    %add3A_160 = arith.addi %mul3A_0, %add3A_159 : i32
    %add3A_161 = arith.constant 384 : i32
    %add3A_162 = arith.addi %mul3A_0, %add3A_161 : i32
    "tpu.region"() ({
      %run_scoped3A_168 = tpu.sem_alloc : memref<!tpu.dma_semaphore, #tpu.memory_space<semaphore_mem>>
      %dma_start3A_169 = arith.constant 0 : i32
      %dma_start3A_170 = arith.constant 0 : i32
      %dma_start3A_171 = tpu.memref_slice %arg6[%add3A_85, %add3A_162, %dma_start3A_169, %dma_start3A_170] : memref<4x10016x1x128xf32, #tpu.memory_space<hbm>> -> memref<1x128x1x128xf32, #tpu.memory_space<hbm>>
      %dma_start3A_172 = tpu.memref_squeeze %dma_start3A_171 : memref<1x128x1x128xf32, #tpu.memory_space<hbm>> -> memref<128x1x128xf32, #tpu.memory_space<hbm>>
      %dma_start3A_173 = arith.constant 0 : i32
      %dma_start3A_174 = arith.constant 0 : i32
      %dma_start3A_175 = tpu.memref_slice %arg11[%add3A_160, %dma_start3A_173, %dma_start3A_174] : memref<10016x1x128xf32, #tpu.memory_space<vmem_shared>> -> memref<128x1x128xf32, #tpu.memory_space<vmem_shared>>
      tpu.enqueue_dma source(%dma_start3A_175 : memref<128x1x128xf32, #tpu.memory_space<vmem_shared>>) target(%dma_start3A_172 : memref<128x1x128xf32, #tpu.memory_space<hbm>>) target_semaphore(%run_scoped3A_168 : memref<!tpu.dma_semaphore, #tpu.memory_space<semaphore_mem>>)
      %dma_wait3A = arith.constant 0 : i32
      %dma_wait3A_176 = arith.constant 0 : i32
      %dma_wait3A_177 = tpu.memref_slice %arg6[%add3A_85, %add3A_162, %dma_wait3A, %dma_wait3A_176] : memref<4x10016x1x128xf32, #tpu.memory_space<hbm>> -> memref<1x128x1x128xf32, #tpu.memory_space<hbm>>
      %dma_wait3A_178 = tpu.memref_squeeze %dma_wait3A_177 : memref<1x128x1x128xf32, #tpu.memory_space<hbm>> -> memref<128x1x128xf32, #tpu.memory_space<hbm>>
      %dma_wait3A_179 = arith.constant 0 : i32
      %dma_wait3A_180 = arith.constant 0 : i32
      %dma_wait3A_181 = tpu.memref_slice %arg11[%add3A_160, %dma_wait3A_179, %dma_wait3A_180] : memref<10016x1x128xf32, #tpu.memory_space<vmem_shared>> -> memref<128x1x128xf32, #tpu.memory_space<vmem_shared>>
      tpu.wait_dma2 semaphore(%run_scoped3A_168 : memref<!tpu.dma_semaphore, #tpu.memory_space<semaphore_mem>>) src(%dma_wait3A_181 : memref<128x1x128xf32, #tpu.memory_space<vmem_shared>>) dst(%dma_wait3A_178 : memref<128x1x128xf32, #tpu.memory_space<hbm>>)
      tpu.yield
    }) : () -> ()
    %add3A_163 = arith.constant 512 : i32
    %add3A_164 = arith.addi %mul3A_0, %add3A_163 : i32
    %add3A_165 = arith.constant 512 : i32
    %add3A_166 = arith.addi %mul3A_0, %add3A_165 : i32
    "tpu.region"() ({
      %run_scoped3A_168 = tpu.sem_alloc : memref<!tpu.dma_semaphore, #tpu.memory_space<semaphore_mem>>
      %dma_start3A_169 = arith.constant 0 : i32
      %dma_start3A_170 = arith.constant 0 : i32
      %dma_start3A_171 = tpu.memref_slice %arg6[%add3A_85, %add3A_166, %dma_start3A_169, %dma_start3A_170] : memref<4x10016x1x128xf32, #tpu.memory_space<hbm>> -> memref<1x114x1x128xf32, #tpu.memory_space<hbm>>
      %dma_start3A_172 = tpu.memref_squeeze %dma_start3A_171 : memref<1x114x1x128xf32, #tpu.memory_space<hbm>> -> memref<114x1x128xf32, #tpu.memory_space<hbm>>
      %dma_start3A_173 = arith.constant 0 : i32
      %dma_start3A_174 = arith.constant 0 : i32
      %dma_start3A_175 = tpu.memref_slice %arg11[%add3A_164, %dma_start3A_173, %dma_start3A_174] : memref<10016x1x128xf32, #tpu.memory_space<vmem_shared>> -> memref<114x1x128xf32, #tpu.memory_space<vmem_shared>>
      tpu.enqueue_dma source(%dma_start3A_175 : memref<114x1x128xf32, #tpu.memory_space<vmem_shared>>) target(%dma_start3A_172 : memref<114x1x128xf32, #tpu.memory_space<hbm>>) target_semaphore(%run_scoped3A_168 : memref<!tpu.dma_semaphore, #tpu.memory_space<semaphore_mem>>)
      %dma_wait3A = arith.constant 0 : i32
      %dma_wait3A_176 = arith.constant 0 : i32
      %dma_wait3A_177 = tpu.memref_slice %arg6[%add3A_85, %add3A_166, %dma_wait3A, %dma_wait3A_176] : memref<4x10016x1x128xf32, #tpu.memory_space<hbm>> -> memref<1x114x1x128xf32, #tpu.memory_space<hbm>>
      %dma_wait3A_178 = tpu.memref_squeeze %dma_wait3A_177 : memref<1x114x1x128xf32, #tpu.memory_space<hbm>> -> memref<114x1x128xf32, #tpu.memory_space<hbm>>
      %dma_wait3A_179 = arith.constant 0 : i32
      %dma_wait3A_180 = arith.constant 0 : i32
      %dma_wait3A_181 = tpu.memref_slice %arg11[%add3A_164, %dma_wait3A_179, %dma_wait3A_180] : memref<10016x1x128xf32, #tpu.memory_space<vmem_shared>> -> memref<114x1x128xf32, #tpu.memory_space<vmem_shared>>
      tpu.wait_dma2 semaphore(%run_scoped3A_168 : memref<!tpu.dma_semaphore, #tpu.memory_space<semaphore_mem>>) src(%dma_wait3A_181 : memref<114x1x128xf32, #tpu.memory_space<vmem_shared>>) dst(%dma_wait3A_178 : memref<114x1x128xf32, #tpu.memory_space<hbm>>)
      tpu.yield
    }) : () -> ()
    %barrier3A_167 = arith.constant 0 : index
    tpu.barrier barrier_id(%barrier3A_167)
    return
  }
}

module attributes {stable_mosaic.version = 14 : i64} {
  func.func @body(%arg0: i32, %arg1: memref<1000x256xf32, #tpu.memory_space<vmem>>, %arg2: memref<256x256xf32, #tpu.memory_space<vmem>>, %arg3: memref<1x256xf32, #tpu.memory_space<vmem>>, %arg4: memref<1000x256xf32, #tpu.memory_space<vmem>>, %arg5: memref<1x1xf32, #tpu.memory_space<smem>>, %arg6: memref<1xf32, #tpu.memory_space<smem>>) attributes {dimension_semantics = [#tpu.dimension_semantics<arbitrary>], iteration_bounds = array<i64: 10>, scalar_prefetch = 0 : i64, scratch_operands = 1 : i64, tpu.core_type = #tpu.core_type<tc>, window_params = [{transform_indices = @transform_0, window_bounds = array<i64: 1000, 256>}, {pipeline_mode = #tpu.pipeline_mode<synchronous>, transform_indices = @transform_1, window_bounds = array<i64: 256, 256>}, {pipeline_mode = #tpu.pipeline_mode<synchronous>, transform_indices = @transform_2, window_bounds = array<i64: 1, 256>}, {transform_indices = @transform_3, window_bounds = array<i64: 1000, 256>}, {transform_indices = @transform_4, window_bounds = array<i64: 1, 1>}]} {
    %get3A = arith.constant 0 : index
    %get3A_0 = arith.constant 0 : index
    %get3A_1 = vector.load %arg1[%get3A, %get3A_0] : memref<1000x256xf32, #tpu.memory_space<vmem>>, vector<1000x256xf32>
    %get3A_2 = arith.constant 0 : index
    %get3A_3 = arith.constant 0 : index
    %get3A_4 = vector.load %arg2[%get3A_2, %get3A_3] : memref<256x256xf32, #tpu.memory_space<vmem>>, vector<256x256xf32>
    %dot_general3A = arith.constant dense<0.000000e+00> : vector<1000x256xf32>
    %dot_general3A_5 = tpu.matmul %get3A_1, %get3A_4, %dot_general3A {dimension_numbers = #tpu.dot_dimension_numbers<[1], [0], [0], [1], [0, 0, 1, 1], [], []>, transpose_lhs_hint = false} : vector<1000x256xf32>, vector<256x256xf32>, vector<1000x256xf32> -> vector<1000x256xf32>
    %get3A_6 = arith.constant 0 : index
    %get3A_7 = arith.constant 0 : index
    %get3A_8 = vector.load %arg3[%get3A_6, %get3A_7] : memref<1x256xf32, #tpu.memory_space<vmem>>, vector<1x256xf32>
    %add3A = vector.broadcast %get3A_8 : vector<1x256xf32> to vector<1000x256xf32>
    %add3A_9 = arith.addf %dot_general3A_5, %add3A : vector<1000x256xf32>
    %reduce_sum3A = arith.constant dense<0.000000e+00> : vector<1000xf32>
    %reduce_sum3A_10 = vector.multi_reduction <add>, %add3A_9, %reduce_sum3A [1] : vector<1000x256xf32> to vector<1000xf32>
    %broadcast_in_dim3A = vector.shape_cast %reduce_sum3A_10 : vector<1000xf32> to vector<1000x1xf32>
    %div3A = arith.constant 2.560000e+02 : f32
    %div3A_11 = vector.broadcast %div3A : f32 to vector<1000x1xf32>
    %div3A_12 = arith.divf %broadcast_in_dim3A, %div3A_11 : vector<1000x1xf32>
    %sub3A = vector.broadcast %div3A_12 : vector<1000x1xf32> to vector<1000x256xf32>
    %sub3A_13 = arith.subf %add3A_9, %sub3A : vector<1000x256xf32>
    %integer_pow3A = arith.mulf %sub3A_13, %sub3A_13 : vector<1000x256xf32>
    %reduce_sum3A_14 = arith.constant dense<0.000000e+00> : vector<1000xf32>
    %reduce_sum3A_15 = vector.multi_reduction <add>, %integer_pow3A, %reduce_sum3A_14 [1] : vector<1000x256xf32> to vector<1000xf32>
    %broadcast_in_dim3A_16 = vector.shape_cast %reduce_sum3A_15 : vector<1000xf32> to vector<1000x1xf32>
    %div3A_17 = arith.constant 2.560000e+02 : f32
    %div3A_18 = vector.broadcast %div3A_17 : f32 to vector<1000x1xf32>
    %div3A_19 = arith.divf %broadcast_in_dim3A_16, %div3A_18 : vector<1000x1xf32>
    %sub3A_20 = vector.broadcast %div3A_12 : vector<1000x1xf32> to vector<1000x256xf32>
    %sub3A_21 = arith.subf %add3A_9, %sub3A_20 : vector<1000x256xf32>
    %add3A_22 = arith.constant 9.99999974E-6 : f32
    %add3A_23 = vector.broadcast %add3A_22 : f32 to vector<1000x1xf32>
    %add3A_24 = arith.addf %div3A_19, %add3A_23 : vector<1000x1xf32>
    %sqrt3A = math.sqrt %add3A_24 : vector<1000x1xf32>
    %div3A_25 = vector.broadcast %sqrt3A : vector<1000x1xf32> to vector<1000x256xf32>
    %div3A_26 = arith.divf %sub3A_21, %div3A_25 : vector<1000x256xf32>
    %swap3A = arith.constant 0 : index
    %swap3A_27 = arith.constant 0 : index
    %swap3A_28 = vector.load %arg4[%swap3A, %swap3A_27] : memref<1000x256xf32, #tpu.memory_space<vmem>>, vector<1000x256xf32>
    tpu.vector_store %arg4[%swap3A, %swap3A_27], %div3A_26 {strides = array<i32>} : memref<1000x256xf32, #tpu.memory_space<vmem>>, vector<1000x256xf32>,
    %reduce_min3A = vector.shape_cast %div3A_26 : vector<1000x256xf32> to vector<1x1000x256xf32>
    %reduce_min3A_29 = arith.constant dense<0x7F800000> : vector<1xf32>
    %reduce_min3A_30 = vector.multi_reduction <minimumf>, %reduce_min3A, %reduce_min3A_29 [1, 2] : vector<1x1000x256xf32> to vector<1xf32>
    %reduce_min3A_31 = vector.shape_cast %reduce_min3A_30 : vector<1xf32> to vector<1x1x1xf32>
    %reduce_min3A_32 = vector.extract %reduce_min3A_31[0, 0, 0] : f32 from vector<1x1x1xf32>
    %eq3A = arith.constant 0 : i32
    %eq3A_33 = arith.cmpi eq, %arg0, %eq3A : i32
    %convert_element_type3A = arith.extui %eq3A_33 : i1 to i32
    %cond3A = arith.constant 0 : i32
    %cond3A_34 = arith.cmpi ne, %convert_element_type3A, %cond3A : i32
    scf.if %cond3A_34 {
      %swap3A_44 = arith.constant 0 : index
      %swap3A_45 = memref.load %arg6[%swap3A_44] : memref<1xf32, #tpu.memory_space<smem>>
      memref.store %reduce_min3A_32, %arg6[%swap3A_44] : memref<1xf32, #tpu.memory_space<smem>>
    } else {
    }
    %ne3A = arith.constant 0 : i32
    %ne3A_35 = arith.cmpi ne, %arg0, %ne3A : i32
    %convert_element_type3A_36 = arith.extui %ne3A_35 : i1 to i32
    %cond3A_37 = arith.constant 0 : i32
    %cond3A_38 = arith.cmpi ne, %convert_element_type3A_36, %cond3A_37 : i32
    scf.if %cond3A_38 {
      %get3A_44 = arith.constant 0 : index
      %get3A_45 = memref.load %arg6[%get3A_44] : memref<1xf32, #tpu.memory_space<smem>>
      %min3A = arith.minimumf %get3A_45, %reduce_min3A_32 : f32
      %swap3A_46 = arith.constant 0 : index
      %swap3A_47 = memref.load %arg6[%swap3A_46] : memref<1xf32, #tpu.memory_space<smem>>
      memref.store %min3A, %arg6[%swap3A_46] : memref<1xf32, #tpu.memory_space<smem>>
    } else {
    }
    %eq3A_39 = arith.constant 9 : i32
    %eq3A_40 = arith.cmpi eq, %arg0, %eq3A_39 : i32
    %convert_element_type3A_41 = arith.extui %eq3A_40 : i1 to i32
    %cond3A_42 = arith.constant 0 : i32
    %cond3A_43 = arith.cmpi ne, %convert_element_type3A_41, %cond3A_42 : i32
    scf.if %cond3A_43 {
      %get3A_44 = arith.constant 0 : index
      %get3A_45 = memref.load %arg6[%get3A_44] : memref<1xf32, #tpu.memory_space<smem>>
      %sub3A_46 = arith.constant 1.000000e+00 : f32
      %sub3A_47 = arith.subf %get3A_45, %sub3A_46 : f32
      %sub3A_48 = arith.constant 9.99999974E-6 : f32
      %sub3A_49 = arith.subf %sub3A_47, %sub3A_48 : f32
      %swap3A_50 = arith.constant 0 : index
      %swap3A_51 = arith.constant 0 : index
      %swap3A_52 = memref.load %arg5[%swap3A_50, %swap3A_51] : memref<1x1xf32, #tpu.memory_space<smem>>
      memref.store %sub3A_49, %arg5[%swap3A_50, %swap3A_51] : memref<1x1xf32, #tpu.memory_space<smem>>
    } else {
    }
    return
  }
  func.func @transform_0(%arg0: i32) -> (i32, i32) {
    %c0_i32 = arith.constant 0 : i32
    %c0_i32_0 = arith.constant 0 : i32
    return %arg0, %c0_i32 : i32, i32
  }
  func.func @transform_1(%arg0: i32) -> (i32, i32) {
    %c0_i32 = arith.constant 0 : i32
    %c0_i32_0 = arith.constant 0 : i32
    %c0_i32_1 = arith.constant 0 : i32
    return %c0_i32, %c0_i32_0 : i32, i32
  }
  func.func @transform_2(%arg0: i32) -> (i32, i32) {
    %c0_i32 = arith.constant 0 : i32
    %c0_i32_0 = arith.constant 0 : i32
    %c0_i32_1 = arith.constant 0 : i32
    return %c0_i32, %c0_i32_0 : i32, i32
  }
  func.func @transform_3(%arg0: i32) -> (i32, i32) {
    %c0_i32 = arith.constant 0 : i32
    %c0_i32_0 = arith.constant 0 : i32
    return %arg0, %c0_i32 : i32, i32
  }
  func.func @transform_4(%arg0: i32) -> (i32, i32) {
    %c0_i32 = arith.constant 0 : i32
    %c0_i32_0 = arith.constant 0 : i32
    %c0_i32_1 = arith.constant 0 : i32
    return %c0_i32, %c0_i32_0 : i32, i32
  }
}

module attributes {stable_mosaic.version = 14 : i64} {
  func.func @body(%arg0: i32, %arg1: memref<1000x256xf32, #tpu.memory_space<vmem>>, %arg2: memref<1x1xf32, #tpu.memory_space<smem>>, %arg3: memref<1x1xf32, #tpu.memory_space<smem>>, %arg4: memref<4x1000x128xf32, #tpu.memory_space<vmem>>) attributes {dimension_semantics = [#tpu.dimension_semantics<arbitrary>], iteration_bounds = array<i64: 10>, scalar_prefetch = 0 : i64, scratch_operands = 0 : i64, tpu.core_type = #tpu.core_type<tc>, window_params = [{transform_indices = @transform_0, window_bounds = array<i64: 1000, 256>}, {transform_indices = @transform_1, window_bounds = array<i64: 1, 1>}, {transform_indices = @transform_2, window_bounds = array<i64: 1, 1>}, {transform_indices = @transform_3, window_bounds = array<i64: 4, 1000, 128>}]} {
    %get3A = arith.constant 0 : index
    %get3A_0 = arith.constant 0 : index
    %get3A_1 = memref.load %arg3[%get3A, %get3A_0] : memref<1x1xf32, #tpu.memory_space<smem>>
    %jit3A = arith.constant 0.000000e+00 : f32
    %jit3A_2 = arith.constant 2.000000e+00 : f32
    %max3A = arith.maximumf %jit3A, %get3A_1 : f32
    %min3A = arith.minimumf %jit3A_2, %max3A : f32
    %get3A_3 = arith.constant 0 : index
    %get3A_4 = arith.constant 0 : index
    %get3A_5 = vector.load %arg1[%get3A_3, %get3A_4] : memref<1000x256xf32, #tpu.memory_space<vmem>>, vector<1000x256xf32>
    %get3A_6 = arith.constant 0 : index
    %get3A_7 = arith.constant 0 : index
    %get3A_8 = memref.load %arg2[%get3A_6, %get3A_7] : memref<1x1xf32, #tpu.memory_space<smem>>
    %sub3A = vector.broadcast %get3A_8 : f32 to vector<1000x256xf32>
    %sub3A_9 = arith.subf %get3A_5, %sub3A : vector<1000x256xf32>
    %log3A = math.log %sub3A_9 : vector<1000x256xf32>
    %mul3A = vector.broadcast %min3A : f32 to vector<1000x256xf32>
    %mul3A_10 = arith.mulf %mul3A, %log3A : vector<1000x256xf32>
    %exp3A = math.exp %mul3A_10 : vector<1000x256xf32>
    %mul3A_11 = arith.mulf %sub3A_9, %exp3A : vector<1000x256xf32>
    %slice3A = vector.extract_strided_slice %mul3A_11 {offsets = [0, 0], sizes = [1000, 128], strides = [1, 1]} : vector<1000x256xf32> to vector<1000x128xf32>
    %swap3A = arith.constant 0 : index
    %swap3A_12 = arith.constant 0 : index
    %swap3A_13 = arith.constant 0 : index
    %swap3A_14 = vector.load %arg4[%swap3A, %swap3A_12, %swap3A_13] : memref<4x1000x128xf32, #tpu.memory_space<vmem>>, vector<1x1000x128xf32>
    %swap3A_15 = vector.shape_cast %swap3A_14 : vector<1x1000x128xf32> to vector<1000x128xf32>
    %swap3A_16 = vector.shape_cast %slice3A : vector<1000x128xf32> to vector<1x1000x128xf32>
    tpu.vector_store %arg4[%swap3A, %swap3A_12, %swap3A_13], %swap3A_16 {strides = array<i32>} : memref<4x1000x128xf32, #tpu.memory_space<vmem>>, vector<1x1000x128xf32>,
    %slice3A_17 = vector.extract_strided_slice %mul3A_11 {offsets = [0, 128], sizes = [1000, 128], strides = [1, 1]} : vector<1000x256xf32> to vector<1000x128xf32>
    %swap3A_18 = arith.constant 1 : index
    %swap3A_19 = arith.constant 0 : index
    %swap3A_20 = arith.constant 0 : index
    %swap3A_21 = vector.load %arg4[%swap3A_18, %swap3A_19, %swap3A_20] : memref<4x1000x128xf32, #tpu.memory_space<vmem>>, vector<1x1000x128xf32>
    %swap3A_22 = vector.shape_cast %swap3A_21 : vector<1x1000x128xf32> to vector<1000x128xf32>
    %swap3A_23 = vector.shape_cast %slice3A_17 : vector<1000x128xf32> to vector<1x1000x128xf32>
    tpu.vector_store %arg4[%swap3A_18, %swap3A_19, %swap3A_20], %swap3A_23 {strides = array<i32>} : memref<4x1000x128xf32, #tpu.memory_space<vmem>>, vector<1x1000x128xf32>,
    %slice3A_24 = vector.extract_strided_slice %exp3A {offsets = [0, 0], sizes = [1000, 128], strides = [1, 1]} : vector<1000x256xf32> to vector<1000x128xf32>
    %swap3A_25 = arith.constant 2 : index
    %swap3A_26 = arith.constant 0 : index
    %swap3A_27 = arith.constant 0 : index
    %swap3A_28 = vector.load %arg4[%swap3A_25, %swap3A_26, %swap3A_27] : memref<4x1000x128xf32, #tpu.memory_space<vmem>>, vector<1x1000x128xf32>
    %swap3A_29 = vector.shape_cast %swap3A_28 : vector<1x1000x128xf32> to vector<1000x128xf32>
    %swap3A_30 = vector.shape_cast %slice3A_24 : vector<1000x128xf32> to vector<1x1000x128xf32>
    tpu.vector_store %arg4[%swap3A_25, %swap3A_26, %swap3A_27], %swap3A_30 {strides = array<i32>} : memref<4x1000x128xf32, #tpu.memory_space<vmem>>, vector<1x1000x128xf32>,
    %slice3A_31 = vector.extract_strided_slice %exp3A {offsets = [0, 128], sizes = [1000, 128], strides = [1, 1]} : vector<1000x256xf32> to vector<1000x128xf32>
    %swap3A_32 = arith.constant 3 : index
    %swap3A_33 = arith.constant 0 : index
    %swap3A_34 = arith.constant 0 : index
    %swap3A_35 = vector.load %arg4[%swap3A_32, %swap3A_33, %swap3A_34] : memref<4x1000x128xf32, #tpu.memory_space<vmem>>, vector<1x1000x128xf32>
    %swap3A_36 = vector.shape_cast %swap3A_35 : vector<1x1000x128xf32> to vector<1000x128xf32>
    %swap3A_37 = vector.shape_cast %slice3A_31 : vector<1000x128xf32> to vector<1x1000x128xf32>
    tpu.vector_store %arg4[%swap3A_32, %swap3A_33, %swap3A_34], %swap3A_37 {strides = array<i32>} : memref<4x1000x128xf32, #tpu.memory_space<vmem>>, vector<1x1000x128xf32>,
    return
  }
  func.func @transform_0(%arg0: i32) -> (i32, i32) {
    %c0_i32 = arith.constant 0 : i32
    %c0_i32_0 = arith.constant 0 : i32
    return %arg0, %c0_i32 : i32, i32
  }
  func.func @transform_1(%arg0: i32) -> (i32, i32) {
    %c0_i32 = arith.constant 0 : i32
    %c0_i32_0 = arith.constant 0 : i32
    %c0_i32_1 = arith.constant 0 : i32
    return %c0_i32, %c0_i32_0 : i32, i32
  }
  func.func @transform_2(%arg0: i32) -> (i32, i32) {
    %c0_i32 = arith.constant 0 : i32
    %c0_i32_0 = arith.constant 0 : i32
    %c0_i32_1 = arith.constant 0 : i32
    return %c0_i32, %c0_i32_0 : i32, i32
  }
  func.func @transform_3(%arg0: i32) -> (i32, i32, i32) {
    %c0_i32 = arith.constant 0 : i32
    %c0_i32_0 = arith.constant 0 : i32
    %c0_i32_1 = arith.constant 0 : i32
    return %c0_i32, %arg0, %c0_i32_0 : i32, i32, i32
  }
}

module attributes {stable_mosaic.version = 14 : i64} {
  func.func @body(%arg0: i32, %arg1: memref<2x2000x2x128xf32, #tpu.memory_space<vmem>>, %arg2: memref<1x1xf32, #tpu.memory_space<smem>>, %arg3: memref<1x1xf32, #tpu.memory_space<smem>>, %arg4: memref<2000x1xf32, #tpu.memory_space<vmem>>, %arg5: memref<4x2000x128xf32, #tpu.memory_space<vmem>>, %arg6: memref<1x1xf32, #tpu.memory_space<smem>>) attributes {dimension_semantics = [#tpu.dimension_semantics<arbitrary>], iteration_bounds = array<i64: 1>, scalar_prefetch = 0 : i64, scratch_operands = 0 : i64, tpu.core_type = #tpu.core_type<tc>, window_params = [{transform_indices = @transform_0, window_bounds = array<i64: 2, 2000, 2, 128>}, {transform_indices = @transform_1, window_bounds = array<i64: 1, 1>}, {transform_indices = @transform_2, window_bounds = array<i64: 1, 1>}, {pipeline_mode = #tpu.pipeline_mode<synchronous>, transform_indices = @transform_3, window_bounds = array<i64: 2000, 1>}, {pipeline_mode = #tpu.pipeline_mode<synchronous>, transform_indices = @transform_4, window_bounds = array<i64: 4, 2000, 128>}, {transform_indices = @transform_5, window_bounds = array<i64: 1, 1>}]} {
    %get3A = arith.constant 0 : index
    %get3A_0 = arith.constant 0 : index
    %get3A_1 = arith.constant 0 : index
    %get3A_2 = arith.constant 0 : index
    %get3A_3 = vector.load %arg1[%get3A, %get3A_0, %get3A_1, %get3A_2] : memref<2x2000x2x128xf32, #tpu.memory_space<vmem>>, vector<1x2000x1x128xf32>
    %get3A_4 = vector.shape_cast %get3A_3 : vector<1x2000x1x128xf32> to vector<2000x128xf32>
    %get3A_5 = arith.constant 1 : index
    %get3A_6 = arith.constant 0 : index
    %get3A_7 = arith.constant 0 : index
    %get3A_8 = arith.constant 0 : index
    %get3A_9 = vector.load %arg1[%get3A_5, %get3A_6, %get3A_7, %get3A_8] : memref<2x2000x2x128xf32, #tpu.memory_space<vmem>>, vector<1x2000x1x128xf32>
    %get3A_10 = vector.shape_cast %get3A_9 : vector<1x2000x1x128xf32> to vector<2000x128xf32>
    %concatenate3A = tpu.concatenate %get3A_4, %get3A_10 in 1 : vector<2000x128xf32>, vector<2000x128xf32> -> vector<2000x256xf32>
    %get3A_11 = arith.constant 0 : index
    %get3A_12 = arith.constant 0 : index
    %get3A_13 = arith.constant 1 : index
    %get3A_14 = arith.constant 0 : index
    %get3A_15 = vector.load %arg1[%get3A_11, %get3A_12, %get3A_13, %get3A_14] : memref<2x2000x2x128xf32, #tpu.memory_space<vmem>>, vector<1x2000x1x128xf32>
    %get3A_16 = vector.shape_cast %get3A_15 : vector<1x2000x1x128xf32> to vector<2000x128xf32>
    %get3A_17 = arith.constant 1 : index
    %get3A_18 = arith.constant 0 : index
    %get3A_19 = arith.constant 1 : index
    %get3A_20 = arith.constant 0 : index
    %get3A_21 = vector.load %arg1[%get3A_17, %get3A_18, %get3A_19, %get3A_20] : memref<2x2000x2x128xf32, #tpu.memory_space<vmem>>, vector<1x2000x1x128xf32>
    %get3A_22 = vector.shape_cast %get3A_21 : vector<1x2000x1x128xf32> to vector<2000x128xf32>
    %concatenate3A_23 = tpu.concatenate %get3A_16, %get3A_22 in 1 : vector<2000x128xf32>, vector<2000x128xf32> -> vector<2000x256xf32>
    %add3A = arith.constant 9.99999974E-6 : f32
    %add3A_24 = vector.broadcast %add3A : f32 to vector<2000x256xf32>
    %add3A_25 = arith.addf %concatenate3A_23, %add3A_24 : vector<2000x256xf32>
    %div3A = arith.divf %concatenate3A, %add3A_25 : vector<2000x256xf32>
    %get3A_26 = arith.constant 0 : index
    %get3A_27 = arith.constant 0 : index
    %get3A_28 = memref.load %arg2[%get3A_26, %get3A_27] : memref<1x1xf32, #tpu.memory_space<smem>>
    %add3A_29 = vector.broadcast %get3A_28 : f32 to vector<2000x256xf32>
    %add3A_30 = arith.addf %div3A, %add3A_29 : vector<2000x256xf32>
    %get3A_31 = arith.constant 0 : index
    %get3A_32 = arith.constant 0 : index
    %get3A_33 = vector.load %arg4[%get3A_31, %get3A_32] : memref<2000x1xf32, #tpu.memory_space<vmem>>, vector<2000x1xf32>
    %mul3A = vector.broadcast %get3A_33 : vector<2000x1xf32> to vector<2000x256xf32>
    %mul3A_34 = arith.mulf %add3A_30, %mul3A : vector<2000x256xf32>
    %reduce_min3A = vector.shape_cast %mul3A_34 : vector<2000x256xf32> to vector<1x2000x256xf32>
    %reduce_min3A_35 = arith.constant dense<0x7F800000> : vector<1xf32>
    %reduce_min3A_36 = vector.multi_reduction <minimumf>, %reduce_min3A, %reduce_min3A_35 [1, 2] : vector<1x2000x256xf32> to vector<1xf32>
    %reduce_min3A_37 = vector.shape_cast %reduce_min3A_36 : vector<1xf32> to vector<1x1x1xf32>
    %reduce_min3A_38 = vector.extract %reduce_min3A_37[0, 0, 0] : f32 from vector<1x1x1xf32>
    %sub3A = arith.constant 1.000000e+00 : f32
    %sub3A_39 = arith.subf %reduce_min3A_38, %sub3A : f32
    %sub3A_40 = arith.constant 9.99999974E-6 : f32
    %sub3A_41 = arith.subf %sub3A_39, %sub3A_40 : f32
    %get3A_42 = arith.constant 0 : index
    %get3A_43 = arith.constant 0 : index
    %get3A_44 = memref.load %arg3[%get3A_42, %get3A_43] : memref<1x1xf32, #tpu.memory_space<smem>>
    %jit3A = arith.constant 0.000000e+00 : f32
    %jit3A_45 = arith.constant 2.000000e+00 : f32
    %max3A = arith.maximumf %jit3A, %get3A_44 : f32
    %min3A = arith.minimumf %jit3A_45, %max3A : f32
    %sub3A_46 = vector.broadcast %sub3A_41 : f32 to vector<2000x256xf32>
    %sub3A_47 = arith.subf %mul3A_34, %sub3A_46 : vector<2000x256xf32>
    %log3A = math.log %sub3A_47 : vector<2000x256xf32>
    %mul3A_48 = vector.broadcast %min3A : f32 to vector<2000x256xf32>
    %mul3A_49 = arith.mulf %mul3A_48, %log3A : vector<2000x256xf32>
    %exp3A = math.exp %mul3A_49 : vector<2000x256xf32>
    %mul3A_50 = arith.mulf %sub3A_47, %exp3A : vector<2000x256xf32>
    %slice3A = vector.extract_strided_slice %mul3A_50 {offsets = [0, 0], sizes = [2000, 128], strides = [1, 1]} : vector<2000x256xf32> to vector<2000x128xf32>
    %swap3A = arith.constant 0 : index
    %swap3A_51 = arith.constant 0 : index
    %swap3A_52 = arith.constant 0 : index
    %swap3A_53 = vector.load %arg5[%swap3A, %swap3A_51, %swap3A_52] : memref<4x2000x128xf32, #tpu.memory_space<vmem>>, vector<1x2000x128xf32>
    %swap3A_54 = vector.shape_cast %swap3A_53 : vector<1x2000x128xf32> to vector<2000x128xf32>
    %swap3A_55 = vector.shape_cast %slice3A : vector<2000x128xf32> to vector<1x2000x128xf32>
    tpu.vector_store %arg5[%swap3A, %swap3A_51, %swap3A_52], %swap3A_55 {strides = array<i32>} : memref<4x2000x128xf32, #tpu.memory_space<vmem>>, vector<1x2000x128xf32>,
    %slice3A_56 = vector.extract_strided_slice %mul3A_50 {offsets = [0, 128], sizes = [2000, 128], strides = [1, 1]} : vector<2000x256xf32> to vector<2000x128xf32>
    %swap3A_57 = arith.constant 1 : index
    %swap3A_58 = arith.constant 0 : index
    %swap3A_59 = arith.constant 0 : index
    %swap3A_60 = vector.load %arg5[%swap3A_57, %swap3A_58, %swap3A_59] : memref<4x2000x128xf32, #tpu.memory_space<vmem>>, vector<1x2000x128xf32>
    %swap3A_61 = vector.shape_cast %swap3A_60 : vector<1x2000x128xf32> to vector<2000x128xf32>
    %swap3A_62 = vector.shape_cast %slice3A_56 : vector<2000x128xf32> to vector<1x2000x128xf32>
    tpu.vector_store %arg5[%swap3A_57, %swap3A_58, %swap3A_59], %swap3A_62 {strides = array<i32>} : memref<4x2000x128xf32, #tpu.memory_space<vmem>>, vector<1x2000x128xf32>,
    %slice3A_63 = vector.extract_strided_slice %exp3A {offsets = [0, 0], sizes = [2000, 128], strides = [1, 1]} : vector<2000x256xf32> to vector<2000x128xf32>
    %swap3A_64 = arith.constant 2 : index
    %swap3A_65 = arith.constant 0 : index
    %swap3A_66 = arith.constant 0 : index
    %swap3A_67 = vector.load %arg5[%swap3A_64, %swap3A_65, %swap3A_66] : memref<4x2000x128xf32, #tpu.memory_space<vmem>>, vector<1x2000x128xf32>
    %swap3A_68 = vector.shape_cast %swap3A_67 : vector<1x2000x128xf32> to vector<2000x128xf32>
    %swap3A_69 = vector.shape_cast %slice3A_63 : vector<2000x128xf32> to vector<1x2000x128xf32>
    tpu.vector_store %arg5[%swap3A_64, %swap3A_65, %swap3A_66], %swap3A_69 {strides = array<i32>} : memref<4x2000x128xf32, #tpu.memory_space<vmem>>, vector<1x2000x128xf32>,
    %slice3A_70 = vector.extract_strided_slice %exp3A {offsets = [0, 128], sizes = [2000, 128], strides = [1, 1]} : vector<2000x256xf32> to vector<2000x128xf32>
    %swap3A_71 = arith.constant 3 : index
    %swap3A_72 = arith.constant 0 : index
    %swap3A_73 = arith.constant 0 : index
    %swap3A_74 = vector.load %arg5[%swap3A_71, %swap3A_72, %swap3A_73] : memref<4x2000x128xf32, #tpu.memory_space<vmem>>, vector<1x2000x128xf32>
    %swap3A_75 = vector.shape_cast %swap3A_74 : vector<1x2000x128xf32> to vector<2000x128xf32>
    %swap3A_76 = vector.shape_cast %slice3A_70 : vector<2000x128xf32> to vector<1x2000x128xf32>
    tpu.vector_store %arg5[%swap3A_71, %swap3A_72, %swap3A_73], %swap3A_76 {strides = array<i32>} : memref<4x2000x128xf32, #tpu.memory_space<vmem>>, vector<1x2000x128xf32>,
    %swap3A_77 = arith.constant 0 : index
    %swap3A_78 = arith.constant 0 : index
    %swap3A_79 = memref.load %arg6[%swap3A_77, %swap3A_78] : memref<1x1xf32, #tpu.memory_space<smem>>
    memref.store %sub3A_41, %arg6[%swap3A_77, %swap3A_78] : memref<1x1xf32, #tpu.memory_space<smem>>
    return
  }
  func.func @transform_0(%arg0: i32) -> (i32, i32, i32, i32) {
    %c0_i32 = arith.constant 0 : i32
    %c0_i32_0 = arith.constant 0 : i32
    %c0_i32_1 = arith.constant 0 : i32
    %c0_i32_2 = arith.constant 0 : i32
    %c0_i32_3 = arith.constant 0 : i32
    return %c0_i32, %c0_i32_0, %c0_i32_1, %c0_i32_2 : i32, i32, i32, i32
  }
  func.func @transform_1(%arg0: i32) -> (i32, i32) {
    %c0_i32 = arith.constant 0 : i32
    %c0_i32_0 = arith.constant 0 : i32
    %c0_i32_1 = arith.constant 0 : i32
    return %c0_i32, %c0_i32_0 : i32, i32
  }
  func.func @transform_2(%arg0: i32) -> (i32, i32) {
    %c0_i32 = arith.constant 0 : i32
    %c0_i32_0 = arith.constant 0 : i32
    %c0_i32_1 = arith.constant 0 : i32
    return %c0_i32, %c0_i32_0 : i32, i32
  }
  func.func @transform_3(%arg0: i32) -> (i32, i32) {
    %c0_i32 = arith.constant 0 : i32
    %c0_i32_0 = arith.constant 0 : i32
    %c0_i32_1 = arith.constant 0 : i32
    return %c0_i32, %c0_i32_0 : i32, i32
  }
  func.func @transform_4(%arg0: i32) -> (i32, i32, i32) {
    %c0_i32 = arith.constant 0 : i32
    %c0_i32_0 = arith.constant 0 : i32
    %c0_i32_1 = arith.constant 0 : i32
    %c0_i32_2 = arith.constant 0 : i32
    return %c0_i32, %c0_i32_0, %c0_i32_1 : i32, i32, i32
  }
  func.func @transform_5(%arg0: i32) -> (i32, i32) {
    %c0_i32 = arith.constant 0 : i32
    %c0_i32_0 = arith.constant 0 : i32
    %c0_i32_1 = arith.constant 0 : i32
    return %c0_i32, %c0_i32_0 : i32, i32
  }
}

module attributes {stable_mosaic.version = 14 : i64} {
  func.func @body(%arg0: i32, %arg1: memref<4x1000x128xf32, #tpu.memory_space<vmem>>, %arg2: memref<1x1xf32, #tpu.memory_space<smem>>, %arg3: memref<1000x256xf32, #tpu.memory_space<vmem>>, %arg4: memref<8x256xf32, #tpu.memory_space<vmem>>, %arg5: memref<8x256xf32, #tpu.memory_space<vmem>>) attributes {dimension_semantics = [#tpu.dimension_semantics<arbitrary>], iteration_bounds = array<i64: 10>, scalar_prefetch = 0 : i64, scratch_operands = 1 : i64, tpu.core_type = #tpu.core_type<tc>, window_params = [{transform_indices = @transform_0, window_bounds = array<i64: 4, 1000, 128>}, {transform_indices = @transform_1, window_bounds = array<i64: 1, 1>}, {transform_indices = @transform_2, window_bounds = array<i64: 1000, 256>}, {pipeline_mode = #tpu.pipeline_mode<synchronous>, transform_indices = @transform_3, window_bounds = array<i64: 8, 256>}]} {
    %get3A = arith.constant 0 : index
    %get3A_0 = arith.constant 0 : index
    %get3A_1 = arith.constant 0 : index
    %get3A_2 = vector.load %arg1[%get3A, %get3A_0, %get3A_1] : memref<4x1000x128xf32, #tpu.memory_space<vmem>>, vector<1x1000x128xf32>
    %get3A_3 = vector.shape_cast %get3A_2 : vector<1x1000x128xf32> to vector<1000x128xf32>
    %get3A_4 = arith.constant 1 : index
    %get3A_5 = arith.constant 0 : index
    %get3A_6 = arith.constant 0 : index
    %get3A_7 = vector.load %arg1[%get3A_4, %get3A_5, %get3A_6] : memref<4x1000x128xf32, #tpu.memory_space<vmem>>, vector<1x1000x128xf32>
    %get3A_8 = vector.shape_cast %get3A_7 : vector<1x1000x128xf32> to vector<1000x128xf32>
    %concatenate3A = tpu.concatenate %get3A_3, %get3A_8 in 1 : vector<1000x128xf32>, vector<1000x128xf32> -> vector<1000x256xf32>
    %get3A_9 = arith.constant 2 : index
    %get3A_10 = arith.constant 0 : index
    %get3A_11 = arith.constant 0 : index
    %get3A_12 = vector.load %arg1[%get3A_9, %get3A_10, %get3A_11] : memref<4x1000x128xf32, #tpu.memory_space<vmem>>, vector<1x1000x128xf32>
    %get3A_13 = vector.shape_cast %get3A_12 : vector<1x1000x128xf32> to vector<1000x128xf32>
    %get3A_14 = arith.constant 3 : index
    %get3A_15 = arith.constant 0 : index
    %get3A_16 = arith.constant 0 : index
    %get3A_17 = vector.load %arg1[%get3A_14, %get3A_15, %get3A_16] : memref<4x1000x128xf32, #tpu.memory_space<vmem>>, vector<1x1000x128xf32>
    %get3A_18 = vector.shape_cast %get3A_17 : vector<1x1000x128xf32> to vector<1000x128xf32>
    %concatenate3A_19 = tpu.concatenate %get3A_13, %get3A_18 in 1 : vector<1000x128xf32>, vector<1000x128xf32> -> vector<1000x256xf32>
    %add3A = arith.constant 9.99999974E-6 : f32
    %add3A_20 = vector.broadcast %add3A : f32 to vector<1000x256xf32>
    %add3A_21 = arith.addf %concatenate3A_19, %add3A_20 : vector<1000x256xf32>
    %div3A = arith.divf %concatenate3A, %add3A_21 : vector<1000x256xf32>
    %get3A_22 = arith.constant 0 : index
    %get3A_23 = arith.constant 0 : index
    %get3A_24 = memref.load %arg2[%get3A_22, %get3A_23] : memref<1x1xf32, #tpu.memory_space<smem>>
    %add3A_25 = vector.broadcast %get3A_24 : f32 to vector<1000x256xf32>
    %add3A_26 = arith.addf %div3A, %add3A_25 : vector<1000x256xf32>
    %max3A = arith.constant 0.000000e+00 : f32
    %max3A_27 = vector.broadcast %max3A : f32 to vector<1000x256xf32>
    %max3A_28 = arith.maximumf %add3A_26, %max3A_27 : vector<1000x256xf32>
    %swap3A = arith.constant 0 : index
    %swap3A_29 = arith.constant 0 : index
    %swap3A_30 = vector.load %arg3[%swap3A, %swap3A_29] : memref<1000x256xf32, #tpu.memory_space<vmem>>, vector<1000x256xf32>
    tpu.vector_store %arg3[%swap3A, %swap3A_29], %max3A_28 {strides = array<i32>} : memref<1000x256xf32, #tpu.memory_space<vmem>>, vector<1000x256xf32>,
    %eq3A = arith.constant 0 : i32
    %eq3A_31 = arith.cmpi eq, %arg0, %eq3A : i32
    %convert_element_type3A = arith.extui %eq3A_31 : i1 to i32
    %cond3A = arith.constant 0 : i32
    %cond3A_32 = arith.cmpi ne, %convert_element_type3A, %cond3A : i32
    scf.if %cond3A_32 {
      %broadcast_in_dim3A_56 = arith.constant 0.000000e+00 : f32
      %broadcast_in_dim3A_57 = vector.broadcast %broadcast_in_dim3A_56 : f32 to vector<8x256xf32>
      %swap3A_58 = arith.constant 0 : index
      %swap3A_59 = arith.constant 0 : index
      %swap3A_60 = vector.load %arg5[%swap3A_58, %swap3A_59] : memref<8x256xf32, #tpu.memory_space<vmem>>, vector<8x256xf32>
      tpu.vector_store %arg5[%swap3A_58, %swap3A_59], %broadcast_in_dim3A_57 {strides = array<i32>} : memref<8x256xf32, #tpu.memory_space<vmem>>, vector<8x256xf32>,
    } else {
    }
    %get3A_33 = arith.constant 0 : index
    %get3A_34 = arith.constant 0 : index
    %get3A_35 = vector.load %arg5[%get3A_33, %get3A_34] : memref<8x256xf32, #tpu.memory_space<vmem>>, vector<1x256xf32>
    %reduce_sum3A = arith.constant dense<0.000000e+00> : vector<256xf32>
    %reduce_sum3A_36 = vector.multi_reduction <add>, %max3A_28, %reduce_sum3A [0] : vector<1000x256xf32> to vector<256xf32>
    %broadcast_in_dim3A = vector.shape_cast %reduce_sum3A_36 : vector<256xf32> to vector<1x256xf32>
    %add3A_37 = arith.addf %get3A_35, %broadcast_in_dim3A : vector<1x256xf32>
    %swap3A_38 = arith.constant 0 : index
    %swap3A_39 = arith.constant 0 : index
    %swap3A_40 = vector.load %arg5[%swap3A_38, %swap3A_39] : memref<8x256xf32, #tpu.memory_space<vmem>>, vector<1x256xf32>
    tpu.vector_store %arg5[%swap3A_38, %swap3A_39], %add3A_37 {strides = array<i32>} : memref<8x256xf32, #tpu.memory_space<vmem>>, vector<1x256xf32>,
    %get3A_41 = arith.constant 1 : index
    %get3A_42 = arith.constant 0 : index
    %get3A_43 = vector.load %arg5[%get3A_41, %get3A_42] : memref<8x256xf32, #tpu.memory_space<vmem>>, vector<1x256xf32>
    %mul3A = arith.mulf %max3A_28, %max3A_28 : vector<1000x256xf32>
    %reduce_sum3A_44 = arith.constant dense<0.000000e+00> : vector<256xf32>
    %reduce_sum3A_45 = vector.multi_reduction <add>, %mul3A, %reduce_sum3A_44 [0] : vector<1000x256xf32> to vector<256xf32>
    %broadcast_in_dim3A_46 = vector.shape_cast %reduce_sum3A_45 : vector<256xf32> to vector<1x256xf32>
    %add3A_47 = arith.addf %get3A_43, %broadcast_in_dim3A_46 : vector<1x256xf32>
    %swap3A_48 = arith.constant 1 : index
    %swap3A_49 = arith.constant 0 : index
    %swap3A_50 = vector.load %arg5[%swap3A_48, %swap3A_49] : memref<8x256xf32, #tpu.memory_space<vmem>>, vector<1x256xf32>
    tpu.vector_store %arg5[%swap3A_48, %swap3A_49], %add3A_47 {strides = array<i32>} : memref<8x256xf32, #tpu.memory_space<vmem>>, vector<1x256xf32>,
    %eq3A_51 = arith.constant 9 : i32
    %eq3A_52 = arith.cmpi eq, %arg0, %eq3A_51 : i32
    %convert_element_type3A_53 = arith.extui %eq3A_52 : i1 to i32
    %cond3A_54 = arith.constant 0 : i32
    %cond3A_55 = arith.cmpi ne, %convert_element_type3A_53, %cond3A_54 : i32
    scf.if %cond3A_55 {
      %get3A_56 = arith.constant 0 : index
      %get3A_57 = arith.constant 0 : index
      %get3A_58 = vector.load %arg5[%get3A_56, %get3A_57] : memref<8x256xf32, #tpu.memory_space<vmem>>, vector<8x256xf32>
      %swap3A_59 = arith.constant 0 : index
      %swap3A_60 = arith.constant 0 : index
      %swap3A_61 = vector.load %arg4[%swap3A_59, %swap3A_60] : memref<8x256xf32, #tpu.memory_space<vmem>>, vector<8x256xf32>
      tpu.vector_store %arg4[%swap3A_59, %swap3A_60], %get3A_58 {strides = array<i32>} : memref<8x256xf32, #tpu.memory_space<vmem>>, vector<8x256xf32>,
    } else {
    }
    return
  }
  func.func @transform_0(%arg0: i32) -> (i32, i32, i32) {
    %c0_i32 = arith.constant 0 : i32
    %c0_i32_0 = arith.constant 0 : i32
    %c0_i32_1 = arith.constant 0 : i32
    return %c0_i32, %arg0, %c0_i32_0 : i32, i32, i32
  }
  func.func @transform_1(%arg0: i32) -> (i32, i32) {
    %c0_i32 = arith.constant 0 : i32
    %c0_i32_0 = arith.constant 0 : i32
    %c0_i32_1 = arith.constant 0 : i32
    return %c0_i32, %c0_i32_0 : i32, i32
  }
  func.func @transform_2(%arg0: i32) -> (i32, i32) {
    %c0_i32 = arith.constant 0 : i32
    %c0_i32_0 = arith.constant 0 : i32
    return %arg0, %c0_i32 : i32, i32
  }
  func.func @transform_3(%arg0: i32) -> (i32, i32) {
    %c0_i32 = arith.constant 0 : i32
    %c0_i32_0 = arith.constant 0 : i32
    %c0_i32_1 = arith.constant 0 : i32
    return %c0_i32, %c0_i32_0 : i32, i32
  }
}

module attributes {stable_mosaic.version = 14 : i64} {
  func.func @body(%arg0: i32, %arg1: memref<1000x256xf32, #tpu.memory_space<vmem>>, %arg2: memref<8x256xf32, #tpu.memory_space<vmem>>, %arg3: memref<1x256xf32, #tpu.memory_space<vmem>>, %arg4: memref<1x256xf32, #tpu.memory_space<vmem>>, %arg5: memref<1000x256xf32, #tpu.memory_space<vmem>>) attributes {dimension_semantics = [#tpu.dimension_semantics<arbitrary>], iteration_bounds = array<i64: 10>, scalar_prefetch = 0 : i64, scratch_operands = 0 : i64, tpu.core_type = #tpu.core_type<tc>, window_params = [{transform_indices = @transform_0, window_bounds = array<i64: 1000, 256>}, {pipeline_mode = #tpu.pipeline_mode<synchronous>, transform_indices = @transform_1, window_bounds = array<i64: 8, 256>}, {pipeline_mode = #tpu.pipeline_mode<synchronous>, transform_indices = @transform_2, window_bounds = array<i64: 1, 256>}, {pipeline_mode = #tpu.pipeline_mode<synchronous>, transform_indices = @transform_3, window_bounds = array<i64: 1, 256>}, {transform_indices = @transform_4, window_bounds = array<i64: 1000, 256>}]} {
    %get3A = arith.constant 0 : index
    %get3A_0 = arith.constant 0 : index
    %get3A_1 = vector.load %arg2[%get3A, %get3A_0] : memref<8x256xf32, #tpu.memory_space<vmem>>, vector<1x256xf32>
    %mul3A = arith.constant 9.99999974E-5 : f32
    %mul3A_2 = vector.broadcast %mul3A : f32 to vector<1x256xf32>
    %mul3A_3 = arith.mulf %get3A_1, %mul3A_2 : vector<1x256xf32>
    %get3A_4 = arith.constant 1 : index
    %get3A_5 = arith.constant 0 : index
    %get3A_6 = vector.load %arg2[%get3A_4, %get3A_5] : memref<8x256xf32, #tpu.memory_space<vmem>>, vector<1x256xf32>
    %mul3A_7 = arith.constant 9.99999974E-5 : f32
    %mul3A_8 = vector.broadcast %mul3A_7 : f32 to vector<1x256xf32>
    %mul3A_9 = arith.mulf %get3A_6, %mul3A_8 : vector<1x256xf32>
    %mul3A_10 = arith.mulf %mul3A_3, %mul3A_3 : vector<1x256xf32>
    %sub3A = arith.subf %mul3A_9, %mul3A_10 : vector<1x256xf32>
    %max3A = arith.constant 0.000000e+00 : f32
    %max3A_11 = vector.broadcast %max3A : f32 to vector<1x256xf32>
    %max3A_12 = arith.maximumf %sub3A, %max3A_11 : vector<1x256xf32>
    %get3A_13 = arith.constant 0 : index
    %get3A_14 = arith.constant 0 : index
    %get3A_15 = vector.load %arg3[%get3A_13, %get3A_14] : memref<1x256xf32, #tpu.memory_space<vmem>>, vector<1x256xf32>
    %get3A_16 = arith.constant 0 : index
    %get3A_17 = arith.constant 0 : index
    %get3A_18 = vector.load %arg1[%get3A_16, %get3A_17] : memref<1000x256xf32, #tpu.memory_space<vmem>>, vector<1000x256xf32>
    %sub3A_19 = vector.broadcast %mul3A_3 : vector<1x256xf32> to vector<1000x256xf32>
    %sub3A_20 = arith.subf %get3A_18, %sub3A_19 : vector<1000x256xf32>
    %mul3A_21 = vector.broadcast %get3A_15 : vector<1x256xf32> to vector<1000x256xf32>
    %mul3A_22 = arith.mulf %mul3A_21, %sub3A_20 : vector<1000x256xf32>
    %add3A = arith.constant 9.99999974E-6 : f32
    %add3A_23 = vector.broadcast %add3A : f32 to vector<1x256xf32>
    %add3A_24 = arith.addf %max3A_12, %add3A_23 : vector<1x256xf32>
    %sqrt3A = math.sqrt %add3A_24 : vector<1x256xf32>
    %div3A = vector.broadcast %sqrt3A : vector<1x256xf32> to vector<1000x256xf32>
    %div3A_25 = arith.divf %mul3A_22, %div3A : vector<1000x256xf32>
    %get3A_26 = arith.constant 0 : index
    %get3A_27 = arith.constant 0 : index
    %get3A_28 = vector.load %arg4[%get3A_26, %get3A_27] : memref<1x256xf32, #tpu.memory_space<vmem>>, vector<1x256xf32>
    %add3A_29 = vector.broadcast %get3A_28 : vector<1x256xf32> to vector<1000x256xf32>
    %add3A_30 = arith.addf %div3A_25, %add3A_29 : vector<1000x256xf32>
    %swap3A = arith.constant 0 : index
    %swap3A_31 = arith.constant 0 : index
    %swap3A_32 = vector.load %arg5[%swap3A, %swap3A_31] : memref<1000x256xf32, #tpu.memory_space<vmem>>, vector<1000x256xf32>
    tpu.vector_store %arg5[%swap3A, %swap3A_31], %add3A_30 {strides = array<i32>} : memref<1000x256xf32, #tpu.memory_space<vmem>>, vector<1000x256xf32>,
    return
  }
  func.func @transform_0(%arg0: i32) -> (i32, i32) {
    %c0_i32 = arith.constant 0 : i32
    %c0_i32_0 = arith.constant 0 : i32
    return %arg0, %c0_i32 : i32, i32
  }
  func.func @transform_1(%arg0: i32) -> (i32, i32) {
    %c0_i32 = arith.constant 0 : i32
    %c0_i32_0 = arith.constant 0 : i32
    %c0_i32_1 = arith.constant 0 : i32
    return %c0_i32, %c0_i32_0 : i32, i32
  }
  func.func @transform_2(%arg0: i32) -> (i32, i32) {
    %c0_i32 = arith.constant 0 : i32
    %c0_i32_0 = arith.constant 0 : i32
    %c0_i32_1 = arith.constant 0 : i32
    return %c0_i32, %c0_i32_0 : i32, i32
  }
  func.func @transform_3(%arg0: i32) -> (i32, i32) {
    %c0_i32 = arith.constant 0 : i32
    %c0_i32_0 = arith.constant 0 : i32
    %c0_i32_1 = arith.constant 0 : i32
    return %c0_i32, %c0_i32_0 : i32, i32
  }
  func.func @transform_4(%arg0: i32) -> (i32, i32) {
    %c0_i32 = arith.constant 0 : i32
    %c0_i32_0 = arith.constant 0 : i32
    return %arg0, %c0_i32 : i32, i32
  }
}

</mosaic_0001>

<sc_bundles>
// kernel: kernel.12.cloned.1.call-start
scs
__scs_entry_jumppad:
0x0: {  	(pc) =	sbr.rel $0x88, $3  }
0x1: {  	(tag) =	ssettag $0x0;
	lr =	simm.s32 $0x1  }
0x2: {  	[smem:$0x3F98] =	sst lr;
	_ =	strace $0xD0000000  }
0x3: {  	_ = 	snop  }
0x4: {  	_ = 	snop  }
0x5: {  	_ = 	snop  }
0x6: {  	_ = 	snop  }
0x7: {  	_ = 	snop  }
__scs_overlays_trampoline_lowered:
0x8: {  	[smem:$0x3FA7] =	sst s0  }
0x9: {  	[smem:$0x3FA8] =	sst s1  }
0xa: {  	[smem:$0x3FA9] =	sst s2  }
0xb: {  	[smem:$0x3FAA] =	sst s3  }
0xc: {  	[smem:$0x3FAB] =	sst s4  }
0xd: {  	[smem:$0x3FAC] =	sst s5  }
0xe: {  	[smem:$0x3FAD] =	sst s6  }
0xf: {  	[smem:$0x3FAE] =	sst s7  }
0x10: {  	[smem:$0x3FAF] =	sst s8  }
0x11: {  	[smem:$0x3FB0] =	sst s9;
	s0 =	simm.s32 @!p0 $0x0  }
0x12: {  	s1 =	sld [smem:$0x3F96];
	s0 =	simm.s32 @p0 $0x1  }
0x13: {  	[smem:$0x3FB1] =	sst s0;
	s0 =	simm.s32 @!p1 $0x0  }
0x14: {  	s2 =	sld [smem:$0x3F95];
	s0 =	simm.s32 @p1 $0x1  }
0x15: {  	[smem:$0x3FB2] =	sst s0;
	s0 =	simm.s32 @!p2 $0x0  }
0x16: {  	s3 =	sld [smem:$0x3FDB];
	s0 =	simm.s32 @p2 $0x1  }
0x17: {  	s4 =	simm.s32 $0x1BF5;
	[smem:$0x3FB4] =	sst s0  }
0x18: {  	s0 =	sld [smem:$0x3F97];
	_ =	swait.ge [sflag:s4], $0x0  }
0x19: {  	s7 =	sld [smem:$0x3F98]  }
0x1a: {  	s8 =	sadd.s32 $0xFFFFE003, lr  }
0x1b: {  	s9 =	sadd.s32 $0xFFFFFEF7, lr;
	s5 =	simm.s32 $0xFFFFFFFF;
	p2 =	slt.u32 s8, $0xFFFFF086  }
0x1c: {  	p1 =	slt.u32 s9, $0xF7A;
	s5 =	simm.s32 @!p2 $0x0  }
0x1d: {  	s5 =	simm.s32 @p1 $0x1;
	p0 =	seq.s32 s7, s2  }
0x1e: {  	s7 =	smul.u32 @!p0 $0xF7A, s2;
	p2 =	seq.s32 @!p0 s5, $0x0  }
0x1f: {  	s9 =	smul.u32 $0xF7A, s1;
	s8 =	simm.s32 @!p0 $0x1BF5;
	p2 =	por !p2, p0  }
0x20: {  	[sflag:s8] =	ssyncset.s32 @!p0 $0xFFFFF086;
	s6 =	sadd.s32 @!p0 s3, s7;
	s7 =	simm.s32 @!p0 $0x108  }
0x21: {  	s3 =	sadd.s32 s3, s9;
	s6 =	sadd.s32 @!p0 $0x88, s6;
	s7 =	simm.s32 @p2 $0x1082  }
0x22: {  	[simem:s7], [sflag:s8] =	dma.local @!p0 [hbm:s6], $0xF7A  }
0x23: {  	s9 =	sor.u32 $0xD0000000, s2;
	s6 =	simm.s32 $0x108;
	_ =	swait.ge @!p0 [sflag:s8], $0x0  }
0x24: {  	s3 =	sadd.s32 $0x88, s3;
	s6 =	simm.s32 @!p1 $0x1082;
	[sflag:s4] =	ssyncset.s32 $0xFFFFF086  }
0x25: {  	[simem:s6], [sflag:s4] =	dma.local [hbm:s3], $0xF7A  }
0x26: {  	[smem:$0x3F98] =	sst s1;
	(tag) =	ssettag s2;
	_ =	strace s9  }
0x27: {  	s1 =	sld [smem:$0x3FA8]  }
0x28: {  	s2 =	sld [smem:$0x3FA9]  }
0x29: {  	s4 =	sld [smem:$0x3FAB]  }
0x2a: {  	p0 =	seq.s32 s5, $0x0;
	s5 =	sld [smem:$0x3FAC]  }
0x2b: {  	s6 =	sld [smem:$0x3FAD]  }
0x2c: {  	s7 =	sld [smem:$0x3FAE]  }
0x2d: {  	s3 =	simm.s32 $0x108;
	s8 =	sld [smem:$0x3FAF]  }
0x2e: {  	s3 =	simm.s32 @!p0 $0x1082;
	s9 =	sld [smem:$0x3FB0]  }
0x2f: {  	lr =	sadd.s32 s0, s3;
	s0 =	sld [smem:$0x3FA7]  }
0x30: {  	s3 =	sld [smem:$0x3FAA]  }
0x31: {  	[smem:$0x3FB3] =	sst s10  }
0x32: {  	s10 =	sld [smem:$0x3FB1];
	_ =	sdelay $0x3  }
0x33: {  	p0 =	seq.s32 s10, $0x1;
	s10 =	sld [smem:$0x3FB3];
	_ =	sdelay $0x3  }
0x34: {  	[smem:$0x3FB3] =	sst s10  }
0x35: {  	s10 =	sld [smem:$0x3FB2];
	_ =	sdelay $0x3  }
0x36: {  	p1 =	seq.s32 s10, $0x1;
	s10 =	sld [smem:$0x3FB3];
	_ =	sdelay $0x3  }
0x37: {  	[smem:$0x3FB3] =	sst s10  }
0x38: {  	s10 =	sld [smem:$0x3FB4]  }
0x39: {  	_ = 	snop;
	(pc) =	sbr.ind lr, $3  }
0x3a: {  	_ = 	snop  }
0x3b: {  	_ = 	snop  }
0x3c: {  	p2 =	seq.s32 s10, $0x1;
	s10 =	sld [smem:$0x3FB3]  }
0x3d: {  	_ =	shalt  }
0x3e: {  	_ =	shalt  }
0x3f: {  	_ =	shalt  }
0x40: {  	_ =	shalt  }
0x41: {  	_ =	shalt  }
0x42: {  	_ =	shalt  }
0x43: {  	_ =	shalt  }
0x44: {  	_ =	shalt  }
0x45: {  	_ =	shalt  }
0x46: {  	_ =	shalt  }
0x47: {  	_ =	shalt  }
0x48: {  	_ =	shalt  }
0x49: {  	_ =	shalt  }
0x4a: {  	_ =	shalt  }
0x4b: {  	_ =	shalt  }
0x4c: {  	_ =	shalt  }
0x4d: {  	_ =	shalt  }
0x4e: {  	_ =	shalt  }
0x4f: {  	_ =	shalt  }
0x50: {  	_ =	shalt  }
0x51: {  	_ =	shalt  }
0x52: {  	_ =	shalt  }
0x53: {  	_ =	shalt  }
0x54: {  	_ =	shalt  }
0x55: {  	_ =	shalt  }
0x56: {  	_ =	shalt  }
0x57: {  	_ =	shalt  }
0x58: {  	_ =	shalt  }
0x59: {  	_ =	shalt  }
0x5a: {  	_ =	shalt  }
0x5b: {  	_ =	shalt  }
0x5c: {  	_ =	shalt  }
0x5d: {  	_ =	shalt  }
0x5e: {  	_ =	shalt  }
0x5f: {  	_ =	shalt  }
0x60: {  	_ =	shalt  }
0x61: {  	_ =	shalt  }
0x62: {  	_ =	shalt  }
0x63: {  	_ =	shalt  }
0x64: {  	_ =	shalt  }
0x65: {  	_ =	shalt  }
0x66: {  	_ =	shalt  }
0x67: {  	_ =	shalt  }
0x68: {  	_ =	shalt  }
0x69: {  	_ =	shalt  }
0x6a: {  	_ =	shalt  }
0x6b: {  	_ =	shalt  }
0x6c: {  	_ =	shalt  }
0x6d: {  	_ =	shalt  }
0x6e: {  	_ =	shalt  }
0x6f: {  	_ =	shalt  }
0x70: {  	_ =	shalt  }
0x71: {  	_ =	shalt  }
0x72: {  	_ =	shalt  }
0x73: {  	_ =	shalt  }
0x74: {  	_ =	shalt  }
0x75: {  	_ =	shalt  }
0x76: {  	_ =	shalt  }
0x77: {  	_ =	shalt  }
0x78: {  	_ =	shalt  }
0x79: {  	_ =	shalt  }
0x7a: {  	_ =	shalt  }
0x7b: {  	_ =	shalt  }
0x7c: {  	_ =	shalt  }
0x7d: {  	_ =	shalt  }
0x7e: {  	_ =	shalt  }
0x7f: {  	_ =	shalt  }
0x80: {  	_ =	shalt  }
0x81: {  	_ =	shalt  }
0x82: {  	_ =	shalt  }
0x83: {  	_ =	shalt  }
0x84: {  	_ =	shalt  }
0x85: {  	_ =	shalt  }
0x86: {  	_ =	shalt  }
0x87: {  	_ =	shalt  }
.Lfunc_end0:
.L_simem_size_0:
called_computation.1_lowered:
.L_overlay_start_0:
0x88: {  	s2 =	sld [smem:$0x3FD9]  }
0x89: {  	s3 =	sld [smem:$0x3FFE];
	_ =	sdelay $0x1  }
0x8a: {  	s1 =	srdreg.scid  }
0x8b: {  	s0 =	sand.u32 $0x1, s1  }
0x8c: {  	s17 =	sshll.u32 s0, $0xA;
	s2 =	sadd.s32 s3, s2  }
0x8d: {  	s2 =	sadd.s32 s2, s17  }
0x8e: {  	[smem:$0x3FBF] =	sst s2  }
0x8f: {  	_ = 	snop  }
0x90: {  	s2 =	sld [smem:$0x3FD0];
	(tm) =	ssettm $0x1  }
0x91: {  	s18 =	sld [smem:$0x3FFB];
	_ =	sdelay $0x3  }
0x92: {  	_ =	strace s18  }
0x93: {  	s3 =	sld [smem:$0x3FFC];
	_ =	sdelay $0x3  }
0x94: {  	_ =	strace s3  }
0x95: {  	s3 =	sld [smem:$0x3FFD];
	_ =	sdelay $0x3  }
0x96: {  	_ =	strace s3  }
0x97: {  	_ =	strace $0x8FFFFFFF  }
0x98: {  	s19 =	sld [smem:$0x3FDB];
	_ =	sdelay $0x1  }
0x99: {  	s4 =	simm.s32 $_scs_section_size  }
0x9a: {  	s5 =	simm.s32 $_size__tile_overlayer_lowered;
	s6 =	simm.s32 $_tile_overlayer_lowered  }
0x9b: {  	s22 =	simm.s32 $0x1BFF;
	s21 =	sshll.u32 s6, $0x1;
	s3 =	sadd.s32 s4, s19  }
0x9c: {  	s7 =	simm.s32 $0x0;
	s20 =	sshll.u32 s5, $0x1;
	s5 =	sadd.s32 s21, s3  }
0x9d: {  	[timem:s7], [sflag:s22] =	dma.local [hbm:s5], s20  }
0x9e: {  	_ =	swait.ge [sflag:s22], s20  }
0x9f: {  	s4 =	ssub.s32 $0x0, s20;
	[sflag:s22] =	ssyncset.done $0x0  }
0xa0: {  	[sflag:s22] =	ssyncadd.s32 s4;
	_ =	sdelay $0x1  }
0xa1: {  	s23 =	simm.s32 $0x1B8B  }
0xa2: {  	_ =	swait.ge [sflag:s23], $0x1  }
0xa3: {  	[sflag:s23] =	ssyncset.done $0x0  }
0xa4: {  	s25 =	simm.s32 $0x1B8E;
	s24 =	sld [smem:$0x3FFE];
	[sflag:s23] =	ssyncadd.s32 $0xFFFFFFFF  }
0xa5: {  	s26 =	simm.s32 $execute0_lowered;
	[smem:$0x3FD2] =	sst s25  }
0xa6: {  	s5 =	sshll.u32 s26, $0x1;
	_ =	strace $0x80000049;
	[dreg:$0x1] =	wrdreg $0xFFFFFFFF  }
0xa7: {  	s28 =	simm.s32 $_size_execute0_lowered;
	s3 =	sadd.s32 s3, s5;
	[dreg:$0x0] =	wrdreg $0x0  }
0xa8: {  	s5 =	sshll.u32 s28, $0x1;
	[dreg:$0x2] =	wrdreg s3  }
0xa9: {  	[dreg:$0x3] =	wrdreg s5  }
0xaa: {  	[dreg:$0x4] =	wrdreg $0xC0  }
0xab: {  	_ =	task [dreg:s7], $0x5FFFF  }
0xac: {  	[dreg:$0x1] =	wrdreg $0xFFFFFFFF  }
0xad: {  	[dreg:$0x0] =	wrdreg $0x60  }
0xae: {  	[dreg:$0x2] =	wrdreg s2  }
0xaf: {  	[dreg:$0x3] =	wrdreg s24  }
0xb0: {  	[dreg:$0x4] =	wrdreg $0x82000  }
0xb1: {  	[dreg:$0x5] =	wrdreg $0x9  }
0xb2: {  	_ =	task.clear_ibuf [dreg:s7], $0x6FFFF;
	_ =	strace $0x90000049  }
0xb3: {  	s29 =	simm.s32 $0x9;
	_ =	strace $0x8000004B  }
0xb4: {  	_ =	swait.ge [sflag:s29], $0x1  }
0xb5: {  	[sflag:s29] =	ssyncadd.s32 $0xFFFFFFFF  }
0xb6: {  	_ =	strace $0x9000004B  }
0xb7: {  	_ =	sfence  }
0xb8: {  	s30 =	sld [smem:$0x0];
	_ =	sdelay $0x2  }
0xb9: {  	s31 =	sshll.u32 s1, $0xD;
	s1 =	sshrl.u32 s1, $0x2  }
0xba: {  	s3 =	sand.u32 $0x4000, s31;
	s1 =	sadd.s32 s1, s30  }
0xbb: {  	s0 =	sor.u32 s3, s0;
	s1 =	sshll.u32 s1, $0x11  }
0xbc: {  	s0 =	sor.u32 s1, s0  }
0xbd: {  	s0 =	sadd.s32 $0x8F2B, s0  }
0xbe: {  	[sflag:s0] =	ssyncadd.remote.s32 $0x1  }
0xbf: {  	_ =	sfence.sel $0xFFFF  }
0xc0: {  	[dreg:$0x0] =	wrdreg $0xFFFFFFFF;
	(pc) =	sbr.abs _section_cstart, $3  }
0xc1: {  	[dreg:$0x1] =	wrdreg $0xFFFFFFFF  }
0xc2: {  	_ =	task.clear_ibuf [dreg:s7], $0x2FFFF;
	_ =	strace $0x9FFFFFFF  }
0xc3: {  	(tm) =	ssettm $0x7FFFFFFF  }
tec
execute0_lowered:
.L_overlay_start_1:
0x0: {  	(tag) =	ssettag $0x1  }
0x1: {  	s1 =	rddreg [dreg:$0x0]  }
0x2: {  	s0 =	rddreg [dreg:$0x1]  }
0x3: {  	s2 =	rddreg [dreg:$0x2];
	s3 =	srdreg.scid  }
0x4: {  	s4 =	simm.s32 $0x0;
	s18 =	stileid.u32;
	s5 =	sand.u32 $0x1, s3  }
0x5: {  	[smem:$0x7FF] =	sst s4;
	s7 =	smul.u32 $0x13900, s18;
	s8 =	sadd.s32 $0x2600, s0  }
0x6: {  	s21 =	sshll.u32 s18, $0x6;
	s28 =	sadd.s32 $0xA8E00, s0;
	s3 =	ssub.s32 $0x2, s5  }
0x7: {  	_ =	strace $0x8000004A;
	s19 =	sshll.u32 s5, $0x5;
	s12 =	smul.u32 $0x272000, s5  }
0x8: {  	s5 =	sshllo.u32 s5, $0x1;
	s6 =	sshrl.u32 s3, $0x1;
	s9 =	sor.u32 s18, s19  }
0x9: {  	s20 =	sadd.s32 s7, s2;
	s10 =	sadd.s32 $0x4000, s7;
	s11 =	sadd.s32 $0x8000, s7  }
0xa: {  	s23 =	sadd.s32 $0xC000, s7;
	s24 =	sadd.s32 $0x10000, s7;
	s17 =	smul.u32 $0x139000, s5  }
0xb: {  	s5 =	sshll.u32 s5, $0x4;
	s3 =	ssub.s32 s3, s6;
	[dreg:$0x4] =	wrdreg s20  }
0xc: {  	s6 =	sor.u32 $0x1C05, s21;
	s13 =	sadd.s32 s10, s2;
	s22 =	sadd.s32 s11, s2  }
0xd: {  	s14 =	sadd.s32 s7, s12;
	s15 =	sadd.s32 s12, s10;
	s16 =	sadd.s32 s23, s2  }
0xe: {  	s26 =	sadd.s32 s12, s11;
	s29 =	sadd.s32 s12, s23;
	[dreg:$0x5] =	wrdreg s13  }
0xf: {  	s12 =	sadd.s32 s12, s24;
	s20 =	smul.u32 $0x2800, s18;
	[dreg:$0x6] =	wrdreg s22  }
0x10: {  	s5 =	sor.u32 s18, s5;
	[dreg:$0x7] =	wrdreg s16;
	s14 =	sshrl.u32 s14, $0x3  }
0x11: {  	s15 =	sshrl.u32 s15, $0x3;
	s12 =	sshrl.u32 s12, $0x3;
	s7 =	sadd.s32 s7, s17  }
0x12: {  	s10 =	sadd.s32 s10, s17;
	s22 =	smul.u32 $0x2800, s9;
	s9 =	simm.s32 $0x80  }
0x13: {  	s16 =	simm.s32 $0x180;
	s14 =	sadd.s32 s8, s14;
	s25 =	sadd.s32 s8, s15  }
0x14: {  	s15 =	sshrl.u32 s29, $0x3;
	s12 =	sadd.s32 s8, s12;
	s7 =	sshrl.u32 s7, $0x3  }
0x15: {  	s10 =	sshrl.u32 s10, $0x3;
	s18 =	sshrl.u32 s20, $0x3;
	[dreg:$0x8] =	wrdreg s14  }
0x16: {  	[dreg:$0x9] =	wrdreg s25;
	s14 =	sshrl.u32 s26, $0x3;
	s30 =	sadd.s32 s8, s15  }
0x17: {  	[dreg:$0xc] =	wrdreg s12;
	s7 =	sadd.s32 s8, s7;
	s31 =	sadd.s32 s8, s10  }
0x18: {  	s10 =	sadd.s32 s11, s17;
	s11 =	sadd.s32 s23, s17;
	s12 =	sadd.s32 s24, s17  }
0x19: {  	s17 =	sadd.s32 s24, s2;
	s23 =	sadd.s32 $0xA3C00, s0;
	[dreg:$0xb] =	wrdreg s30  }
0x1a: {  	s25 =	smul.u32 $0x2800, s5;
	s26 =	sadd.s32 $0xB3C00, s0;
	[dreg:$0xd] =	wrdreg s7  }
0x1b: {  	s0 =	sadd.s32 $0xB3C10, s0;
	s19 =	sshrl.u32 s22, $0x3;
	[dreg:$0xe] =	wrdreg s31  }
0x1c: {  	s14 =	sadd.s32 s8, s14;
	s7 =	sshrl.u32 s10, $0x3;
	[dreg:$0x12] =	wrdreg s17  }
0x1d: {  	s13 =	sshrl.u32 s11, $0x3;
	s21 =	sadd.s32 s26, s19;
	[dreg:$0xa] =	wrdreg s14  }
0x1e: {  	s5 =	sadd.s32 s19, s0;
	s30 =	smax.u32 s3, $0x1;
	[dreg:$0x14] =	wrdreg s21  }
0x1f: {  	s10 =	simm.s32 $0x200;
	s11 =	simm.s32 $0x4;
	[dreg:$0x15] =	wrdreg s5  }
0x20: {  	s17 =	simm.s32 $0x0;
	s7 =	sadd.s32 s8, s7;
	[dreg:$0x18] =	wrdreg s30  }
0x21: {  	s14 =	sshrl.u32 s12, $0x3;
	[dreg:$0xf] =	wrdreg s7;
	s7 =	sadd.s32 s8, s13  }
0x22: {  	s24 =	sshrl.u32 s25, $0x3;
	s15 =	sadd.s32 s8, s14;
	[dreg:$0x10] =	wrdreg s7  }
0x23: {  	s12 =	simm.s32 $0x4200;
	s0 =	sadd.s32 s24, s0;
	[dreg:$0x11] =	wrdreg s15  }
0x24: {  	s29 =	sadd.s32 s26, s24;
	s8 =	simm.s32 $0x100;
	[dreg:$0x16] =	wrdreg s0  }
0x25: {  	s13 =	simm.s32 $0x1;
	s7 =	sadd.s32 s23, s18;
	[dreg:$0x17] =	wrdreg s29  }
0x26: {  	s14 =	simm.s32 $0x3;
	[dreg:$0x13] =	wrdreg s7;
	s31 =	sadd.s32 $0x10, s7  }
0x27: {  	s15 =	simm.s32 $0x2;
	s7 =	simm.s32 $0x5;
	[dreg:$0x19] =	wrdreg s31  }
.LBB2_1:
0x28: {  	s0 =	rddreg [dreg:$0x4]  }
0x29: {  	s0 =	sshrl.u32 s0, $0x3  }
0x2a: {  	[dreg:$0x1a] =	wrdreg s0  }
0x2b: {  	[spmem:s0], [sflag:s6] =	dma.local [hbm:s28], $0x800  }
0x2c: {  	_ =	swait.ge [sflag:s7], $0x800  }
0x2d: {  	[sflag:s7] =	ssyncset.done $0x0;
	s24 =	rddreg [dreg:$0x5]  }
0x2e: {  	[sflag:s7] =	ssyncadd.s32 $0xFFFFF800;
	s19 =	sshrl.u32 s24, $0x3  }
0x2f: {  	[spmem:s19], [sflag:s6] =	dma.local [hbm:s28], $0x800  }
0x30: {  	_ =	swait.ge [sflag:s7], $0x800  }
0x31: {  	[sflag:s7] =	ssyncset.done $0x0;
	s3 =	rddreg [dreg:$0x6]  }
0x32: {  	[sflag:s7] =	ssyncadd.s32 $0xFFFFF800;
	s21 =	sshrl.u32 s3, $0x3  }
0x33: {  	[spmem:s21], [sflag:s6] =	dma.local [hbm:s28], $0x800  }
0x34: {  	_ =	swait.ge [sflag:s7], $0x800  }
0x35: {  	[sflag:s7] =	ssyncset.done $0x0;
	s5 =	rddreg [dreg:$0x7]  }
0x36: {  	[sflag:s7] =	ssyncadd.s32 $0xFFFFF800;
	s29 =	sshrl.u32 s5, $0x3  }
0x37: {  	[spmem:s29], [sflag:s6] =	dma.local [hbm:s28], $0x800  }
0x38: {  	_ =	swait.ge [sflag:s7], $0x800  }
0x39: {  	[sflag:s7] =	ssyncset.done $0x0;
	s18 =	rddreg [dreg:$0x12]  }
0x3a: {  	[sflag:s7] =	ssyncadd.s32 $0xFFFFF800;
	s30 =	sshrl.u32 s18, $0x3  }
0x3b: {  	[spmem:s30], [sflag:s6] =	dma.local [hbm:s28], $0x720  }
0x3c: {  	_ =	swait.ge [sflag:s7], $0x720  }
0x3d: {  	[sflag:s7] =	ssyncset.done $0x0  }
0x3e: {  	[sflag:s7] =	ssyncadd.s32 $0xFFFFF8E0  }
0x3f: {  	[bflag:$0x0] =	sbarrier.arrive $0xFFFF  }
0x40: {  	s24 =	rddreg [dreg:$0x14]  }
0x41: {  	[tilespmem:s4], [sflag:$0x5] =	stream.linear.gather [hbm4b:s24+s4], $0x80, $0x38;
	[tilespmem:$0x1BB00] =	vst v63  }
0x42: {  	_ =	swait.ge [sflag:s7], $0x80  }
0x43: {  	[sflag:s7] =	ssyncset.done $0x0  }
0x44: {  	s3 =	rddreg [dreg:$0x13];
	[sflag:s7] =	ssyncadd.s32 $0xFFFFFF80  }
0x45: {  	[tilespmem:s8], [sflag:$0x5] =	stream.linear.gather [hbm4b:s3+s4], $0x80, $0x38;
	[tilespmem:$0x1BB00] =	vst v63  }
0x46: {  	_ =	swait.ge [sflag:s7], $0x80  }
0x47: {  	[sflag:s7] =	ssyncset.done $0x0  }
0x48: {  	[sflag:s7] =	ssyncadd.s32 $0xFFFFFF80  }
0x49: {  	[tilespmem:s10], [sflag:$0x1] =	stream.indirect.gather [hbm4b:s1+s9], $0x80, s4, s9, $0xb8;
	[tilespmem:$0x1BB00] =	vst v63  }
0x4a: {  	s5 =	rddreg [dreg:$0x15]  }
0x4b: {  	[tilespmem:s9], [sflag:$0x4] =	stream.linear.gather [hbm4b:s5+s4], $0x80, $0x38;
	[tilespmem:$0x1BB00] =	vst v63  }
0x4c: {  	s18 =	rddreg [dreg:$0x19]  }
0x4d: {  	[tilespmem:s16], [sflag:$0x4] =	stream.linear.gather [hbm4b:s18+s4], $0x80, $0x38;
	[tilespmem:$0x1BB00] =	vst v63  }
0x4e: {  	_ =	swait.ge [sflag:s11], $0x80  }
0x4f: {  	[sflag:s11] =	ssyncset.done $0x0  }
0x50: {  	[sflag:s11] =	ssyncadd.s32 $0xFFFFFF80  }
0x51: {  	_ =	swait.ge [sflag:s11], $0x80  }
0x52: {  	[sflag:s11] =	ssyncset.done $0x0  }
0x53: {  	[sflag:s11] =	ssyncadd.s32 $0xFFFFFF80  }
0x54: {  	[tilespmem:s12], [sflag:$0x2] =	stream.indirect.gather [hbm4b:s1+s9], $0x80, s9, s9, $0xb8;
	[tilespmem:$0x1BB00] =	vst v63  }
0x55: {  	s24 =	simm.s32 $0x100;
	_ =	swait.ge [sflag:s13], $0x4000  }
0x56: {  	s3 =	sand.u32 $0x7C00, s24;
	[sflag:s13] =	ssyncset.done $0x0  }
0x57: {  	s0 =	sand.u32 $0x300, s24;
	s5 =	sadd.s32 s22, s3;
	[sflag:s13] =	ssyncadd.s32 $0xFFFFC000  }
0x58: {  	[spmem:s2] =	stream.indirect.scatter.add.f32 [tilespmem:s10], [sflag:$0x5], $0x80, s8, s9, $0xb8;
	[tilespmem:$0x1BB00] =	vst v63  }
0x59: {  	s3 =	sadd.s32 s20, s3;
	s5 =	sor.u32 s0, s5;
	_ =	swait.ge [sflag:s7], $0x4000  }
0x5a: {  	s0 =	sor.u32 s0, s3;
	s5 =	sshrl.u32 s5, $0x3;
	[sflag:s7] =	ssyncset.done $0x0  }
0x5b: {  	s0 =	sshrl.u32 s0, $0x3;
	s5 =	sadd.s32 s26, s5;
	[sflag:s7] =	ssyncadd.s32 $0xFFFFC000  }
0x5c: {  	[tilespmem:s4], [sflag:$0x3] =	stream.linear.gather [hbm4b:s5+s4], $0x80, $0x38;
	[tilespmem:$0x1BB00] =	vst v63  }
0x5d: {  	s0 =	sadd.s32 s23, s0  }
0x5e: {  	[tilespmem:s8], [sflag:$0x3] =	stream.linear.gather [hbm4b:s0+s4], $0x80, $0x38;
	[tilespmem:$0x1BB00] =	vst v63  }
0x5f: {  	_ =	swait.ge [sflag:s14], $0x80  }
0x60: {  	[sflag:s14] =	ssyncset.done $0x0  }
0x61: {  	[sflag:s14] =	ssyncadd.s32 $0xFFFFFF80  }
0x62: {  	_ =	swait.ge [sflag:s14], $0x80  }
0x63: {  	[sflag:s14] =	ssyncset.done $0x0  }
0x64: {  	[sflag:s14] =	ssyncadd.s32 $0xFFFFFF80  }
0x65: {  	[tilespmem:s10], [sflag:$0x1] =	stream.indirect.gather [hbm4b:s1+s9], $0x80, s4, s9, $0xb8;
	[tilespmem:$0x1BB00] =	vst v63  }
0x66: {  	_ =	swait.ge [sflag:s15], $0x4000  }
0x67: {  	s5 =	sand.u32 $0x7C00, s16;
	[sflag:s15] =	ssyncset.done $0x0  }
0x68: {  	s18 =	sand.u32 $0x380, s16;
	s24 =	sadd.s32 s22, s5;
	[sflag:s15] =	ssyncadd.s32 $0xFFFFC000  }
0x69: {  	[spmem:s2] =	stream.indirect.scatter.add.f32 [tilespmem:s12], [sflag:$0x5], $0x80, s16, s9, $0xb8;
	[tilespmem:$0x1BB00] =	vst v63  }
0x6a: {  	s0 =	sadd.s32 s20, s5;
	s5 =	sor.u32 s18, s24;
	_ =	swait.ge [sflag:s7], $0x4000  }
0x6b: {  	s0 =	sor.u32 s18, s0;
	s18 =	sshrl.u32 s5, $0x3;
	[sflag:s7] =	ssyncset.done $0x0  }
0x6c: {  	s0 =	sshrl.u32 s0, $0x3;
	s3 =	sadd.s32 s26, s18;
	[sflag:s7] =	ssyncadd.s32 $0xFFFFC000  }
0x6d: {  	[tilespmem:s9], [sflag:$0x4] =	stream.linear.gather [hbm4b:s3+s4], $0x80, $0x38;
	[tilespmem:$0x1BB00] =	vst v63  }
0x6e: {  	s0 =	sadd.s32 s23, s0  }
0x6f: {  	[tilespmem:s16], [sflag:$0x4] =	stream.linear.gather [hbm4b:s0+s4], $0x80, $0x38;
	[tilespmem:$0x1BB00] =	vst v63  }
0x70: {  	_ =	swait.ge [sflag:s11], $0x80  }
0x71: {  	[sflag:s11] =	ssyncset.done $0x0  }
0x72: {  	[sflag:s11] =	ssyncadd.s32 $0xFFFFFF80  }
0x73: {  	s5 =	simm.s32 $0x200;
	_ =	swait.ge [sflag:s11], $0x80  }
0x74: {  	s24 =	sand.u32 $0x7C00, s5;
	[sflag:s11] =	ssyncset.done $0x0  }
0x75: {  	s31 =	simm.s32 $0x280;
	s18 =	sadd.s32 s22, s24;
	[sflag:s11] =	ssyncadd.s32 $0xFFFFFF80  }
0x76: {  	[tilespmem:s12], [sflag:$0x2] =	stream.indirect.gather [hbm4b:s1+s9], $0x80, s9, s9, $0xb8;
	[tilespmem:$0x1BB00] =	vst v63  }
0x77: {  	s24 =	sadd.s32 s20, s24;
	s0 =	simm.s32 $0x380;
	_ =	swait.ge [sflag:s13], $0x4000  }
.LBB2_2:
0x78: {  	p0 =	sne.s32 s0, $0x2780  }
0x79: {  	[sflag:s13] =	ssyncset.done $0x0;
	s3 =	smov.u32 s0;
	s0 =	sadd.s32 $0x100, s0  }
0x7a: {  	s5 =	sand.u32 $0x300, s5;
	[sflag:s13] =	ssyncadd.s32 $0xFFFFC000  }
0x7b: {  	[spmem:s2] =	stream.indirect.scatter.add.f32 [tilespmem:s10], [sflag:$0x5], $0x80, s8, s9, $0xb8;
	[tilespmem:$0x1BB00] =	vst v63  }
0x7c: {  	s18 =	sor.u32 s5, s18;
	_ =	swait.ge [sflag:s7], $0x4000  }
0x7d: {  	s18 =	sshrl.u32 s18, $0x3;
	[sflag:s7] =	ssyncset.done $0x0  }
0x7e: {  	s5 =	sor.u32 s5, s24;
	s18 =	sadd.s32 s26, s18;
	[sflag:s7] =	ssyncadd.s32 $0xFFFFC000  }
0x7f: {  	[tilespmem:s4], [sflag:$0x3] =	stream.linear.gather [hbm4b:s18+s4], $0x80, $0x38;
	[tilespmem:$0x1BB00] =	vst v63  }
0x80: {  	s5 =	sshrl.u32 s5, $0x3  }
0x81: {  	s5 =	sadd.s32 s23, s5  }
0x82: {  	[tilespmem:s8], [sflag:$0x3] =	stream.linear.gather [hbm4b:s5+s4], $0x80, $0x38;
	[tilespmem:$0x1BB00] =	vst v63  }
0x83: {  	_ =	swait.ge [sflag:s14], $0x80  }
0x84: {  	[sflag:s14] =	ssyncset.done $0x0  }
0x85: {  	[sflag:s14] =	ssyncadd.s32 $0xFFFFFF80  }
0x86: {  	_ =	swait.ge [sflag:s14], $0x80  }
0x87: {  	[sflag:s14] =	ssyncset.done $0x0  }
0x88: {  	[sflag:s14] =	ssyncadd.s32 $0xFFFFFF80  }
0x89: {  	[tilespmem:s10], [sflag:$0x1] =	stream.indirect.gather [hbm4b:s1+s9], $0x80, s4, s9, $0xb8;
	[tilespmem:$0x1BB00] =	vst v63  }
0x8a: {  	_ =	swait.ge [sflag:s15], $0x4000  }
0x8b: {  	s18 =	sand.u32 $0x380, s31;
	s5 =	sand.u32 $0x7C00, s31;
	[sflag:s15] =	ssyncset.done $0x0  }
0x8c: {  	s24 =	sadd.s32 s22, s5;
	s5 =	sadd.s32 s20, s5;
	[sflag:s15] =	ssyncadd.s32 $0xFFFFC000  }
0x8d: {  	[spmem:s2] =	stream.indirect.scatter.add.f32 [tilespmem:s12], [sflag:$0x5], $0x80, s16, s9, $0xb8;
	[tilespmem:$0x1BB00] =	vst v63  }
0x8e: {  	s24 =	sor.u32 s18, s24;
	s5 =	sor.u32 s18, s5;
	_ =	swait.ge [sflag:s7], $0x4000  }
0x8f: {  	s18 =	sshrl.u32 s24, $0x3;
	s5 =	sshrl.u32 s5, $0x3;
	[sflag:s7] =	ssyncset.done $0x0  }
0x90: {  	s18 =	sadd.s32 s26, s18;
	s5 =	sadd.s32 s23, s5;
	[sflag:s7] =	ssyncadd.s32 $0xFFFFC000  }
0x91: {  	[tilespmem:s9], [sflag:$0x4] =	stream.linear.gather [hbm4b:s18+s4], $0x80, $0x38;
	[tilespmem:$0x1BB00] =	vst v63  }
0x92: {  	s31 =	smov.u32 s3  }
0x93: {  	[tilespmem:s16], [sflag:$0x4] =	stream.linear.gather [hbm4b:s5+s4], $0x80, $0x38;
	[tilespmem:$0x1BB00] =	vst v63  }
0x94: {  	_ =	swait.ge [sflag:s11], $0x80  }
0x95: {  	[sflag:s11] =	ssyncset.done $0x0  }
0x96: {  	[sflag:s11] =	ssyncadd.s32 $0xFFFFFF80  }
.Ltmp0:
0x97: {  	_ =	swait.ge [sflag:s11], $0x80;
	(pc) =	sbr.rel @p0 .LBB2_2-.Ltmp0, $4  }
0x98: {  	s5 =	sadd.s32 $0xFFFFFF80, s31;
	[sflag:s11] =	ssyncset.done $0x0  }
0x99: {  	s3 =	sand.u32 $0x7C00, s5;
	[sflag:s11] =	ssyncadd.s32 $0xFFFFFF80  }
0x9a: {  	[tilespmem:s12], [sflag:$0x2] =	stream.indirect.gather [hbm4b:s1+s9], $0x80, s9, s9, $0xb8;
	[tilespmem:$0x1BB00] =	vst v63  }
0x9b: {  	s18 =	sadd.s32 s22, s3;
	s24 =	sadd.s32 s20, s3;
	_ =	swait.ge [sflag:s13], $0x4000  }
0x9c: {  	[sflag:s13] =	ssyncset.done $0x0  }
0x9d: {  	s0 =	sand.u32 $0x300, s5;
	[sflag:s13] =	ssyncadd.s32 $0xFFFFC000  }
0x9e: {  	[spmem:s2] =	stream.indirect.scatter.add.f32 [tilespmem:s10], [sflag:$0x5], $0x80, s8, s9, $0xb8;
	[tilespmem:$0x1BB00] =	vst v63  }
0x9f: {  	s3 =	sor.u32 s0, s18;
	_ =	swait.ge [sflag:s7], $0x4000  }
0xa0: {  	s0 =	sor.u32 s0, s24;
	s3 =	sshrl.u32 s3, $0x3;
	[sflag:s7] =	ssyncset.done $0x0  }
0xa1: {  	s0 =	sshrl.u32 s0, $0x3;
	s3 =	sadd.s32 s26, s3;
	[sflag:s7] =	ssyncadd.s32 $0xFFFFC000  }
0xa2: {  	[tilespmem:s4], [sflag:$0x3] =	stream.linear.gather [hbm4b:s3+s4], $0x80, $0x38;
	[tilespmem:$0x1BB00] =	vst v63  }
0xa3: {  	s0 =	sadd.s32 s23, s0  }
0xa4: {  	[tilespmem:s8], [sflag:$0x3] =	stream.linear.gather [hbm4b:s0+s4], $0x80, $0x38;
	[tilespmem:$0x1BB00] =	vst v63  }
0xa5: {  	_ =	swait.ge [sflag:s14], $0x80  }
0xa6: {  	[sflag:s14] =	ssyncset.done $0x0  }
0xa7: {  	[sflag:s14] =	ssyncadd.s32 $0xFFFFFF80  }
0xa8: {  	_ =	swait.ge [sflag:s14], $0x80  }
0xa9: {  	[sflag:s14] =	ssyncset.done $0x0  }
0xaa: {  	[sflag:s14] =	ssyncadd.s32 $0xFFFFFF80  }
0xab: {  	[tilespmem:s10], [sflag:$0x1] =	stream.indirect.gather [hbm4b:s1+s9], $0x80, s4, s9, $0xb8;
	[tilespmem:$0x1BB00] =	vst v63  }
0xac: {  	_ =	swait.ge [sflag:s15], $0x4000  }
0xad: {  	s5 =	sand.u32 $0x7C00, s31;
	[sflag:s15] =	ssyncset.done $0x0  }
0xae: {  	s18 =	sand.u32 $0x380, s31;
	s24 =	sadd.s32 s22, s5;
	[sflag:s15] =	ssyncadd.s32 $0xFFFFC000  }
0xaf: {  	[spmem:s2] =	stream.indirect.scatter.add.f32 [tilespmem:s12], [sflag:$0x5], $0x80, s16, s9, $0xb8;
	[tilespmem:$0x1BB00] =	vst v63  }
0xb0: {  	s0 =	sadd.s32 s20, s5;
	s5 =	sor.u32 s18, s24;
	_ =	swait.ge [sflag:s7], $0x4000  }
0xb1: {  	s0 =	sor.u32 s18, s0;
	s18 =	sshrl.u32 s5, $0x3;
	[sflag:s7] =	ssyncset.done $0x0  }
0xb2: {  	s0 =	sshrl.u32 s0, $0x3;
	s3 =	sadd.s32 s26, s18;
	[sflag:s7] =	ssyncadd.s32 $0xFFFFC000  }
0xb3: {  	[tilespmem:s9], [sflag:$0x4] =	stream.linear.gather [hbm4b:s3+s4], $0x80, $0x38;
	[tilespmem:$0x1BB00] =	vst v63  }
0xb4: {  	s0 =	sadd.s32 s23, s0  }
0xb5: {  	[tilespmem:s16], [sflag:$0x4] =	stream.linear.gather [hbm4b:s0+s4], $0x80, $0x38;
	[tilespmem:$0x1BB00] =	vst v63  }
0xb6: {  	_ =	swait.ge [sflag:s11], $0x80  }
0xb7: {  	[sflag:s11] =	ssyncset.done $0x0  }
0xb8: {  	[sflag:s11] =	ssyncadd.s32 $0xFFFFFF80  }
0xb9: {  	_ =	swait.ge [sflag:s11], $0x80  }
0xba: {  	[sflag:s11] =	ssyncset.done $0x0  }
0xbb: {  	[sflag:s11] =	ssyncadd.s32 $0xFFFFFF80  }
0xbc: {  	[tilespmem:s12], [sflag:$0x2] =	stream.indirect.gather [hbm4b:s1+s9], $0x80, s9, s9, $0xb8;
	[tilespmem:$0x1BB00] =	vst v63  }
0xbd: {  	_ =	swait.ge [sflag:s13], $0x4000  }
0xbe: {  	[sflag:s13] =	ssyncset.done $0x0  }
0xbf: {  	[sflag:s13] =	ssyncadd.s32 $0xFFFFC000  }
0xc0: {  	[spmem:s2] =	stream.indirect.scatter.add.f32 [tilespmem:s10], [sflag:$0x5], $0x80, s8, s9, $0xb8;
	[tilespmem:$0x1BB00] =	vst v63  }
0xc1: {  	_ =	swait.ge [sflag:s7], $0x4000  }
0xc2: {  	[sflag:s7] =	ssyncset.done $0x0  }
0xc3: {  	[sflag:s7] =	ssyncadd.s32 $0xFFFFC000  }
0xc4: {  	_ =	swait.ge [sflag:s15], $0x4000  }
0xc5: {  	[sflag:s15] =	ssyncset.done $0x0  }
0xc6: {  	s0 =	simm.s32 $0x180;
	[sflag:s15] =	ssyncadd.s32 $0xFFFFC000  }
0xc7: {  	[spmem:s2] =	stream.indirect.scatter.add.f32 [tilespmem:s12], [sflag:$0x5], $0x80, s0, s9, $0xb8;
	[tilespmem:$0x1BB00] =	vst v63  }
0xc8: {  	_ =	swait.ge [sflag:s7], $0x4000  }
0xc9: {  	[sflag:s7] =	ssyncset.done $0x0  }
0xca: {  	[sflag:s7] =	ssyncadd.s32 $0xFFFFC000  }
0xcb: {  	[bflag:$0x0] =	sbarrier.arrive $0xFFFF  }
0xcc: {  	s24 =	rddreg [dreg:$0x8]  }
0xcd: {  	s5 =	rddreg [dreg:$0x1a]  }
0xce: {  	[hbm:s24], [sflag:s6] =	dma.local [spmem:s5], $0x800  }
0xcf: {  	_ =	swait.ge [sflag:s7], $0x800  }
0xd0: {  	[sflag:s7] =	ssyncset.done $0x0  }
0xd1: {  	s18 =	rddreg [dreg:$0x9];
	[sflag:s7] =	ssyncadd.s32 $0xFFFFF800  }
0xd2: {  	[hbm:s18], [sflag:s6] =	dma.local [spmem:s19], $0x800  }
0xd3: {  	_ =	swait.ge [sflag:s7], $0x800  }
0xd4: {  	[sflag:s7] =	ssyncset.done $0x0  }
0xd5: {  	s24 =	rddreg [dreg:$0xa];
	[sflag:s7] =	ssyncadd.s32 $0xFFFFF800  }
0xd6: {  	[hbm:s24], [sflag:s6] =	dma.local [spmem:s21], $0x800  }
0xd7: {  	_ =	swait.ge [sflag:s7], $0x800  }
0xd8: {  	[sflag:s7] =	ssyncset.done $0x0  }
0xd9: {  	s18 =	rddreg [dreg:$0xb];
	[sflag:s7] =	ssyncadd.s32 $0xFFFFF800  }
0xda: {  	[hbm:s18], [sflag:s6] =	dma.local [spmem:s29], $0x800  }
0xdb: {  	_ =	swait.ge [sflag:s7], $0x800  }
0xdc: {  	[sflag:s7] =	ssyncset.done $0x0  }
0xdd: {  	s24 =	rddreg [dreg:$0xc];
	[sflag:s7] =	ssyncadd.s32 $0xFFFFF800  }
0xde: {  	[hbm:s24], [sflag:s6] =	dma.local [spmem:s30], $0x720  }
0xdf: {  	_ =	swait.ge [sflag:s7], $0x720  }
0xe0: {  	[sflag:s7] =	ssyncset.done $0x0  }
0xe1: {  	[sflag:s7] =	ssyncadd.s32 $0xFFFFF8E0  }
0xe2: {  	[bflag:$0x0] =	sbarrier.arrive $0xFFFF  }
0xe3: {  	[spmem:s5], [sflag:s6] =	dma.local [hbm:s28], $0x800  }
0xe4: {  	_ =	swait.ge [sflag:s7], $0x800  }
0xe5: {  	[sflag:s7] =	ssyncset.done $0x0  }
0xe6: {  	[sflag:s7] =	ssyncadd.s32 $0xFFFFF800  }
0xe7: {  	[spmem:s19], [sflag:s6] =	dma.local [hbm:s28], $0x800  }
0xe8: {  	_ =	swait.ge [sflag:s7], $0x800  }
0xe9: {  	[sflag:s7] =	ssyncset.done $0x0  }
0xea: {  	[sflag:s7] =	ssyncadd.s32 $0xFFFFF800  }
0xeb: {  	[spmem:s21], [sflag:s6] =	dma.local [hbm:s28], $0x800  }
0xec: {  	_ =	swait.ge [sflag:s7], $0x800  }
0xed: {  	[sflag:s7] =	ssyncset.done $0x0  }
0xee: {  	[sflag:s7] =	ssyncadd.s32 $0xFFFFF800  }
0xef: {  	[spmem:s29], [sflag:s6] =	dma.local [hbm:s28], $0x800  }
0xf0: {  	_ =	swait.ge [sflag:s7], $0x800  }
0xf1: {  	[sflag:s7] =	ssyncset.done $0x0  }
0xf2: {  	[sflag:s7] =	ssyncadd.s32 $0xFFFFF800  }
0xf3: {  	[spmem:s30], [sflag:s6] =	dma.local [hbm:s28], $0x720  }
0xf4: {  	_ =	swait.ge [sflag:s7], $0x720  }
0xf5: {  	[sflag:s7] =	ssyncset.done $0x0  }
0xf6: {  	[sflag:s7] =	ssyncadd.s32 $0xFFFFF8E0  }
0xf7: {  	[bflag:$0x0] =	sbarrier.arrive $0xFFFF  }
0xf8: {  	s5 =	rddreg [dreg:$0x17]  }
0xf9: {  	[tilespmem:s4], [sflag:$0x5] =	stream.linear.gather [hbm4b:s5+s4], $0x80, $0x38;
	[tilespmem:$0x1BB00] =	vst v63  }
0xfa: {  	_ =	swait.ge [sflag:s7], $0x80  }
0xfb: {  	[sflag:s7] =	ssyncset.done $0x0  }
0xfc: {  	s18 =	rddreg [dreg:$0x13];
	[sflag:s7] =	ssyncadd.s32 $0xFFFFFF80  }
0xfd: {  	[tilespmem:s8], [sflag:$0x5] =	stream.linear.gather [hbm4b:s18+s4], $0x80, $0x38;
	[tilespmem:$0x1BB00] =	vst v63  }
0xfe: {  	_ =	swait.ge [sflag:s7], $0x80  }
0xff: {  	[sflag:s7] =	ssyncset.done $0x0  }
0x100: {  	[sflag:s7] =	ssyncadd.s32 $0xFFFFFF80  }
0x101: {  	[tilespmem:s10], [sflag:$0x1] =	stream.indirect.gather [hbm4b:s1+s9], $0x80, s4, s9, $0xb8;
	[tilespmem:$0x1BB00] =	vst v63  }
0x102: {  	s24 =	rddreg [dreg:$0x16]  }
0x103: {  	[tilespmem:s9], [sflag:$0x4] =	stream.linear.gather [hbm4b:s24+s4], $0x80, $0x38;
	[tilespmem:$0x1BB00] =	vst v63  }
0x104: {  	s5 =	rddreg [dreg:$0x19]  }
0x105: {  	[tilespmem:s0], [sflag:$0x4] =	stream.linear.gather [hbm4b:s5+s4], $0x80, $0x38;
	[tilespmem:$0x1BB00] =	vst v63  }
0x106: {  	_ =	swait.ge [sflag:s11], $0x80  }
0x107: {  	[sflag:s11] =	ssyncset.done $0x0  }
0x108: {  	[sflag:s11] =	ssyncadd.s32 $0xFFFFFF80  }
0x109: {  	_ =	swait.ge [sflag:s11], $0x80  }
0x10a: {  	[sflag:s11] =	ssyncset.done $0x0  }
0x10b: {  	[sflag:s11] =	ssyncadd.s32 $0xFFFFFF80  }
0x10c: {  	[tilespmem:s12], [sflag:$0x2] =	stream.indirect.gather [hbm4b:s1+s9], $0x80, s9, s9, $0xb8;
	[tilespmem:$0x1BB00] =	vst v63  }
0x10d: {  	s18 =	simm.s32 $0x100;
	_ =	swait.ge [sflag:s13], $0x4000  }
0x10e: {  	s5 =	sand.u32 $0x7C00, s18;
	[sflag:s13] =	ssyncset.done $0x0  }
0x10f: {  	s3 =	sand.u32 $0x300, s18;
	s24 =	sadd.s32 s25, s5;
	[sflag:s13] =	ssyncadd.s32 $0xFFFFC000  }
0x110: {  	[spmem:s2] =	stream.indirect.scatter.add.f32 [tilespmem:s10], [sflag:$0x5], $0x80, s8, s9, $0xb8;
	[tilespmem:$0x1BB00] =	vst v63  }
0x111: {  	s5 =	sadd.s32 s20, s5;
	s18 =	sor.u32 s3, s24;
	_ =	swait.ge [sflag:s7], $0x4000  }
0x112: {  	s3 =	sor.u32 s3, s5;
	s18 =	sshrl.u32 s18, $0x3;
	[sflag:s7] =	ssyncset.done $0x0  }
0x113: {  	s3 =	sshrl.u32 s3, $0x3;
	s18 =	sadd.s32 s26, s18;
	[sflag:s7] =	ssyncadd.s32 $0xFFFFC000  }
0x114: {  	[tilespmem:s4], [sflag:$0x3] =	stream.linear.gather [hbm4b:s18+s4], $0x80, $0x38;
	[tilespmem:$0x1BB00] =	vst v63  }
0x115: {  	s3 =	sadd.s32 s23, s3  }
0x116: {  	[tilespmem:s8], [sflag:$0x3] =	stream.linear.gather [hbm4b:s3+s4], $0x80, $0x38;
	[tilespmem:$0x1BB00] =	vst v63  }
0x117: {  	_ =	swait.ge [sflag:s14], $0x80  }
0x118: {  	[sflag:s14] =	ssyncset.done $0x0  }
0x119: {  	[sflag:s14] =	ssyncadd.s32 $0xFFFFFF80  }
0x11a: {  	_ =	swait.ge [sflag:s14], $0x80  }
0x11b: {  	[sflag:s14] =	ssyncset.done $0x0  }
0x11c: {  	[sflag:s14] =	ssyncadd.s32 $0xFFFFFF80  }
0x11d: {  	[tilespmem:s10], [sflag:$0x1] =	stream.indirect.gather [hbm4b:s1+s9], $0x80, s4, s9, $0xb8;
	[tilespmem:$0x1BB00] =	vst v63  }
0x11e: {  	_ =	swait.ge [sflag:s15], $0x4000  }
0x11f: {  	s18 =	sand.u32 $0x7C00, s0;
	[sflag:s15] =	ssyncset.done $0x0  }
0x120: {  	s0 =	sand.u32 $0x380, s0;
	s24 =	sadd.s32 s25, s18;
	[sflag:s15] =	ssyncadd.s32 $0xFFFFC000  }
0x121: {  	[spmem:s2] =	stream.indirect.scatter.add.f32 [tilespmem:s12], [sflag:$0x5], $0x80, s16, s9, $0xb8;
	[tilespmem:$0x1BB00] =	vst v63  }
0x122: {  	s3 =	sadd.s32 s20, s18;
	s5 =	sor.u32 s0, s24;
	_ =	swait.ge [sflag:s7], $0x4000  }
0x123: {  	s0 =	sor.u32 s0, s3;
	s18 =	sshrl.u32 s5, $0x3;
	[sflag:s7] =	ssyncset.done $0x0  }
0x124: {  	s0 =	sshrl.u32 s0, $0x3;
	s3 =	sadd.s32 s26, s18;
	[sflag:s7] =	ssyncadd.s32 $0xFFFFC000  }
0x125: {  	[tilespmem:s9], [sflag:$0x4] =	stream.linear.gather [hbm4b:s3+s4], $0x80, $0x38;
	[tilespmem:$0x1BB00] =	vst v63  }
0x126: {  	s0 =	sadd.s32 s23, s0  }
0x127: {  	[tilespmem:s16], [sflag:$0x4] =	stream.linear.gather [hbm4b:s0+s4], $0x80, $0x38;
	[tilespmem:$0x1BB00] =	vst v63  }
0x128: {  	_ =	swait.ge [sflag:s11], $0x80  }
0x129: {  	[sflag:s11] =	ssyncset.done $0x0  }
0x12a: {  	[sflag:s11] =	ssyncadd.s32 $0xFFFFFF80  }
0x12b: {  	s5 =	simm.s32 $0x200;
	_ =	swait.ge [sflag:s11], $0x80  }
0x12c: {  	s24 =	sand.u32 $0x7C00, s5;
	[sflag:s11] =	ssyncset.done $0x0  }
0x12d: {  	s31 =	simm.s32 $0x280;
	s18 =	sadd.s32 s25, s24;
	[sflag:s11] =	ssyncadd.s32 $0xFFFFFF80  }
0x12e: {  	[tilespmem:s12], [sflag:$0x2] =	stream.indirect.gather [hbm4b:s1+s9], $0x80, s9, s9, $0xb8;
	[tilespmem:$0x1BB00] =	vst v63  }
0x12f: {  	s24 =	sadd.s32 s20, s24;
	s0 =	simm.s32 $0x380;
	_ =	swait.ge [sflag:s13], $0x4000  }
.LBB2_4:
0x130: {  	p0 =	sne.s32 s0, $0x2780  }
0x131: {  	[sflag:s13] =	ssyncset.done $0x0;
	s3 =	smov.u32 s0;
	s0 =	sadd.s32 $0x100, s0  }
0x132: {  	s5 =	sand.u32 $0x300, s5;
	[sflag:s13] =	ssyncadd.s32 $0xFFFFC000  }
0x133: {  	[spmem:s2] =	stream.indirect.scatter.add.f32 [tilespmem:s10], [sflag:$0x5], $0x80, s8, s9, $0xb8;
	[tilespmem:$0x1BB00] =	vst v63  }
0x134: {  	s18 =	sor.u32 s5, s18;
	_ =	swait.ge [sflag:s7], $0x4000  }
0x135: {  	s18 =	sshrl.u32 s18, $0x3;
	[sflag:s7] =	ssyncset.done $0x0  }
0x136: {  	s5 =	sor.u32 s5, s24;
	s18 =	sadd.s32 s26, s18;
	[sflag:s7] =	ssyncadd.s32 $0xFFFFC000  }
0x137: {  	[tilespmem:s4], [sflag:$0x3] =	stream.linear.gather [hbm4b:s18+s4], $0x80, $0x38;
	[tilespmem:$0x1BB00] =	vst v63  }
0x138: {  	s5 =	sshrl.u32 s5, $0x3  }
0x139: {  	s5 =	sadd.s32 s23, s5  }
0x13a: {  	[tilespmem:s8], [sflag:$0x3] =	stream.linear.gather [hbm4b:s5+s4], $0x80, $0x38;
	[tilespmem:$0x1BB00] =	vst v63  }
0x13b: {  	_ =	swait.ge [sflag:s14], $0x80  }
0x13c: {  	[sflag:s14] =	ssyncset.done $0x0  }
0x13d: {  	[sflag:s14] =	ssyncadd.s32 $0xFFFFFF80  }
0x13e: {  	_ =	swait.ge [sflag:s14], $0x80  }
0x13f: {  	[sflag:s14] =	ssyncset.done $0x0  }
0x140: {  	[sflag:s14] =	ssyncadd.s32 $0xFFFFFF80  }
0x141: {  	[tilespmem:s10], [sflag:$0x1] =	stream.indirect.gather [hbm4b:s1+s9], $0x80, s4, s9, $0xb8;
	[tilespmem:$0x1BB00] =	vst v63  }
0x142: {  	_ =	swait.ge [sflag:s15], $0x4000  }
0x143: {  	s18 =	sand.u32 $0x380, s31;
	s5 =	sand.u32 $0x7C00, s31;
	[sflag:s15] =	ssyncset.done $0x0  }
0x144: {  	s24 =	sadd.s32 s25, s5;
	s5 =	sadd.s32 s20, s5;
	[sflag:s15] =	ssyncadd.s32 $0xFFFFC000  }
0x145: {  	[spmem:s2] =	stream.indirect.scatter.add.f32 [tilespmem:s12], [sflag:$0x5], $0x80, s16, s9, $0xb8;
	[tilespmem:$0x1BB00] =	vst v63  }
0x146: {  	s24 =	sor.u32 s18, s24;
	s5 =	sor.u32 s18, s5;
	_ =	swait.ge [sflag:s7], $0x4000  }
0x147: {  	s18 =	sshrl.u32 s24, $0x3;
	s5 =	sshrl.u32 s5, $0x3;
	[sflag:s7] =	ssyncset.done $0x0  }
0x148: {  	s18 =	sadd.s32 s26, s18;
	s5 =	sadd.s32 s23, s5;
	[sflag:s7] =	ssyncadd.s32 $0xFFFFC000  }
0x149: {  	[tilespmem:s9], [sflag:$0x4] =	stream.linear.gather [hbm4b:s18+s4], $0x80, $0x38;
	[tilespmem:$0x1BB00] =	vst v63  }
0x14a: {  	s31 =	smov.u32 s3  }
0x14b: {  	[tilespmem:s16], [sflag:$0x4] =	stream.linear.gather [hbm4b:s5+s4], $0x80, $0x38;
	[tilespmem:$0x1BB00] =	vst v63  }
0x14c: {  	_ =	swait.ge [sflag:s11], $0x80  }
0x14d: {  	[sflag:s11] =	ssyncset.done $0x0  }
0x14e: {  	[sflag:s11] =	ssyncadd.s32 $0xFFFFFF80  }
.Ltmp1:
0x14f: {  	_ =	swait.ge [sflag:s11], $0x80;
	(pc) =	sbr.rel @p0 .LBB2_4-.Ltmp1, $4  }
0x150: {  	s5 =	sadd.s32 $0xFFFFFF80, s31;
	[sflag:s11] =	ssyncset.done $0x0  }
0x151: {  	s3 =	sand.u32 $0x7C00, s5;
	[sflag:s11] =	ssyncadd.s32 $0xFFFFFF80  }
0x152: {  	[tilespmem:s12], [sflag:$0x2] =	stream.indirect.gather [hbm4b:s1+s9], $0x80, s9, s9, $0xb8;
	[tilespmem:$0x1BB00] =	vst v63  }
0x153: {  	s18 =	sadd.s32 s25, s3;
	s24 =	sadd.s32 s20, s3;
	_ =	swait.ge [sflag:s13], $0x4000  }
0x154: {  	[sflag:s13] =	ssyncset.done $0x0  }
0x155: {  	s0 =	sand.u32 $0x300, s5;
	[sflag:s13] =	ssyncadd.s32 $0xFFFFC000  }
0x156: {  	[spmem:s2] =	stream.indirect.scatter.add.f32 [tilespmem:s10], [sflag:$0x5], $0x80, s8, s9, $0xb8;
	[tilespmem:$0x1BB00] =	vst v63  }
0x157: {  	s3 =	sor.u32 s0, s18;
	_ =	swait.ge [sflag:s7], $0x4000  }
0x158: {  	s0 =	sor.u32 s0, s24;
	s3 =	sshrl.u32 s3, $0x3;
	[sflag:s7] =	ssyncset.done $0x0  }
0x159: {  	s0 =	sshrl.u32 s0, $0x3;
	s3 =	sadd.s32 s26, s3;
	[sflag:s7] =	ssyncadd.s32 $0xFFFFC000  }
0x15a: {  	[tilespmem:s4], [sflag:$0x3] =	stream.linear.gather [hbm4b:s3+s4], $0x80, $0x38;
	[tilespmem:$0x1BB00] =	vst v63  }
0x15b: {  	s0 =	sadd.s32 s23, s0  }
0x15c: {  	[tilespmem:s8], [sflag:$0x3] =	stream.linear.gather [hbm4b:s0+s4], $0x80, $0x38;
	[tilespmem:$0x1BB00] =	vst v63  }
0x15d: {  	_ =	swait.ge [sflag:s14], $0x80  }
0x15e: {  	[sflag:s14] =	ssyncset.done $0x0  }
0x15f: {  	[sflag:s14] =	ssyncadd.s32 $0xFFFFFF80  }
0x160: {  	_ =	swait.ge [sflag:s14], $0x80  }
0x161: {  	[sflag:s14] =	ssyncset.done $0x0  }
0x162: {  	[sflag:s14] =	ssyncadd.s32 $0xFFFFFF80  }
0x163: {  	[tilespmem:s10], [sflag:$0x1] =	stream.indirect.gather [hbm4b:s1+s9], $0x80, s4, s9, $0xb8;
	[tilespmem:$0x1BB00] =	vst v63  }
0x164: {  	_ =	swait.ge [sflag:s15], $0x4000  }
0x165: {  	s3 =	sand.u32 $0x7C00, s31;
	[sflag:s15] =	ssyncset.done $0x0  }
0x166: {  	s18 =	sand.u32 $0x380, s31;
	s24 =	sadd.s32 s25, s3;
	[sflag:s15] =	ssyncadd.s32 $0xFFFFC000  }
0x167: {  	[spmem:s2] =	stream.indirect.scatter.add.f32 [tilespmem:s12], [sflag:$0x5], $0x80, s16, s9, $0xb8;
	[tilespmem:$0x1BB00] =	vst v63  }
0x168: {  	s5 =	sor.u32 s18, s24;
	s0 =	sadd.s32 s20, s3;
	_ =	swait.ge [sflag:s7], $0x4000  }
0x169: {  	s5 =	sshrl.u32 s5, $0x3;
	s0 =	sor.u32 s18, s0;
	[sflag:s7] =	ssyncset.done $0x0  }
0x16a: {  	s31 =	sadd.s32 s26, s5;
	s0 =	sshrl.u32 s0, $0x3;
	[sflag:s7] =	ssyncadd.s32 $0xFFFFC000  }
0x16b: {  	[tilespmem:s9], [sflag:$0x4] =	stream.linear.gather [hbm4b:s31+s4], $0x80, $0x38;
	[tilespmem:$0x1BB00] =	vst v63  }
0x16c: {  	s0 =	sadd.s32 s23, s0  }
0x16d: {  	[tilespmem:s16], [sflag:$0x4] =	stream.linear.gather [hbm4b:s0+s4], $0x80, $0x38;
	[tilespmem:$0x1BB00] =	vst v63  }
0x16e: {  	_ =	swait.ge [sflag:s11], $0x80  }
0x16f: {  	[sflag:s11] =	ssyncset.done $0x0  }
0x170: {  	[sflag:s11] =	ssyncadd.s32 $0xFFFFFF80  }
0x171: {  	_ =	swait.ge [sflag:s11], $0x80  }
0x172: {  	[sflag:s11] =	ssyncset.done $0x0  }
0x173: {  	[sflag:s11] =	ssyncadd.s32 $0xFFFFFF80  }
0x174: {  	[tilespmem:s12], [sflag:$0x2] =	stream.indirect.gather [hbm4b:s1+s9], $0x80, s9, s9, $0xb8;
	[tilespmem:$0x1BB00] =	vst v63  }
0x175: {  	_ =	swait.ge [sflag:s13], $0x4000  }
0x176: {  	[sflag:s13] =	ssyncset.done $0x0  }
0x177: {  	[sflag:s13] =	ssyncadd.s32 $0xFFFFC000  }
0x178: {  	[spmem:s2] =	stream.indirect.scatter.add.f32 [tilespmem:s10], [sflag:$0x5], $0x80, s8, s9, $0xb8;
	[tilespmem:$0x1BB00] =	vst v63  }
0x179: {  	_ =	swait.ge [sflag:s7], $0x4000  }
0x17a: {  	[sflag:s7] =	ssyncset.done $0x0  }
0x17b: {  	[sflag:s7] =	ssyncadd.s32 $0xFFFFC000  }
0x17c: {  	_ =	swait.ge [sflag:s15], $0x4000  }
0x17d: {  	[sflag:s15] =	ssyncset.done $0x0  }
0x17e: {  	[sflag:s15] =	ssyncadd.s32 $0xFFFFC000  }
0x17f: {  	[spmem:s2] =	stream.indirect.scatter.add.f32 [tilespmem:s12], [sflag:$0x5], $0x80, s16, s9, $0xb8;
	[tilespmem:$0x1BB00] =	vst v63  }
0x180: {  	_ =	swait.ge [sflag:s7], $0x4000  }
0x181: {  	[sflag:s7] =	ssyncset.done $0x0  }
0x182: {  	[sflag:s7] =	ssyncadd.s32 $0xFFFFC000  }
0x183: {  	[bflag:$0x0] =	sbarrier.arrive $0xFFFF  }
0x184: {  	s3 =	rddreg [dreg:$0xd]  }
0x185: {  	s5 =	rddreg [dreg:$0x1a]  }
0x186: {  	[hbm:s3], [sflag:s6] =	dma.local [spmem:s5], $0x800  }
0x187: {  	_ =	swait.ge [sflag:s7], $0x800  }
0x188: {  	[sflag:s7] =	ssyncset.done $0x0  }
0x189: {  	s18 =	rddreg [dreg:$0xe];
	[sflag:s7] =	ssyncadd.s32 $0xFFFFF800  }
0x18a: {  	[hbm:s18], [sflag:s6] =	dma.local [spmem:s19], $0x800  }
0x18b: {  	_ =	swait.ge [sflag:s7], $0x800  }
0x18c: {  	[sflag:s7] =	ssyncset.done $0x0  }
0x18d: {  	s19 =	rddreg [dreg:$0xf];
	[sflag:s7] =	ssyncadd.s32 $0xFFFFF800  }
0x18e: {  	[hbm:s19], [sflag:s6] =	dma.local [spmem:s21], $0x800  }
0x18f: {  	_ =	swait.ge [sflag:s7], $0x800  }
0x190: {  	[sflag:s7] =	ssyncset.done $0x0  }
0x191: {  	s24 =	rddreg [dreg:$0x10];
	[sflag:s7] =	ssyncadd.s32 $0xFFFFF800  }
0x192: {  	[hbm:s24], [sflag:s6] =	dma.local [spmem:s29], $0x800  }
0x193: {  	_ =	swait.ge [sflag:s7], $0x800  }
0x194: {  	[sflag:s7] =	ssyncset.done $0x0  }
0x195: {  	s29 =	rddreg [dreg:$0x11];
	[sflag:s7] =	ssyncadd.s32 $0xFFFFF800  }
0x196: {  	[hbm:s29], [sflag:s6] =	dma.local [spmem:s30], $0x720  }
0x197: {  	_ =	swait.ge [sflag:s7], $0x720  }
0x198: {  	s17 =	sadd.s32 $0x1, s17;
	s31 =	rddreg [dreg:$0x18]  }
0x199: {  	p0 =	sne.s32 s17, s31  }
.Ltmp2:
0x19a: {  	_ = 	snop;
	(pc) =	sbr.rel @p0 .LBB2_1-.Ltmp2, $3  }
0x19b: {  	[sflag:s7] =	ssyncset.done $0x0  }
0x19c: {  	[sflag:s7] =	ssyncadd.s32 $0xFFFFF8E0  }
0x19d: {  	[bflag:$0x0] =	sbarrier.arrive $0xFFFF;
	_ =	sdelay $0x1  }
0x19e: {  	_ =	sfence.sel $0x180000  }
0x19f: {  	[bflag:$0x0] =	sbarrier.arrive $0xFFFF  }
0x1a0: {  	_ =	strace $0x9000004A  }
0x1a1: {  	s0 =	stileid.u32;
	[bflag:$0x2] =	sbarrier.arrive $0xFFFF  }
0x1a2: {  	p0 =	sne.s32 s0, $0x0;
	s0 =	rddreg [dreg:$0x3]  }
0x1a3: {  	s0 =	sadd.s32 @!p0 $0x100000, s0  }
0x1a4: {  	[sflag:s0] =	ssyncadd.tile.s32 @!p0 $0x1;
	_ =	shalt  }
.Lfunc_end2:
_tile_overlayer_lowered:
.L_overlay_start_2:
0x1a5: {  	(tag) =	ssettag $0x2  }
0x1a6: {  	s0 =	rddreg [dreg:$0x0];
	s2 =	stileid.u32  }
0x1a7: {  	s1 =	rddreg [dreg:$0x1];
	p0 =	sne.s32 s2, $0x0  }
0x1a8: {  	s3 =	rddreg [dreg:$0x2];
	[bflag:$0x3] =	sbarrier.arrive $0xFFFF;
	s2 =	simm.s32 @!p0 $0x1C05  }
0x1a9: {  	[timem:s3], [sflag:s2] =	dma.local @!p0 [hbm:s0], s1  }
0x1aa: {  	s0 =	simm.s32 @!p0 $0x5  }
0x1ab: {  	_ =	swait.ge @!p0 [sflag:s0], s1  }
0x1ac: {  	s1 =	ssub.s32 @!p0 $0x0, s1;
	[sflag:s0] =	ssyncset.done @!p0 $0x0  }
0x1ad: {  	[sflag:s0] =	ssyncadd.s32 @!p0 s1  }
0x1ae: {  	[bflag:$0x3] =	sbarrier.arrive $0xFFFF  }
0x1af: {  	_ =	shalt  }

// kernel: kernel.9.cloned.1.call-start
scs
__scs_entry_jumppad:
0x0: {  	(pc) =	sbr.rel $0x88, $3  }
0x1: {  	(tag) =	ssettag $0x0;
	lr =	simm.s32 $0x1  }
0x2: {  	[smem:$0x3F98] =	sst lr;
	_ =	strace $0xD0000000  }
0x3: {  	_ = 	snop  }
0x4: {  	_ = 	snop  }
0x5: {  	_ = 	snop  }
0x6: {  	_ = 	snop  }
0x7: {  	_ = 	snop  }
__scs_overlays_trampoline_lowered:
0x8: {  	[smem:$0x3FA7] =	sst s0  }
0x9: {  	[smem:$0x3FA8] =	sst s1  }
0xa: {  	[smem:$0x3FA9] =	sst s2  }
0xb: {  	[smem:$0x3FAA] =	sst s3  }
0xc: {  	[smem:$0x3FAB] =	sst s4  }
0xd: {  	[smem:$0x3FAC] =	sst s5  }
0xe: {  	[smem:$0x3FAD] =	sst s6  }
0xf: {  	[smem:$0x3FAE] =	sst s7  }
0x10: {  	[smem:$0x3FAF] =	sst s8  }
0x11: {  	[smem:$0x3FB0] =	sst s9;
	s0 =	simm.s32 @!p0 $0x0  }
0x12: {  	s1 =	sld [smem:$0x3F96];
	s0 =	simm.s32 @p0 $0x1  }
0x13: {  	[smem:$0x3FB1] =	sst s0;
	s0 =	simm.s32 @!p1 $0x0  }
0x14: {  	s2 =	sld [smem:$0x3F95];
	s0 =	simm.s32 @p1 $0x1  }
0x15: {  	[smem:$0x3FB2] =	sst s0;
	s0 =	simm.s32 @!p2 $0x0  }
0x16: {  	s3 =	sld [smem:$0x3FDB];
	s0 =	simm.s32 @p2 $0x1  }
0x17: {  	s4 =	simm.s32 $0x1BF5;
	[smem:$0x3FB4] =	sst s0  }
0x18: {  	s0 =	sld [smem:$0x3F97];
	_ =	swait.ge [sflag:s4], $0x0  }
0x19: {  	s7 =	sld [smem:$0x3F98]  }
0x1a: {  	s8 =	sadd.s32 $0xFFFFE003, lr  }
0x1b: {  	s9 =	sadd.s32 $0xFFFFFEF7, lr;
	s5 =	simm.s32 $0xFFFFFFFF;
	p2 =	slt.u32 s8, $0xFFFFF086  }
0x1c: {  	p1 =	slt.u32 s9, $0xF7A;
	s5 =	simm.s32 @!p2 $0x0  }
0x1d: {  	s5 =	simm.s32 @p1 $0x1;
	p0 =	seq.s32 s7, s2  }
0x1e: {  	s7 =	smul.u32 @!p0 $0xF7A, s2;
	p2 =	seq.s32 @!p0 s5, $0x0  }
0x1f: {  	s9 =	smul.u32 $0xF7A, s1;
	s8 =	simm.s32 @!p0 $0x1BF5;
	p2 =	por !p2, p0  }
0x20: {  	[sflag:s8] =	ssyncset.s32 @!p0 $0xFFFFF086;
	s6 =	sadd.s32 @!p0 s3, s7;
	s7 =	simm.s32 @!p0 $0x108  }
0x21: {  	s3 =	sadd.s32 s3, s9;
	s6 =	sadd.s32 @!p0 $0x88, s6;
	s7 =	simm.s32 @p2 $0x1082  }
0x22: {  	[simem:s7], [sflag:s8] =	dma.local @!p0 [hbm:s6], $0xF7A  }
0x23: {  	s9 =	sor.u32 $0xD0000000, s2;
	s6 =	simm.s32 $0x108;
	_ =	swait.ge @!p0 [sflag:s8], $0x0  }
0x24: {  	s3 =	sadd.s32 $0x88, s3;
	s6 =	simm.s32 @!p1 $0x1082;
	[sflag:s4] =	ssyncset.s32 $0xFFFFF086  }
0x25: {  	[simem:s6], [sflag:s4] =	dma.local [hbm:s3], $0xF7A  }
0x26: {  	[smem:$0x3F98] =	sst s1;
	(tag) =	ssettag s2;
	_ =	strace s9  }
0x27: {  	s1 =	sld [smem:$0x3FA8]  }
0x28: {  	s2 =	sld [smem:$0x3FA9]  }
0x29: {  	s4 =	sld [smem:$0x3FAB]  }
0x2a: {  	p0 =	seq.s32 s5, $0x0;
	s5 =	sld [smem:$0x3FAC]  }
0x2b: {  	s6 =	sld [smem:$0x3FAD]  }
0x2c: {  	s7 =	sld [smem:$0x3FAE]  }
0x2d: {  	s3 =	simm.s32 $0x108;
	s8 =	sld [smem:$0x3FAF]  }
0x2e: {  	s3 =	simm.s32 @!p0 $0x1082;
	s9 =	sld [smem:$0x3FB0]  }
0x2f: {  	lr =	sadd.s32 s0, s3;
	s0 =	sld [smem:$0x3FA7]  }
0x30: {  	s3 =	sld [smem:$0x3FAA]  }
0x31: {  	[smem:$0x3FB3] =	sst s10  }
0x32: {  	s10 =	sld [smem:$0x3FB1];
	_ =	sdelay $0x3  }
0x33: {  	p0 =	seq.s32 s10, $0x1;
	s10 =	sld [smem:$0x3FB3];
	_ =	sdelay $0x3  }
0x34: {  	[smem:$0x3FB3] =	sst s10  }
0x35: {  	s10 =	sld [smem:$0x3FB2];
	_ =	sdelay $0x3  }
0x36: {  	p1 =	seq.s32 s10, $0x1;
	s10 =	sld [smem:$0x3FB3];
	_ =	sdelay $0x3  }
0x37: {  	[smem:$0x3FB3] =	sst s10  }
0x38: {  	s10 =	sld [smem:$0x3FB4]  }
0x39: {  	_ = 	snop;
	(pc) =	sbr.ind lr, $3  }
0x3a: {  	_ = 	snop  }
0x3b: {  	_ = 	snop  }
0x3c: {  	p2 =	seq.s32 s10, $0x1;
	s10 =	sld [smem:$0x3FB3]  }
0x3d: {  	_ =	shalt  }
0x3e: {  	_ =	shalt  }
0x3f: {  	_ =	shalt  }
0x40: {  	_ =	shalt  }
0x41: {  	_ =	shalt  }
0x42: {  	_ =	shalt  }
0x43: {  	_ =	shalt  }
0x44: {  	_ =	shalt  }
0x45: {  	_ =	shalt  }
0x46: {  	_ =	shalt  }
0x47: {  	_ =	shalt  }
0x48: {  	_ =	shalt  }
0x49: {  	_ =	shalt  }
0x4a: {  	_ =	shalt  }
0x4b: {  	_ =	shalt  }
0x4c: {  	_ =	shalt  }
0x4d: {  	_ =	shalt  }
0x4e: {  	_ =	shalt  }
0x4f: {  	_ =	shalt  }
0x50: {  	_ =	shalt  }
0x51: {  	_ =	shalt  }
0x52: {  	_ =	shalt  }
0x53: {  	_ =	shalt  }
0x54: {  	_ =	shalt  }
0x55: {  	_ =	shalt  }
0x56: {  	_ =	shalt  }
0x57: {  	_ =	shalt  }
0x58: {  	_ =	shalt  }
0x59: {  	_ =	shalt  }
0x5a: {  	_ =	shalt  }
0x5b: {  	_ =	shalt  }
0x5c: {  	_ =	shalt  }
0x5d: {  	_ =	shalt  }
0x5e: {  	_ =	shalt  }
0x5f: {  	_ =	shalt  }
0x60: {  	_ =	shalt  }
0x61: {  	_ =	shalt  }
0x62: {  	_ =	shalt  }
0x63: {  	_ =	shalt  }
0x64: {  	_ =	shalt  }
0x65: {  	_ =	shalt  }
0x66: {  	_ =	shalt  }
0x67: {  	_ =	shalt  }
0x68: {  	_ =	shalt  }
0x69: {  	_ =	shalt  }
0x6a: {  	_ =	shalt  }
0x6b: {  	_ =	shalt  }
0x6c: {  	_ =	shalt  }
0x6d: {  	_ =	shalt  }
0x6e: {  	_ =	shalt  }
0x6f: {  	_ =	shalt  }
0x70: {  	_ =	shalt  }
0x71: {  	_ =	shalt  }
0x72: {  	_ =	shalt  }
0x73: {  	_ =	shalt  }
0x74: {  	_ =	shalt  }
0x75: {  	_ =	shalt  }
0x76: {  	_ =	shalt  }
0x77: {  	_ =	shalt  }
0x78: {  	_ =	shalt  }
0x79: {  	_ =	shalt  }
0x7a: {  	_ =	shalt  }
0x7b: {  	_ =	shalt  }
0x7c: {  	_ =	shalt  }
0x7d: {  	_ =	shalt  }
0x7e: {  	_ =	shalt  }
0x7f: {  	_ =	shalt  }
0x80: {  	_ =	shalt  }
0x81: {  	_ =	shalt  }
0x82: {  	_ =	shalt  }
0x83: {  	_ =	shalt  }
0x84: {  	_ =	shalt  }
0x85: {  	_ =	shalt  }
0x86: {  	_ =	shalt  }
0x87: {  	_ =	shalt  }
.Lfunc_end0:
.L_simem_size_0:
called_computation_lowered:
.L_overlay_start_0:
0x88: {  	s2 =	sld [smem:$0x3FD9]  }
0x89: {  	s3 =	sld [smem:$0x3FFE];
	_ =	sdelay $0x1  }
0x8a: {  	s1 =	srdreg.scid  }
0x8b: {  	s0 =	sand.u32 $0x1, s1  }
0x8c: {  	s17 =	sshll.u32 s0, $0xA;
	s2 =	sadd.s32 s3, s2  }
0x8d: {  	s2 =	sadd.s32 s2, s17  }
0x8e: {  	[smem:$0x3FBF] =	sst s2  }
0x8f: {  	_ = 	snop  }
0x90: {  	s2 =	sld [smem:$0x3FD0];
	(tm) =	ssettm $0x1  }
0x91: {  	s18 =	sld [smem:$0x3FFB];
	_ =	sdelay $0x3  }
0x92: {  	_ =	strace s18  }
0x93: {  	s3 =	sld [smem:$0x3FFC];
	_ =	sdelay $0x3  }
0x94: {  	_ =	strace s3  }
0x95: {  	s3 =	sld [smem:$0x3FFD];
	_ =	sdelay $0x3  }
0x96: {  	_ =	strace s3  }
0x97: {  	_ =	strace $0x8FFFFFFF  }
0x98: {  	s19 =	sld [smem:$0x3FDB];
	_ =	sdelay $0x1  }
0x99: {  	s4 =	simm.s32 $_scs_section_size  }
0x9a: {  	s5 =	simm.s32 $_size__tile_overlayer_lowered;
	s6 =	simm.s32 $_tile_overlayer_lowered  }
0x9b: {  	s22 =	simm.s32 $0x1BFF;
	s21 =	sshll.u32 s6, $0x1;
	s3 =	sadd.s32 s4, s19  }
0x9c: {  	s7 =	simm.s32 $0x0;
	s20 =	sshll.u32 s5, $0x1;
	s5 =	sadd.s32 s21, s3  }
0x9d: {  	[timem:s7], [sflag:s22] =	dma.local [hbm:s5], s20  }
0x9e: {  	_ =	swait.ge [sflag:s22], s20  }
0x9f: {  	s4 =	ssub.s32 $0x0, s20;
	[sflag:s22] =	ssyncset.done $0x0  }
0xa0: {  	[sflag:s22] =	ssyncadd.s32 s4;
	_ =	sdelay $0x1  }
0xa1: {  	s23 =	simm.s32 $0x1B8B  }
0xa2: {  	_ =	swait.ge [sflag:s23], $0x1  }
0xa3: {  	[sflag:s23] =	ssyncset.done $0x0  }
0xa4: {  	s25 =	simm.s32 $0x1B8E;
	s24 =	sld [smem:$0x3FFE];
	[sflag:s23] =	ssyncadd.s32 $0xFFFFFFFF  }
0xa5: {  	s26 =	simm.s32 $execute0_lowered;
	[smem:$0x3FD2] =	sst s25  }
0xa6: {  	s5 =	sshll.u32 s26, $0x1;
	_ =	strace $0x80000046;
	[dreg:$0x1] =	wrdreg $0xFFFFFFFF  }
0xa7: {  	s28 =	simm.s32 $_size_execute0_lowered;
	s3 =	sadd.s32 s3, s5;
	[dreg:$0x0] =	wrdreg $0x0  }
0xa8: {  	s5 =	sshll.u32 s28, $0x1;
	[dreg:$0x2] =	wrdreg s3  }
0xa9: {  	[dreg:$0x3] =	wrdreg s5  }
0xaa: {  	[dreg:$0x4] =	wrdreg $0xC0  }
0xab: {  	_ =	task [dreg:s7], $0x5FFFF  }
0xac: {  	[dreg:$0x1] =	wrdreg $0xFFFFFFFF  }
0xad: {  	[dreg:$0x0] =	wrdreg $0x60  }
0xae: {  	[dreg:$0x2] =	wrdreg s24  }
0xaf: {  	[dreg:$0x3] =	wrdreg s2  }
0xb0: {  	[dreg:$0x4] =	wrdreg $0x102000  }
0xb1: {  	[dreg:$0x5] =	wrdreg $0x9  }
0xb2: {  	_ =	task.clear_ibuf [dreg:s7], $0x6FFFF;
	_ =	strace $0x90000046  }
0xb3: {  	s29 =	simm.s32 $0x9;
	_ =	strace $0x80000048  }
0xb4: {  	_ =	swait.ge [sflag:s29], $0x1  }
0xb5: {  	[sflag:s29] =	ssyncadd.s32 $0xFFFFFFFF  }
0xb6: {  	_ =	strace $0x90000048  }
0xb7: {  	_ =	sfence  }
0xb8: {  	s30 =	sld [smem:$0x0];
	_ =	sdelay $0x2  }
0xb9: {  	s31 =	sshll.u32 s1, $0xD;
	s1 =	sshrl.u32 s1, $0x2  }
0xba: {  	s3 =	sand.u32 $0x4000, s31;
	s1 =	sadd.s32 s1, s30  }
0xbb: {  	s0 =	sor.u32 s3, s0;
	s1 =	sshll.u32 s1, $0x11  }
0xbc: {  	s0 =	sor.u32 s1, s0  }
0xbd: {  	s0 =	sadd.s32 $0x8F2B, s0  }
0xbe: {  	[sflag:s0] =	ssyncadd.remote.s32 $0x1  }
0xbf: {  	_ =	sfence.sel $0xFFFF  }
0xc0: {  	[dreg:$0x0] =	wrdreg $0xFFFFFFFF;
	(pc) =	sbr.abs _section_cstart, $3  }
0xc1: {  	[dreg:$0x1] =	wrdreg $0xFFFFFFFF  }
0xc2: {  	_ =	task.clear_ibuf [dreg:s7], $0x2FFFF;
	_ =	strace $0x9FFFFFFF  }
0xc3: {  	(tm) =	ssettm $0x7FFFFFFF  }
tec
execute0_lowered:
.L_overlay_start_1:
0x0: {  	(tag) =	ssettag $0x1  }
0x1: {  	s0 =	rddreg [dreg:$0x0]  }
0x2: {  	s3 =	rddreg [dreg:$0x1]  }
0x3: {  	s1 =	rddreg [dreg:$0x2];
	s2 =	simm.s32 $0x0  }
0x4: {  	s4 =	srdreg.scid;
	s11 =	stileid.u32;
	s18 =	simm.s32 $0x5  }
0x5: {  	s19 =	simm.s32 $0x100;
	s20 =	simm.s32 $0x80;
	s21 =	simm.s32 $0x200  }
0x6: {  	s22 =	simm.s32 $0x4;
	s23 =	simm.s32 $0x8200;
	s24 =	simm.s32 $0x1  }
0x7: {  	s28 =	simm.s32 $0x180;
	s29 =	simm.s32 $0x0;
	[smem:$0x7FF] =	sst s2  }
0x8: {  	s8 =	sand.u32 $0x1, s4;
	s4 =	sadd.s32 $0x2800, s0;
	s12 =	smul.u32 $0x7E00, s11  }
0x9: {  	s5 =	sadd.s32 $0xA8C00, s0;
	s9 =	smul.u32 $0x2800, s11;
	s26 =	sshll.u32 s11, $0x6  }
0xa: {  	_ =	strace $0x80000047;
	s6 =	sshll.u32 s8, $0x4;
	s10 =	ssub.s32 $0x2, s8  }
0xb: {  	s8 =	smul.u32 $0x7E000, s8;
	s7 =	sor.u32 s11, s6;
	s6 =	sadd.s32 $0x9EC00, s0  }
0xc: {  	s0 =	sadd.s32 $0xB2C00, s0;
	s25 =	sshrl.u32 s10, $0x1;
	s13 =	sadd.s32 s12, s1  }
0xd: {  	s14 =	sshrl.u32 s9, $0x3;
	s7 =	smul.u32 $0x2800, s7;
	[dreg:$0x4] =	wrdreg s0  }
0xe: {  	s0 =	ssub.s32 s10, s25;
	s10 =	sor.u32 $0x1C05, s26;
	s8 =	sadd.s32 s12, s8  }
0xf: {  	s12 =	sadd.s32 s6, s14;
	s17 =	sshrl.u32 s13, $0x3;
	s30 =	sshrl.u32 s7, $0x3  }
0x10: {  	s25 =	simm.s32 $0x3;
	s26 =	simm.s32 $0x2;
	s11 =	sadd.s32 s5, s30  }
0x11: {  	s8 =	sshrl.u32 s8, $0x3;
	s14 =	sadd.s32 $0x10, s12;
	s31 =	sadd.s32 $0x10, s11  }
0x12: {  	s16 =	smax.u32 s0, $0x1;
	s15 =	sadd.s32 s3, s8;
	[dreg:$0x5] =	wrdreg s31  }
.LBB2_1:
0x13: {  	s0 =	rddreg [dreg:$0x4]  }
0x14: {  	[spmem:s17], [sflag:s10] =	dma.local [hbm:s0], $0xFC0  }
0x15: {  	_ =	swait.ge [sflag:s18], $0xFC0  }
0x16: {  	[sflag:s18] =	ssyncset.done $0x0  }
0x17: {  	[sflag:s18] =	ssyncadd.s32 $0xFFFFF040  }
0x18: {  	[bflag:$0x0] =	sbarrier.arrive $0xFFFF  }
0x19: {  	[tilespmem:s2], [sflag:$0x5] =	stream.linear.gather [hbm4b:s11+s2], $0x80, $0x38;
	[tilespmem:$0x18000] =	vst v63  }
0x1a: {  	_ =	swait.ge [sflag:s18], $0x80  }
0x1b: {  	[sflag:s18] =	ssyncset.done $0x0  }
0x1c: {  	[sflag:s18] =	ssyncadd.s32 $0xFFFFFF80  }
0x1d: {  	[tilespmem:s19], [sflag:$0x5] =	stream.linear.gather [hbm4b:s12+s2], $0x80, $0x38;
	[tilespmem:$0x18000] =	vst v63  }
0x1e: {  	_ =	swait.ge [sflag:s18], $0x80  }
0x1f: {  	[sflag:s18] =	ssyncset.done $0x0  }
0x20: {  	[sflag:s18] =	ssyncadd.s32 $0xFFFFFF80  }
0x21: {  	[tilespmem:s21], [sflag:$0x1] =	stream.indirect.gather [hbm4b:s4+s20], $0x100, s2, s20, $0xb8;
	[tilespmem:$0x18000] =	vst v63  }
0x22: {  	s8 =	rddreg [dreg:$0x5]  }
0x23: {  	[tilespmem:s20], [sflag:$0x4] =	stream.linear.gather [hbm4b:s8+s2], $0x80, $0x38;
	[tilespmem:$0x18000] =	vst v63  }
0x24: {  	_ = 	snop  }
0x25: {  	[tilespmem:s28], [sflag:$0x4] =	stream.linear.gather [hbm4b:s14+s2], $0x80, $0x38;
	[tilespmem:$0x18000] =	vst v63  }
0x26: {  	_ =	swait.ge [sflag:s22], $0x80  }
0x27: {  	[sflag:s22] =	ssyncset.done $0x0  }
0x28: {  	[sflag:s22] =	ssyncadd.s32 $0xFFFFFF80  }
0x29: {  	_ =	swait.ge [sflag:s22], $0x80  }
0x2a: {  	[sflag:s22] =	ssyncset.done $0x0  }
0x2b: {  	[sflag:s22] =	ssyncadd.s32 $0xFFFFFF80  }
0x2c: {  	[tilespmem:s23], [sflag:$0x2] =	stream.indirect.gather [hbm4b:s4+s20], $0x100, s20, s20, $0xb8;
	[tilespmem:$0x18000] =	vst v63  }
0x2d: {  	s13 =	simm.s32 $0x100;
	_ =	swait.ge [sflag:s24], $0x8000  }
0x2e: {  	s3 =	sand.u32 $0x7C00, s13;
	[sflag:s24] =	ssyncset.done $0x0  }
0x2f: {  	s0 =	sand.u32 $0x300, s13;
	s8 =	sadd.s32 s7, s3;
	[sflag:s24] =	ssyncadd.s32 $0xFFFF8000  }
0x30: {  	[spmem:s1] =	stream.indirect.scatter.add.f32 [tilespmem:s21], [sflag:$0x5], $0x100, s19, s20, $0xb8;
	[tilespmem:$0x18000] =	vst v63  }
0x31: {  	s3 =	sadd.s32 s9, s3;
	s8 =	sor.u32 s0, s8;
	_ =	swait.ge [sflag:s18], $0x8000  }
0x32: {  	s0 =	sor.u32 s0, s3;
	s8 =	sshrl.u32 s8, $0x3;
	[sflag:s18] =	ssyncset.done $0x0  }
0x33: {  	s0 =	sshrl.u32 s0, $0x3;
	s8 =	sadd.s32 s5, s8;
	[sflag:s18] =	ssyncadd.s32 $0xFFFF8000  }
0x34: {  	[tilespmem:s2], [sflag:$0x3] =	stream.linear.gather [hbm4b:s8+s2], $0x80, $0x38;
	[tilespmem:$0x18000] =	vst v63  }
0x35: {  	s0 =	sadd.s32 s6, s0  }
0x36: {  	[tilespmem:s19], [sflag:$0x3] =	stream.linear.gather [hbm4b:s0+s2], $0x80, $0x38;
	[tilespmem:$0x18000] =	vst v63  }
0x37: {  	_ =	swait.ge [sflag:s25], $0x80  }
0x38: {  	[sflag:s25] =	ssyncset.done $0x0  }
0x39: {  	[sflag:s25] =	ssyncadd.s32 $0xFFFFFF80  }
0x3a: {  	_ =	swait.ge [sflag:s25], $0x80  }
0x3b: {  	[sflag:s25] =	ssyncset.done $0x0  }
0x3c: {  	[sflag:s25] =	ssyncadd.s32 $0xFFFFFF80  }
0x3d: {  	[tilespmem:s21], [sflag:$0x1] =	stream.indirect.gather [hbm4b:s4+s20], $0x100, s2, s20, $0xb8;
	[tilespmem:$0x18000] =	vst v63  }
0x3e: {  	_ =	swait.ge [sflag:s26], $0x8000  }
0x3f: {  	s8 =	sand.u32 $0x7C00, s28;
	[sflag:s26] =	ssyncset.done $0x0  }
0x40: {  	s3 =	sand.u32 $0x380, s28;
	s13 =	sadd.s32 s7, s8;
	[sflag:s26] =	ssyncadd.s32 $0xFFFF8000  }
0x41: {  	[spmem:s1] =	stream.indirect.scatter.add.f32 [tilespmem:s23], [sflag:$0x5], $0x100, s28, s20, $0xb8;
	[tilespmem:$0x18000] =	vst v63  }
0x42: {  	s0 =	sadd.s32 s9, s8;
	s8 =	sor.u32 s3, s13;
	_ =	swait.ge [sflag:s18], $0x8000  }
0x43: {  	s0 =	sor.u32 s3, s0;
	s13 =	sshrl.u32 s8, $0x3;
	[sflag:s18] =	ssyncset.done $0x0  }
0x44: {  	s0 =	sshrl.u32 s0, $0x3;
	s3 =	sadd.s32 s5, s13;
	[sflag:s18] =	ssyncadd.s32 $0xFFFF8000  }
0x45: {  	[tilespmem:s20], [sflag:$0x4] =	stream.linear.gather [hbm4b:s3+s2], $0x80, $0x38;
	[tilespmem:$0x18000] =	vst v63  }
0x46: {  	s0 =	sadd.s32 s6, s0  }
0x47: {  	[tilespmem:s28], [sflag:$0x4] =	stream.linear.gather [hbm4b:s0+s2], $0x80, $0x38;
	[tilespmem:$0x18000] =	vst v63  }
0x48: {  	_ =	swait.ge [sflag:s22], $0x80  }
0x49: {  	[sflag:s22] =	ssyncset.done $0x0  }
0x4a: {  	[sflag:s22] =	ssyncadd.s32 $0xFFFFFF80  }
0x4b: {  	_ =	swait.ge [sflag:s22], $0x80  }
0x4c: {  	s30 =	simm.s32 $0x280;
	s8 =	simm.s32 $0x200;
	[sflag:s22] =	ssyncset.done $0x0  }
0x4d: {  	s31 =	simm.s32 $0x380;
	s3 =	sand.u32 $0x7C00, s8;
	[sflag:s22] =	ssyncadd.s32 $0xFFFFFF80  }
0x4e: {  	[tilespmem:s23], [sflag:$0x2] =	stream.indirect.gather [hbm4b:s4+s20], $0x100, s20, s20, $0xb8;
	[tilespmem:$0x18000] =	vst v63  }
0x4f: {  	s13 =	sadd.s32 s7, s3;
	s3 =	sadd.s32 s9, s3;
	_ =	swait.ge [sflag:s24], $0x8000  }
.LBB2_2:
0x50: {  	p0 =	sne.s32 s31, $0x2780  }
0x51: {  	[sflag:s24] =	ssyncset.done $0x0;
	s0 =	smov.u32 s31;
	s31 =	sadd.s32 $0x100, s31  }
0x52: {  	s8 =	sand.u32 $0x300, s8;
	[sflag:s24] =	ssyncadd.s32 $0xFFFF8000  }
0x53: {  	[spmem:s1] =	stream.indirect.scatter.add.f32 [tilespmem:s21], [sflag:$0x5], $0x100, s19, s20, $0xb8;
	[tilespmem:$0x18000] =	vst v63  }
0x54: {  	s13 =	sor.u32 s8, s13;
	_ =	swait.ge [sflag:s18], $0x8000  }
0x55: {  	s13 =	sshrl.u32 s13, $0x3;
	[sflag:s18] =	ssyncset.done $0x0  }
0x56: {  	s3 =	sor.u32 s8, s3;
	s13 =	sadd.s32 s5, s13;
	[sflag:s18] =	ssyncadd.s32 $0xFFFF8000  }
0x57: {  	[tilespmem:s2], [sflag:$0x3] =	stream.linear.gather [hbm4b:s13+s2], $0x80, $0x38;
	[tilespmem:$0x18000] =	vst v63  }
0x58: {  	s3 =	sshrl.u32 s3, $0x3  }
0x59: {  	s3 =	sadd.s32 s6, s3  }
0x5a: {  	[tilespmem:s19], [sflag:$0x3] =	stream.linear.gather [hbm4b:s3+s2], $0x80, $0x38;
	[tilespmem:$0x18000] =	vst v63  }
0x5b: {  	_ =	swait.ge [sflag:s25], $0x80  }
0x5c: {  	[sflag:s25] =	ssyncset.done $0x0  }
0x5d: {  	[sflag:s25] =	ssyncadd.s32 $0xFFFFFF80  }
0x5e: {  	_ =	swait.ge [sflag:s25], $0x80  }
0x5f: {  	[sflag:s25] =	ssyncset.done $0x0  }
0x60: {  	[sflag:s25] =	ssyncadd.s32 $0xFFFFFF80  }
0x61: {  	[tilespmem:s21], [sflag:$0x1] =	stream.indirect.gather [hbm4b:s4+s20], $0x100, s2, s20, $0xb8;
	[tilespmem:$0x18000] =	vst v63  }
0x62: {  	_ =	swait.ge [sflag:s26], $0x8000  }
0x63: {  	s8 =	sand.u32 $0x380, s30;
	s3 =	sand.u32 $0x7C00, s30;
	[sflag:s26] =	ssyncset.done $0x0  }
0x64: {  	s13 =	sadd.s32 s7, s3;
	s3 =	sadd.s32 s9, s3;
	[sflag:s26] =	ssyncadd.s32 $0xFFFF8000  }
0x65: {  	[spmem:s1] =	stream.indirect.scatter.add.f32 [tilespmem:s23], [sflag:$0x5], $0x100, s28, s20, $0xb8;
	[tilespmem:$0x18000] =	vst v63  }
0x66: {  	s13 =	sor.u32 s8, s13;
	s3 =	sor.u32 s8, s3;
	_ =	swait.ge [sflag:s18], $0x8000  }
0x67: {  	s8 =	sshrl.u32 s13, $0x3;
	s3 =	sshrl.u32 s3, $0x3;
	[sflag:s18] =	ssyncset.done $0x0  }
0x68: {  	s8 =	sadd.s32 s5, s8;
	s3 =	sadd.s32 s6, s3;
	[sflag:s18] =	ssyncadd.s32 $0xFFFF8000  }
0x69: {  	[tilespmem:s20], [sflag:$0x4] =	stream.linear.gather [hbm4b:s8+s2], $0x80, $0x38;
	[tilespmem:$0x18000] =	vst v63  }
0x6a: {  	s30 =	smov.u32 s0  }
0x6b: {  	[tilespmem:s28], [sflag:$0x4] =	stream.linear.gather [hbm4b:s3+s2], $0x80, $0x38;
	[tilespmem:$0x18000] =	vst v63  }
0x6c: {  	_ =	swait.ge [sflag:s22], $0x80  }
0x6d: {  	[sflag:s22] =	ssyncset.done $0x0  }
0x6e: {  	[sflag:s22] =	ssyncadd.s32 $0xFFFFFF80  }
.Ltmp0:
0x6f: {  	_ =	swait.ge [sflag:s22], $0x80;
	(pc) =	sbr.rel @p0 .LBB2_2-.Ltmp0, $4  }
0x70: {  	s8 =	sadd.s32 $0xFFFFFF80, s30;
	[sflag:s22] =	ssyncset.done $0x0  }
0x71: {  	s0 =	sand.u32 $0x7C00, s8;
	[sflag:s22] =	ssyncadd.s32 $0xFFFFFF80  }
0x72: {  	[tilespmem:s23], [sflag:$0x2] =	stream.indirect.gather [hbm4b:s4+s20], $0x100, s20, s20, $0xb8;
	[tilespmem:$0x18000] =	vst v63  }
0x73: {  	s13 =	sadd.s32 s7, s0;
	s3 =	sadd.s32 s9, s0;
	_ =	swait.ge [sflag:s24], $0x8000  }
0x74: {  	[sflag:s24] =	ssyncset.done $0x0  }
0x75: {  	s0 =	sand.u32 $0x300, s8;
	[sflag:s24] =	ssyncadd.s32 $0xFFFF8000  }
0x76: {  	[spmem:s1] =	stream.indirect.scatter.add.f32 [tilespmem:s21], [sflag:$0x5], $0x100, s19, s20, $0xb8;
	[tilespmem:$0x18000] =	vst v63  }
0x77: {  	s8 =	sor.u32 s0, s13;
	_ =	swait.ge [sflag:s18], $0x8000  }
0x78: {  	s0 =	sor.u32 s0, s3;
	s8 =	sshrl.u32 s8, $0x3;
	[sflag:s18] =	ssyncset.done $0x0  }
0x79: {  	s0 =	sshrl.u32 s0, $0x3;
	s8 =	sadd.s32 s5, s8;
	[sflag:s18] =	ssyncadd.s32 $0xFFFF8000  }
0x7a: {  	[tilespmem:s2], [sflag:$0x3] =	stream.linear.gather [hbm4b:s8+s2], $0x80, $0x38;
	[tilespmem:$0x18000] =	vst v63  }
0x7b: {  	s0 =	sadd.s32 s6, s0  }
0x7c: {  	[tilespmem:s19], [sflag:$0x3] =	stream.linear.gather [hbm4b:s0+s2], $0x80, $0x38;
	[tilespmem:$0x18000] =	vst v63  }
0x7d: {  	_ =	swait.ge [sflag:s25], $0x80  }
0x7e: {  	[sflag:s25] =	ssyncset.done $0x0  }
0x7f: {  	[sflag:s25] =	ssyncadd.s32 $0xFFFFFF80  }
0x80: {  	_ =	swait.ge [sflag:s25], $0x80  }
0x81: {  	[sflag:s25] =	ssyncset.done $0x0  }
0x82: {  	[sflag:s25] =	ssyncadd.s32 $0xFFFFFF80  }
0x83: {  	[tilespmem:s21], [sflag:$0x1] =	stream.indirect.gather [hbm4b:s4+s20], $0x100, s2, s20, $0xb8;
	[tilespmem:$0x18000] =	vst v63  }
0x84: {  	_ =	swait.ge [sflag:s26], $0x8000  }
0x85: {  	s8 =	sand.u32 $0x7C00, s30;
	[sflag:s26] =	ssyncset.done $0x0  }
0x86: {  	s13 =	sand.u32 $0x380, s30;
	s30 =	sadd.s32 s7, s8;
	[sflag:s26] =	ssyncadd.s32 $0xFFFF8000  }
0x87: {  	[spmem:s1] =	stream.indirect.scatter.add.f32 [tilespmem:s23], [sflag:$0x5], $0x100, s28, s20, $0xb8;
	[tilespmem:$0x18000] =	vst v63  }
0x88: {  	s0 =	sadd.s32 s9, s8;
	s8 =	sor.u32 s13, s30;
	_ =	swait.ge [sflag:s18], $0x8000  }
0x89: {  	s0 =	sor.u32 s13, s0;
	s31 =	sshrl.u32 s8, $0x3;
	[sflag:s18] =	ssyncset.done $0x0  }
0x8a: {  	s0 =	sshrl.u32 s0, $0x3;
	s3 =	sadd.s32 s5, s31;
	[sflag:s18] =	ssyncadd.s32 $0xFFFF8000  }
0x8b: {  	[tilespmem:s20], [sflag:$0x4] =	stream.linear.gather [hbm4b:s3+s2], $0x80, $0x38;
	[tilespmem:$0x18000] =	vst v63  }
0x8c: {  	s0 =	sadd.s32 s6, s0  }
0x8d: {  	[tilespmem:s28], [sflag:$0x4] =	stream.linear.gather [hbm4b:s0+s2], $0x80, $0x38;
	[tilespmem:$0x18000] =	vst v63  }
0x8e: {  	_ =	swait.ge [sflag:s22], $0x80  }
0x8f: {  	[sflag:s22] =	ssyncset.done $0x0  }
0x90: {  	[sflag:s22] =	ssyncadd.s32 $0xFFFFFF80  }
0x91: {  	_ =	swait.ge [sflag:s22], $0x80  }
0x92: {  	[sflag:s22] =	ssyncset.done $0x0  }
0x93: {  	[sflag:s22] =	ssyncadd.s32 $0xFFFFFF80  }
0x94: {  	[tilespmem:s23], [sflag:$0x2] =	stream.indirect.gather [hbm4b:s4+s20], $0x100, s20, s20, $0xb8;
	[tilespmem:$0x18000] =	vst v63  }
0x95: {  	_ =	swait.ge [sflag:s24], $0x8000  }
0x96: {  	[sflag:s24] =	ssyncset.done $0x0  }
0x97: {  	[sflag:s24] =	ssyncadd.s32 $0xFFFF8000  }
0x98: {  	[spmem:s1] =	stream.indirect.scatter.add.f32 [tilespmem:s21], [sflag:$0x5], $0x100, s19, s20, $0xb8;
	[tilespmem:$0x18000] =	vst v63  }
0x99: {  	_ =	swait.ge [sflag:s18], $0x8000  }
0x9a: {  	[sflag:s18] =	ssyncset.done $0x0  }
0x9b: {  	[sflag:s18] =	ssyncadd.s32 $0xFFFF8000  }
0x9c: {  	_ =	swait.ge [sflag:s26], $0x8000  }
0x9d: {  	[sflag:s26] =	ssyncset.done $0x0  }
0x9e: {  	[sflag:s26] =	ssyncadd.s32 $0xFFFF8000  }
0x9f: {  	[spmem:s1] =	stream.indirect.scatter.add.f32 [tilespmem:s23], [sflag:$0x5], $0x100, s28, s20, $0xb8;
	[tilespmem:$0x18000] =	vst v63  }
0xa0: {  	_ =	swait.ge [sflag:s18], $0x8000  }
0xa1: {  	[sflag:s18] =	ssyncset.done $0x0  }
0xa2: {  	s29 =	sadd.s32 $0x1, s29;
	[sflag:s18] =	ssyncadd.s32 $0xFFFF8000  }
0xa3: {  	p0 =	sne.s32 s29, s16;
	[bflag:$0x0] =	sbarrier.arrive $0xFFFF  }
0xa4: {  	[hbm:s15], [sflag:s10] =	dma.local [spmem:s17], $0xFC0  }
.Ltmp1:
0xa5: {  	_ =	swait.ge [sflag:s18], $0xFC0;
	(pc) =	sbr.rel @p0 .LBB2_1-.Ltmp1, $3  }
0xa6: {  	[sflag:s18] =	ssyncset.done $0x0  }
0xa7: {  	[sflag:s18] =	ssyncadd.s32 $0xFFFFF040  }
0xa8: {  	[bflag:$0x0] =	sbarrier.arrive $0xFFFF;
	_ =	sdelay $0x1  }
0xa9: {  	_ =	sfence.sel $0x180000  }
0xaa: {  	[bflag:$0x0] =	sbarrier.arrive $0xFFFF  }
0xab: {  	_ =	strace $0x90000047  }
0xac: {  	s0 =	stileid.u32;
	[bflag:$0x2] =	sbarrier.arrive $0xFFFF  }
0xad: {  	p0 =	sne.s32 s0, $0x0;
	s0 =	rddreg [dreg:$0x3]  }
0xae: {  	s0 =	sadd.s32 @!p0 $0x100000, s0  }
0xaf: {  	[sflag:s0] =	ssyncadd.tile.s32 @!p0 $0x1;
	_ =	shalt  }
.Lfunc_end2:
_tile_overlayer_lowered:
.L_overlay_start_2:
0xb0: {  	(tag) =	ssettag $0x2  }
0xb1: {  	s0 =	rddreg [dreg:$0x0];
	s2 =	stileid.u32  }
0xb2: {  	s1 =	rddreg [dreg:$0x1];
	p0 =	sne.s32 s2, $0x0  }
0xb3: {  	s3 =	rddreg [dreg:$0x2];
	[bflag:$0x3] =	sbarrier.arrive $0xFFFF;
	s2 =	simm.s32 @!p0 $0x1C05  }
0xb4: {  	[timem:s3], [sflag:s2] =	dma.local @!p0 [hbm:s0], s1  }
0xb5: {  	s0 =	simm.s32 @!p0 $0x5  }
0xb6: {  	_ =	swait.ge @!p0 [sflag:s0], s1  }
0xb7: {  	s1 =	ssub.s32 @!p0 $0x0, s1;
	[sflag:s0] =	ssyncset.done @!p0 $0x0  }
0xb8: {  	[sflag:s0] =	ssyncadd.s32 @!p0 s1  }
0xb9: {  	[bflag:$0x3] =	sbarrier.arrive $0xFFFF  }
0xba: {  	_ =	shalt  }

</sc_bundles>
